<compile_context>
chip_gen: v7x
topology: tpu7x:2x2x1
jax: 0.10.2.dev20260603
libtpu: 0.0.44.dev20260713+nightly
codegen_flags: <defaults>
</compile_context>

<pallas_src>
import functools

import jax
import jax.numpy as jnp
from jax import lax
from jax.experimental import pallas as pl
from jax.experimental.pallas import tpu as pltpu
from jax.experimental.pallas import tpu_sc as plsc

B, HW, K, DIN, DOUT = 4, 4096, 16, 2048, 2048
NC, NS, L = 2, 16, 16
NW = NC * NS
SEG = (B * HW) // NW
CH = 16
NCH = SEG // CH
WPB = NW // B


def _mm_body(c_ref, w_ref, y_ref):
    y_ref[...] = lax.dot_general(
        c_ref[...], w_ref[...],
        dimension_numbers=(((1,), (1,)), ((), ())),
        preferred_element_type=jnp.float32,
    )


def _codes_matmul(codes_flat, W):
    n_blk = 4
    return pl.pallas_call(
        _mm_body,
        grid=(n_blk,),
        in_specs=[
            pl.BlockSpec((B * K, DIN), lambda j: (0, 0)),
            pl.BlockSpec((DOUT // n_blk, DIN), lambda j: (j, 0)),
        ],
        out_specs=pl.BlockSpec((B * K, DOUT // n_blk), lambda j: (0, j)),
        out_shape=jax.ShapeDtypeStruct((B * K, DOUT), jnp.float32),
    )(codes_flat, W)


def _sc_body(y_hbm, masks_hbm, aux_hbm, out_hbm,
             m_l, y_l, aux_l, stage0, stage1, sem0, sem1):
    wid = lax.axis_index("s") * NC + lax.axis_index("c")
    b_idx = wid // WPB
    n0 = (wid % WPB) * SEG

    cp_y = pltpu.async_copy(y_hbm.at[pl.ds(b_idx * K, K)], y_l, sem0)
    cp_m = pltpu.async_copy(masks_hbm.at[b_idx, :, pl.ds(n0, SEG)], m_l, sem1)
    pltpu.sync_copy(aux_hbm, aux_l)
    cp_y.wait()
    cp_m.wait()
    bfc_l = aux_l.at[pl.ds(0, DOUT)]
    scale = aux_l[pl.ds(DOUT, L)][0]
    bias = aux_l[pl.ds(DOUT + L, L)][0]

    def compute_chunk(c, stage):
        t0 = c * CH
        m = m_l[0, pl.ds(t0, CH)]
        a = jnp.zeros((CH,), jnp.int32)
        for kk in range(1, K):
            x = m_l[kk, pl.ds(t0, CH)]
            upd = x > m
            a = jnp.where(upd, kk, a)
            m = jnp.where(upd, x, m)
        g = 1.0 / (1.0 + jnp.exp(-(scale * m + bias)))
        a_ts = [a[t] for t in range(CH)]
        g_vs = [jnp.full((L,), g[t]) for t in range(CH)]

        @plsc.parallel_loop(0, DOUT, step=L, unroll=8)
        def i_body(o):
            bias_vec = bfc_l[pl.ds(o, L)]
            for t in range(CH):
                stage[t, pl.ds(o, L)] = g_vs[t] * y_l[a_ts[t], pl.ds(o, L)] + bias_vec

    def out_slice(c):
        return out_hbm.at[b_idx, pl.ds(n0 + c * CH, CH)]

    def pair_body(p, _):
        @pl.when(p > 0)
        def _w0():
            pltpu.make_async_copy(stage0, out_slice(0), sem0).wait()
        compute_chunk(2 * p, stage0)
        pltpu.async_copy(stage0, out_slice(2 * p), sem0)

        @pl.when(p > 0)
        def _w1():
            pltpu.make_async_copy(stage1, out_slice(0), sem1).wait()
        compute_chunk(2 * p + 1, stage1)
        pltpu.async_copy(stage1, out_slice(2 * p + 1), sem1)
        return 0

    lax.fori_loop(0, NCH // 2, pair_body, 0)
    pltpu.make_async_copy(stage0, out_slice(0), sem0).wait()
    pltpu.make_async_copy(stage1, out_slice(0), sem1).wait()


@functools.lru_cache(maxsize=1)
def _make_sc_dispatch():
  return functools.partial(
    pl.kernel,
    out_type=jax.ShapeDtypeStruct((B, HW, DOUT), jnp.float32),
    mesh=plsc.VectorSubcoreMesh(
        core_axis_name="c", subcore_axis_name="s",
        num_cores=NC, num_subcores=NS),
    scratch_types=[
        pltpu.VMEM((K, SEG), jnp.float32),
        pltpu.VMEM((K, DOUT), jnp.float32),
        pltpu.VMEM((DOUT + 2 * L,), jnp.float32),
        pltpu.VMEM((CH, DOUT), jnp.float32),
        pltpu.VMEM((CH, DOUT), jnp.float32),
        pltpu.SemaphoreType.DMA,
        pltpu.SemaphoreType.DMA,
    ],
  )(_sc_body)


def kernel(inputs, codes, masks, W, b_fc, scale, bias):
    del inputs
    y = _codes_matmul(codes.reshape(B * K, DIN), W)
    aux = jnp.concatenate([
        b_fc.astype(jnp.float32),
        jnp.broadcast_to(scale.astype(jnp.float32), (L,)),
        jnp.broadcast_to(bias.astype(jnp.float32), (L,)),
    ])
    return _make_sc_dispatch()(y, masks, aux)

# --- scband reference (transcript-rebuilt; emitter-appended) ---
"""Pipeline reference for scband-masked-dispatch-58076547776885 (READ-ONLY COPY).

The authoritative reference and input builder live on the scoring server;
editing this copy changes nothing except your own understanding.
"""

import jax, jax.numpy as jnp
import numpy as np


def setup_inputs(seed: int = 0) -> dict:
    key = jax.random.key(seed)
    ks = jax.random.split(key, 8)
    b, hw, k, d_in, d_out = 4, 4096, 16, 2048, 2048
    inputs = jax.random.normal(ks[0], (b, hw, d_in), dtype=jnp.float32)
    codes = jax.random.normal(ks[1], (b, k, d_in), dtype=jnp.float32)
    masks = jax.random.normal(ks[2], (b, k, hw), dtype=jnp.float32)
    # nn.Linear(in_dim, out_dim): W [out, in], bias [out]
    bound = 1.0 / np.sqrt(d_in)
    W = jax.random.uniform(ks[3], (d_out, d_in), dtype=jnp.float32, minval=-bound, maxval=bound)
    b_fc = jax.random.uniform(ks[4], (d_out,), dtype=jnp.float32, minval=-bound, maxval=bound)
    scale = jnp.ones((1,), dtype=jnp.float32)
    bias = jnp.zeros((1,), dtype=jnp.float32)
    return {"inputs": inputs, "codes": codes, "masks": masks, "W": W, "b_fc": b_fc, "scale": scale, "bias": bias}


def reference(inputs, codes, masks, W, b_fc, scale, bias):
    # detach_mask=True: masks treated as constant (no effect in fwd)
    # hard dispatch path (soft_dispatch=False, scale_after_fc=False)
    assignment = jnp.argmax(masks, axis=1)  # [b, hw]
    # gather codes: [b, k, d] -> [b, hw, d]
    codes_g = jnp.take_along_axis(codes, assignment[:, :, None], axis=1)
    # gather sim_to_code: [b, k, hw] -> [b, hw]
    sim = jnp.take_along_axis(masks, assignment[:, None, :], axis=1)[:, 0, :]
    sim = jax.nn.sigmoid(scale * sim + bias)  # scale, bias shape [1] broadcast
    x = sim[:, :, None] * codes_g  # einsum 'b n, b n d -> b n d'
    ret = jnp.einsum('bnd,od->bno', x, W) + b_fc  # nn.Linear
    return ret

if __name__ == "__main__":
    import jax
    _d = setup_inputs()
    print(jax.jit(kernel)(*tuple(_d.values())))

</pallas_src>

<mosaic_0001>
#map = affine_map<(d0, d1) -> (0, 0)>
#map1 = affine_map<(d0, d1) -> (0, 0, 0)>
#map2 = affine_map<(d0, d1) -> (0)>
module attributes {stable_mosaic.version = 14 : i64} {
  func.func @_sc_body(%arg0: i32, %arg1: i32, %arg2: memref<64x2048xf32, #tpu.memory_space<hbm>>, %arg3: memref<4x16x4096xf32, #tpu.memory_space<hbm>>, %arg4: memref<2080xf32, #tpu.memory_space<hbm>>, %arg5: memref<4x4096x2048xf32, #tpu.memory_space<hbm>>, %arg6: memref<16x512xf32, #tpu.memory_space<vmem>>, %arg7: memref<16x2048xf32, #tpu.memory_space<vmem>>, %arg8: memref<2080xf32, #tpu.memory_space<vmem>>, %arg9: memref<16x2048xf32, #tpu.memory_space<vmem>>, %arg10: memref<16x2048xf32, #tpu.memory_space<vmem>>, %arg11: memref<!tpu.dma_semaphore, #tpu.memory_space<semaphore_mem>>, %arg12: memref<!tpu.dma_semaphore, #tpu.memory_space<semaphore_mem>>) attributes {dimension_semantics = [#tpu.dimension_semantics<core_parallel>, #tpu.dimension_semantics<subcore_parallel>], iteration_bounds = array<i64: 2, 16>, scalar_prefetch = 0 : i64, scratch_operands = 7 : i64, tpu.core_type = #tpu.core_type<sc_vector_subcore>, window_params = [{transform_indices = #map}, {transform_indices = #map1}, {transform_indices = #map2}, {transform_indices = #map1}]} {
    %mul3A = arith.constant 2 : i32
    %mul3A_0 = arith.muli %arg1, %mul3A : i32
    %add3A = arith.addi %mul3A_0, %arg0 : i32
    %jit3A = arith.constant 8 : i32
    %div3A = arith.divsi %add3A, %jit3A : i32
    %sign3A = arith.constant 0 : i32
    %sign3A_1 = arith.cmpi sgt, %add3A, %sign3A : i32
    %sign3A_2 = arith.extui %sign3A_1 : i1 to i32
    %sign3A_3 = arith.constant 0 : i32
    %sign3A_4 = arith.cmpi slt, %add3A, %sign3A_3 : i32
    %sign3A_5 = arith.extui %sign3A_4 : i1 to i32
    %sign3A_6 = arith.subi %sign3A_2, %sign3A_5 : i32
    %sign3A_7 = arith.constant 0 : i32
    %sign3A_8 = arith.cmpi sgt, %jit3A, %sign3A_7 : i32
    %sign3A_9 = arith.extui %sign3A_8 : i1 to i32
    %sign3A_10 = arith.constant 0 : i32
    %sign3A_11 = arith.cmpi slt, %jit3A, %sign3A_10 : i32
    %sign3A_12 = arith.extui %sign3A_11 : i1 to i32
    %sign3A_13 = arith.subi %sign3A_9, %sign3A_12 : i32
    %ne3A = arith.cmpi ne, %sign3A_6, %sign3A_13 : i32
    %rem3A = arith.remsi %add3A, %jit3A : i32
    %ne3A_14 = arith.constant 0 : i32
    %ne3A_15 = arith.cmpi ne, %rem3A, %ne3A_14 : i32
    %and3A = arith.andi %ne3A, %ne3A_15 : i1
    %sub3A = arith.constant 1 : i32
    %sub3A_16 = arith.subi %div3A, %sub3A : i32
    %select_n3A = arith.select %and3A, %sub3A_16, %div3A : i32
    %jit3A_17 = arith.constant 8 : i32
    %eq3A = arith.constant 0 : i32
    %eq3A_18 = arith.cmpi eq, %jit3A_17, %eq3A : i32
    %jit3A_19 = arith.constant 1 : i32
    %select_n3A_20 = arith.select %eq3A_18, %jit3A_19, %jit3A_17 : i32
    %rem3A_21 = arith.remsi %add3A, %select_n3A_20 : i32
    %ne3A_22 = arith.constant 0 : i32
    %ne3A_23 = arith.cmpi ne, %rem3A_21, %ne3A_22 : i32
    %lt3A = arith.constant 0 : i32
    %lt3A_24 = arith.cmpi slt, %rem3A_21, %lt3A : i32
    %lt3A_25 = arith.constant 0 : i32
    %lt3A_26 = arith.cmpi slt, %select_n3A_20, %lt3A_25 : i32
    %ne3A_27 = arith.xori %lt3A_24, %lt3A_26 : i1
    %and3A_28 = arith.andi %ne3A_27, %ne3A_23 : i1
    %add3A_29 = arith.addi %rem3A_21, %select_n3A_20 : i32
    %select_n3A_30 = arith.select %and3A_28, %add3A_29, %rem3A_21 : i32
    %mul3A_31 = arith.constant 512 : i32
    %mul3A_32 = arith.muli %select_n3A_30, %mul3A_31 : i32
    %mul3A_33 = arith.constant 16 : i32
    %mul3A_34 = arith.muli %select_n3A, %mul3A_33 : i32
    %dma_start3A = arith.constant 0 : i32
    %dma_start3A_35 = tpu.memref_slice %arg2[%mul3A_34, %dma_start3A] : memref<64x2048xf32, #tpu.memory_space<hbm>> -> memref<16x2048xf32, #tpu.memory_space<hbm>>
    %dma_start3A_36 = arith.constant 0 : i32
    %dma_start3A_37 = tpu.memref_slice %arg2[%mul3A_34, %dma_start3A_36] : memref<64x2048xf32, #tpu.memory_space<hbm>> -> memref<16x2048xf32, #tpu.memory_space<hbm>>
    tpu.enqueue_dma source(%dma_start3A_37 : memref<16x2048xf32, #tpu.memory_space<hbm>>) target(%arg7 : memref<16x2048xf32, #tpu.memory_space<vmem>>) target_semaphore(%arg11 : memref<!tpu.dma_semaphore, #tpu.memory_space<semaphore_mem>>)
    %dma_start3A_38 = arith.constant 0 : i32
    %dma_start3A_39 = tpu.memref_slice %arg3[%select_n3A, %dma_start3A_38, %mul3A_32] : memref<4x16x4096xf32, #tpu.memory_space<hbm>> -> memref<1x16x512xf32, #tpu.memory_space<hbm>>
    %dma_start3A_40 = tpu.memref_squeeze %dma_start3A_39 : memref<1x16x512xf32, #tpu.memory_space<hbm>> -> memref<16x512xf32, #tpu.memory_space<hbm>>
    %dma_start3A_41 = arith.constant 0 : i32
    %dma_start3A_42 = tpu.memref_slice %arg3[%select_n3A, %dma_start3A_41, %mul3A_32] : memref<4x16x4096xf32, #tpu.memory_space<hbm>> -> memref<1x16x512xf32, #tpu.memory_space<hbm>>
    %dma_start3A_43 = tpu.memref_squeeze %dma_start3A_42 : memref<1x16x512xf32, #tpu.memory_space<hbm>> -> memref<16x512xf32, #tpu.memory_space<hbm>>
    tpu.enqueue_dma source(%dma_start3A_43 : memref<16x512xf32, #tpu.memory_space<hbm>>) target(%arg6 : memref<16x512xf32, #tpu.memory_space<vmem>>) target_semaphore(%arg12 : memref<!tpu.dma_semaphore, #tpu.memory_space<semaphore_mem>>)
    "tpu.region"() ({
      %run_scoped3A = tpu.sem_alloc : memref<!tpu.dma_semaphore, #tpu.memory_space<semaphore_mem>>
      tpu.enqueue_dma source(%arg4 : memref<2080xf32, #tpu.memory_space<hbm>>) target(%arg8 : memref<2080xf32, #tpu.memory_space<vmem>>) target_semaphore(%run_scoped3A : memref<!tpu.dma_semaphore, #tpu.memory_space<semaphore_mem>>)
      tpu.wait_dma2 semaphore(%run_scoped3A : memref<!tpu.dma_semaphore, #tpu.memory_space<semaphore_mem>>) src(%arg4 : memref<2080xf32, #tpu.memory_space<hbm>>) dst(%arg8 : memref<2080xf32, #tpu.memory_space<vmem>>)
      tpu.yield
    }) : () -> ()
    %dma_wait3A = arith.constant 0 : i32
    %dma_wait3A_44 = tpu.memref_slice %arg2[%mul3A_34, %dma_wait3A] : memref<64x2048xf32, #tpu.memory_space<hbm>> -> memref<16x2048xf32, #tpu.memory_space<hbm>>
    %dma_wait3A_45 = arith.constant 0 : i32
    %dma_wait3A_46 = tpu.memref_slice %arg2[%mul3A_34, %dma_wait3A_45] : memref<64x2048xf32, #tpu.memory_space<hbm>> -> memref<16x2048xf32, #tpu.memory_space<hbm>>
    tpu.wait_dma2 semaphore(%arg11 : memref<!tpu.dma_semaphore, #tpu.memory_space<semaphore_mem>>) src(%dma_wait3A_46 : memref<16x2048xf32, #tpu.memory_space<hbm>>) dst(%arg7 : memref<16x2048xf32, #tpu.memory_space<vmem>>)
    %dma_wait3A_47 = arith.constant 0 : i32
    %dma_wait3A_48 = tpu.memref_slice %arg3[%select_n3A, %dma_wait3A_47, %mul3A_32] : memref<4x16x4096xf32, #tpu.memory_space<hbm>> -> memref<1x16x512xf32, #tpu.memory_space<hbm>>
    %dma_wait3A_49 = tpu.memref_squeeze %dma_wait3A_48 : memref<1x16x512xf32, #tpu.memory_space<hbm>> -> memref<16x512xf32, #tpu.memory_space<hbm>>
    %dma_wait3A_50 = arith.constant 0 : i32
    %dma_wait3A_51 = tpu.memref_slice %arg3[%select_n3A, %dma_wait3A_50, %mul3A_32] : memref<4x16x4096xf32, #tpu.memory_space<hbm>> -> memref<1x16x512xf32, #tpu.memory_space<hbm>>
    %dma_wait3A_52 = tpu.memref_squeeze %dma_wait3A_51 : memref<1x16x512xf32, #tpu.memory_space<hbm>> -> memref<16x512xf32, #tpu.memory_space<hbm>>
    tpu.wait_dma2 semaphore(%arg12 : memref<!tpu.dma_semaphore, #tpu.memory_space<semaphore_mem>>) src(%dma_wait3A_52 : memref<16x512xf32, #tpu.memory_space<hbm>>) dst(%arg6 : memref<16x512xf32, #tpu.memory_space<vmem>>)
    %get3A = arith.constant 2048 : index
    %get3A_53 = tpu.vector_load %arg8[%get3A] {strides = array<i32>} : memref<2080xf32, #tpu.memory_space<vmem>>, vector<16xf32>,
    %get3A_54 = vector.shape_cast %get3A_53 : vector<16xf32> to vector<16xf32>
    %slice3A = vector.extract_strided_slice %get3A_54 {offsets = [0], sizes = [1], strides = [1]} : vector<16xf32> to vector<1xf32>
    %squeeze3A = vector.extract %slice3A[0] : f32 from vector<1xf32>
    %get3A_55 = arith.constant 2064 : index
    %get3A_56 = tpu.vector_load %arg8[%get3A_55] {strides = array<i32>} : memref<2080xf32, #tpu.memory_space<vmem>>, vector<16xf32>,
    %get3A_57 = vector.shape_cast %get3A_56 : vector<16xf32> to vector<16xf32>
    %slice3A_58 = vector.extract_strided_slice %get3A_57 {offsets = [0], sizes = [1], strides = [1]} : vector<16xf32> to vector<1xf32>
    %squeeze3A_59 = vector.extract %slice3A_58[0] : f32 from vector<1xf32>
    %scan3A = arith.constant 0 : i32
    %scan3A_60 = arith.constant 0 : i32
    %scan3A_61 = arith.constant 16 : i32
    %scan3A_62 = arith.addi %scan3A_60, %scan3A_61 : i32
    %scan3A_63 = arith.constant 1 : i32
    %scan3A_64 = scf.for %scan3A_82 = %scan3A_60 to %scan3A_62 step %scan3A_63 iter_args(%scan3A_83 = %scan3A) -> (i32)  : i32 {
      %gt3A = arith.constant 0 : i32
      %gt3A_84 = arith.cmpi sgt, %scan3A_82, %gt3A : i32
      %convert_element_type3A = arith.extui %gt3A_84 : i1 to i32
      %cond3A = arith.constant 0 : i32
      %cond3A_85 = arith.cmpi ne, %convert_element_type3A, %cond3A : i32
      scf.if %cond3A_85 {
        %add3A_630 = arith.constant 0 : i32
        %add3A_631 = arith.addi %mul3A_32, %add3A_630 : i32
        %dma_wait3A_632 = arith.constant 0 : i32
        %dma_wait3A_633 = tpu.memref_slice %arg5[%select_n3A, %add3A_631, %dma_wait3A_632] : memref<4x4096x2048xf32, #tpu.memory_space<hbm>> -> memref<1x16x2048xf32, #tpu.memory_space<hbm>>
        %dma_wait3A_634 = tpu.memref_squeeze %dma_wait3A_633 : memref<1x16x2048xf32, #tpu.memory_space<hbm>> -> memref<16x2048xf32, #tpu.memory_space<hbm>>
        %dma_wait3A_635 = arith.constant 0 : i32
        %dma_wait3A_636 = tpu.memref_slice %arg5[%select_n3A, %add3A_631, %dma_wait3A_635] : memref<4x4096x2048xf32, #tpu.memory_space<hbm>> -> memref<1x16x2048xf32, #tpu.memory_space<hbm>>
        %dma_wait3A_637 = tpu.memref_squeeze %dma_wait3A_636 : memref<1x16x2048xf32, #tpu.memory_space<hbm>> -> memref<16x2048xf32, #tpu.memory_space<hbm>>
        tpu.wait_dma2 semaphore(%arg11 : memref<!tpu.dma_semaphore, #tpu.memory_space<semaphore_mem>>) src(%arg9 : memref<16x2048xf32, #tpu.memory_space<vmem>>) dst(%dma_wait3A_637 : memref<16x2048xf32, #tpu.memory_space<hbm>>)
      } else {
      }
      %mul3A_86 = arith.constant 2 : i32
      %mul3A_87 = arith.muli %mul3A_86, %scan3A_82 : i32
      %mul3A_88 = arith.constant 16 : i32
      %mul3A_89 = arith.muli %mul3A_87, %mul3A_88 : i32
      %get3A_90 = arith.constant 0 : i32
      %get3A_91 = arith.index_cast %get3A_90 : i32 to index
      %get3A_92 = arith.index_cast %mul3A_89 : i32 to index
      %get3A_93 = tpu.vector_load %arg6[%get3A_91, %get3A_92] {strides = array<i32>} : memref<16x512xf32, #tpu.memory_space<vmem>>, vector<1x16xf32>,
      %get3A_94 = vector.shape_cast %get3A_93 : vector<1x16xf32> to vector<16xf32>
      %broadcast_in_dim3A = arith.constant 0 : i32
      %broadcast_in_dim3A_95 = vector.broadcast %broadcast_in_dim3A : i32 to vector<16xi32>
      %get3A_96 = arith.constant 1 : i32
      %get3A_97 = arith.index_cast %get3A_96 : i32 to index
      %get3A_98 = arith.index_cast %mul3A_89 : i32 to index
      %get3A_99 = tpu.vector_load %arg6[%get3A_97, %get3A_98] {strides = array<i32>} : memref<16x512xf32, #tpu.memory_space<vmem>>, vector<1x16xf32>,
      %get3A_100 = vector.shape_cast %get3A_99 : vector<1x16xf32> to vector<16xf32>
      %gt3A_101 = arith.cmpf ogt, %get3A_100, %get3A_94 : vector<16xf32>
      %jit3A_102 = arith.constant 1 : i32
      %broadcast_in_dim3A_103 = vector.broadcast %jit3A_102 : i32 to vector<16xi32>
      %select_n3A_104 = arith.select %gt3A_101, %broadcast_in_dim3A_103, %broadcast_in_dim3A_95 : vector<16xi1>, vector<16xi32>
      %select_n3A_105 = arith.select %gt3A_101, %get3A_100, %get3A_94 : vector<16xi1>, vector<16xf32>
      %get3A_106 = arith.constant 2 : i32
      %get3A_107 = arith.index_cast %get3A_106 : i32 to index
      %get3A_108 = arith.index_cast %mul3A_89 : i32 to index
      %get3A_109 = tpu.vector_load %arg6[%get3A_107, %get3A_108] {strides = array<i32>} : memref<16x512xf32, #tpu.memory_space<vmem>>, vector<1x16xf32>,
      %get3A_110 = vector.shape_cast %get3A_109 : vector<1x16xf32> to vector<16xf32>
      %gt3A_111 = arith.cmpf ogt, %get3A_110, %select_n3A_105 : vector<16xf32>
      %jit3A_112 = arith.constant 2 : i32
      %broadcast_in_dim3A_113 = vector.broadcast %jit3A_112 : i32 to vector<16xi32>
      %select_n3A_114 = arith.select %gt3A_111, %broadcast_in_dim3A_113, %select_n3A_104 : vector<16xi1>, vector<16xi32>
      %select_n3A_115 = arith.select %gt3A_111, %get3A_110, %select_n3A_105 : vector<16xi1>, vector<16xf32>
      %get3A_116 = arith.constant 3 : i32
      %get3A_117 = arith.index_cast %get3A_116 : i32 to index
      %get3A_118 = arith.index_cast %mul3A_89 : i32 to index
      %get3A_119 = tpu.vector_load %arg6[%get3A_117, %get3A_118] {strides = array<i32>} : memref<16x512xf32, #tpu.memory_space<vmem>>, vector<1x16xf32>,
      %get3A_120 = vector.shape_cast %get3A_119 : vector<1x16xf32> to vector<16xf32>
      %gt3A_121 = arith.cmpf ogt, %get3A_120, %select_n3A_115 : vector<16xf32>
      %jit3A_122 = arith.constant 3 : i32
      %broadcast_in_dim3A_123 = vector.broadcast %jit3A_122 : i32 to vector<16xi32>
      %select_n3A_124 = arith.select %gt3A_121, %broadcast_in_dim3A_123, %select_n3A_114 : vector<16xi1>, vector<16xi32>
      %select_n3A_125 = arith.select %gt3A_121, %get3A_120, %select_n3A_115 : vector<16xi1>, vector<16xf32>
      %get3A_126 = arith.constant 4 : i32
      %get3A_127 = arith.index_cast %get3A_126 : i32 to index
      %get3A_128 = arith.index_cast %mul3A_89 : i32 to index
      %get3A_129 = tpu.vector_load %arg6[%get3A_127, %get3A_128] {strides = array<i32>} : memref<16x512xf32, #tpu.memory_space<vmem>>, vector<1x16xf32>,
      %get3A_130 = vector.shape_cast %get3A_129 : vector<1x16xf32> to vector<16xf32>
      %gt3A_131 = arith.cmpf ogt, %get3A_130, %select_n3A_125 : vector<16xf32>
      %jit3A_132 = arith.constant 4 : i32
      %broadcast_in_dim3A_133 = vector.broadcast %jit3A_132 : i32 to vector<16xi32>
      %select_n3A_134 = arith.select %gt3A_131, %broadcast_in_dim3A_133, %select_n3A_124 : vector<16xi1>, vector<16xi32>
      %select_n3A_135 = arith.select %gt3A_131, %get3A_130, %select_n3A_125 : vector<16xi1>, vector<16xf32>
      %get3A_136 = arith.constant 5 : i32
      %get3A_137 = arith.index_cast %get3A_136 : i32 to index
      %get3A_138 = arith.index_cast %mul3A_89 : i32 to index
      %get3A_139 = tpu.vector_load %arg6[%get3A_137, %get3A_138] {strides = array<i32>} : memref<16x512xf32, #tpu.memory_space<vmem>>, vector<1x16xf32>,
      %get3A_140 = vector.shape_cast %get3A_139 : vector<1x16xf32> to vector<16xf32>
      %gt3A_141 = arith.cmpf ogt, %get3A_140, %select_n3A_135 : vector<16xf32>
      %jit3A_142 = arith.constant 5 : i32
      %broadcast_in_dim3A_143 = vector.broadcast %jit3A_142 : i32 to vector<16xi32>
      %select_n3A_144 = arith.select %gt3A_141, %broadcast_in_dim3A_143, %select_n3A_134 : vector<16xi1>, vector<16xi32>
      %select_n3A_145 = arith.select %gt3A_141, %get3A_140, %select_n3A_135 : vector<16xi1>, vector<16xf32>
      %get3A_146 = arith.constant 6 : i32
      %get3A_147 = arith.index_cast %get3A_146 : i32 to index
      %get3A_148 = arith.index_cast %mul3A_89 : i32 to index
      %get3A_149 = tpu.vector_load %arg6[%get3A_147, %get3A_148] {strides = array<i32>} : memref<16x512xf32, #tpu.memory_space<vmem>>, vector<1x16xf32>,
      %get3A_150 = vector.shape_cast %get3A_149 : vector<1x16xf32> to vector<16xf32>
      %gt3A_151 = arith.cmpf ogt, %get3A_150, %select_n3A_145 : vector<16xf32>
      %jit3A_152 = arith.constant 6 : i32
      %broadcast_in_dim3A_153 = vector.broadcast %jit3A_152 : i32 to vector<16xi32>
      %select_n3A_154 = arith.select %gt3A_151, %broadcast_in_dim3A_153, %select_n3A_144 : vector<16xi1>, vector<16xi32>
      %select_n3A_155 = arith.select %gt3A_151, %get3A_150, %select_n3A_145 : vector<16xi1>, vector<16xf32>
      %get3A_156 = arith.constant 7 : i32
      %get3A_157 = arith.index_cast %get3A_156 : i32 to index
      %get3A_158 = arith.index_cast %mul3A_89 : i32 to index
      %get3A_159 = tpu.vector_load %arg6[%get3A_157, %get3A_158] {strides = array<i32>} : memref<16x512xf32, #tpu.memory_space<vmem>>, vector<1x16xf32>,
      %get3A_160 = vector.shape_cast %get3A_159 : vector<1x16xf32> to vector<16xf32>
      %gt3A_161 = arith.cmpf ogt, %get3A_160, %select_n3A_155 : vector<16xf32>
      %jit3A_162 = arith.constant 7 : i32
      %broadcast_in_dim3A_163 = vector.broadcast %jit3A_162 : i32 to vector<16xi32>
      %select_n3A_164 = arith.select %gt3A_161, %broadcast_in_dim3A_163, %select_n3A_154 : vector<16xi1>, vector<16xi32>
      %select_n3A_165 = arith.select %gt3A_161, %get3A_160, %select_n3A_155 : vector<16xi1>, vector<16xf32>
      %get3A_166 = arith.constant 8 : i32
      %get3A_167 = arith.index_cast %get3A_166 : i32 to index
      %get3A_168 = arith.index_cast %mul3A_89 : i32 to index
      %get3A_169 = tpu.vector_load %arg6[%get3A_167, %get3A_168] {strides = array<i32>} : memref<16x512xf32, #tpu.memory_space<vmem>>, vector<1x16xf32>,
      %get3A_170 = vector.shape_cast %get3A_169 : vector<1x16xf32> to vector<16xf32>
      %gt3A_171 = arith.cmpf ogt, %get3A_170, %select_n3A_165 : vector<16xf32>
      %jit3A_172 = arith.constant 8 : i32
      %broadcast_in_dim3A_173 = vector.broadcast %jit3A_172 : i32 to vector<16xi32>
      %select_n3A_174 = arith.select %gt3A_171, %broadcast_in_dim3A_173, %select_n3A_164 : vector<16xi1>, vector<16xi32>
      %select_n3A_175 = arith.select %gt3A_171, %get3A_170, %select_n3A_165 : vector<16xi1>, vector<16xf32>
      %get3A_176 = arith.constant 9 : i32
      %get3A_177 = arith.index_cast %get3A_176 : i32 to index
      %get3A_178 = arith.index_cast %mul3A_89 : i32 to index
      %get3A_179 = tpu.vector_load %arg6[%get3A_177, %get3A_178] {strides = array<i32>} : memref<16x512xf32, #tpu.memory_space<vmem>>, vector<1x16xf32>,
      %get3A_180 = vector.shape_cast %get3A_179 : vector<1x16xf32> to vector<16xf32>
      %gt3A_181 = arith.cmpf ogt, %get3A_180, %select_n3A_175 : vector<16xf32>
      %jit3A_182 = arith.constant 9 : i32
      %broadcast_in_dim3A_183 = vector.broadcast %jit3A_182 : i32 to vector<16xi32>
      %select_n3A_184 = arith.select %gt3A_181, %broadcast_in_dim3A_183, %select_n3A_174 : vector<16xi1>, vector<16xi32>
      %select_n3A_185 = arith.select %gt3A_181, %get3A_180, %select_n3A_175 : vector<16xi1>, vector<16xf32>
      %get3A_186 = arith.constant 10 : i32
      %get3A_187 = arith.index_cast %get3A_186 : i32 to index
      %get3A_188 = arith.index_cast %mul3A_89 : i32 to index
      %get3A_189 = tpu.vector_load %arg6[%get3A_187, %get3A_188] {strides = array<i32>} : memref<16x512xf32, #tpu.memory_space<vmem>>, vector<1x16xf32>,
      %get3A_190 = vector.shape_cast %get3A_189 : vector<1x16xf32> to vector<16xf32>
      %gt3A_191 = arith.cmpf ogt, %get3A_190, %select_n3A_185 : vector<16xf32>
      %jit3A_192 = arith.constant 10 : i32
      %broadcast_in_dim3A_193 = vector.broadcast %jit3A_192 : i32 to vector<16xi32>
      %select_n3A_194 = arith.select %gt3A_191, %broadcast_in_dim3A_193, %select_n3A_184 : vector<16xi1>, vector<16xi32>
      %select_n3A_195 = arith.select %gt3A_191, %get3A_190, %select_n3A_185 : vector<16xi1>, vector<16xf32>
      %get3A_196 = arith.constant 11 : i32
      %get3A_197 = arith.index_cast %get3A_196 : i32 to index
      %get3A_198 = arith.index_cast %mul3A_89 : i32 to index
      %get3A_199 = tpu.vector_load %arg6[%get3A_197, %get3A_198] {strides = array<i32>} : memref<16x512xf32, #tpu.memory_space<vmem>>, vector<1x16xf32>,
      %get3A_200 = vector.shape_cast %get3A_199 : vector<1x16xf32> to vector<16xf32>
      %gt3A_201 = arith.cmpf ogt, %get3A_200, %select_n3A_195 : vector<16xf32>
      %jit3A_202 = arith.constant 11 : i32
      %broadcast_in_dim3A_203 = vector.broadcast %jit3A_202 : i32 to vector<16xi32>
      %select_n3A_204 = arith.select %gt3A_201, %broadcast_in_dim3A_203, %select_n3A_194 : vector<16xi1>, vector<16xi32>
      %select_n3A_205 = arith.select %gt3A_201, %get3A_200, %select_n3A_195 : vector<16xi1>, vector<16xf32>
      %get3A_206 = arith.constant 12 : i32
      %get3A_207 = arith.index_cast %get3A_206 : i32 to index
      %get3A_208 = arith.index_cast %mul3A_89 : i32 to index
      %get3A_209 = tpu.vector_load %arg6[%get3A_207, %get3A_208] {strides = array<i32>} : memref<16x512xf32, #tpu.memory_space<vmem>>, vector<1x16xf32>,
      %get3A_210 = vector.shape_cast %get3A_209 : vector<1x16xf32> to vector<16xf32>
      %gt3A_211 = arith.cmpf ogt, %get3A_210, %select_n3A_205 : vector<16xf32>
      %jit3A_212 = arith.constant 12 : i32
      %broadcast_in_dim3A_213 = vector.broadcast %jit3A_212 : i32 to vector<16xi32>
      %select_n3A_214 = arith.select %gt3A_211, %broadcast_in_dim3A_213, %select_n3A_204 : vector<16xi1>, vector<16xi32>
      %select_n3A_215 = arith.select %gt3A_211, %get3A_210, %select_n3A_205 : vector<16xi1>, vector<16xf32>
      %get3A_216 = arith.constant 13 : i32
      %get3A_217 = arith.index_cast %get3A_216 : i32 to index
      %get3A_218 = arith.index_cast %mul3A_89 : i32 to index
      %get3A_219 = tpu.vector_load %arg6[%get3A_217, %get3A_218] {strides = array<i32>} : memref<16x512xf32, #tpu.memory_space<vmem>>, vector<1x16xf32>,
      %get3A_220 = vector.shape_cast %get3A_219 : vector<1x16xf32> to vector<16xf32>
      %gt3A_221 = arith.cmpf ogt, %get3A_220, %select_n3A_215 : vector<16xf32>
      %jit3A_222 = arith.constant 13 : i32
      %broadcast_in_dim3A_223 = vector.broadcast %jit3A_222 : i32 to vector<16xi32>
      %select_n3A_224 = arith.select %gt3A_221, %broadcast_in_dim3A_223, %select_n3A_214 : vector<16xi1>, vector<16xi32>
      %select_n3A_225 = arith.select %gt3A_221, %get3A_220, %select_n3A_215 : vector<16xi1>, vector<16xf32>
      %get3A_226 = arith.constant 14 : i32
      %get3A_227 = arith.index_cast %get3A_226 : i32 to index
      %get3A_228 = arith.index_cast %mul3A_89 : i32 to index
      %get3A_229 = tpu.vector_load %arg6[%get3A_227, %get3A_228] {strides = array<i32>} : memref<16x512xf32, #tpu.memory_space<vmem>>, vector<1x16xf32>,
      %get3A_230 = vector.shape_cast %get3A_229 : vector<1x16xf32> to vector<16xf32>
      %gt3A_231 = arith.cmpf ogt, %get3A_230, %select_n3A_225 : vector<16xf32>
      %jit3A_232 = arith.constant 14 : i32
      %broadcast_in_dim3A_233 = vector.broadcast %jit3A_232 : i32 to vector<16xi32>
      %select_n3A_234 = arith.select %gt3A_231, %broadcast_in_dim3A_233, %select_n3A_224 : vector<16xi1>, vector<16xi32>
      %select_n3A_235 = arith.select %gt3A_231, %get3A_230, %select_n3A_225 : vector<16xi1>, vector<16xf32>
      %get3A_236 = arith.constant 15 : i32
      %get3A_237 = arith.index_cast %get3A_236 : i32 to index
      %get3A_238 = arith.index_cast %mul3A_89 : i32 to index
      %get3A_239 = tpu.vector_load %arg6[%get3A_237, %get3A_238] {strides = array<i32>} : memref<16x512xf32, #tpu.memory_space<vmem>>, vector<1x16xf32>,
      %get3A_240 = vector.shape_cast %get3A_239 : vector<1x16xf32> to vector<16xf32>
      %gt3A_241 = arith.cmpf ogt, %get3A_240, %select_n3A_235 : vector<16xf32>
      %jit3A_242 = arith.constant 15 : i32
      %broadcast_in_dim3A_243 = vector.broadcast %jit3A_242 : i32 to vector<16xi32>
      %select_n3A_244 = arith.select %gt3A_241, %broadcast_in_dim3A_243, %select_n3A_234 : vector<16xi1>, vector<16xi32>
      %select_n3A_245 = arith.select %gt3A_241, %get3A_240, %select_n3A_235 : vector<16xi1>, vector<16xf32>
      %mul3A_246 = vector.broadcast %squeeze3A : f32 to vector<16xf32>
      %mul3A_247 = arith.mulf %mul3A_246, %select_n3A_245 : vector<16xf32>
      %add3A_248 = vector.broadcast %squeeze3A_59 : f32 to vector<16xf32>
      %add3A_249 = arith.addf %mul3A_247, %add3A_248 : vector<16xf32>
      %neg3A = arith.constant 0.000000e+00 : f32
      %neg3A_250 = vector.broadcast %neg3A : f32 to vector<16xf32>
      %neg3A_251 = arith.subf %neg3A_250, %add3A_249 : vector<16xf32>
      %exp3A = math.exp %neg3A_251 : vector<16xf32>
      %add3A_252 = arith.constant 1.000000e+00 : f32
      %add3A_253 = vector.broadcast %add3A_252 : f32 to vector<16xf32>
      %add3A_254 = arith.addf %add3A_253, %exp3A : vector<16xf32>
      %div3A_255 = arith.constant 1.000000e+00 : f32
      %div3A_256 = vector.broadcast %div3A_255 : f32 to vector<16xf32>
      %div3A_257 = arith.divf %div3A_256, %add3A_254 : vector<16xf32>
      %slice3A_258 = vector.extract_strided_slice %select_n3A_244 {offsets = [0], sizes = [1], strides = [1]} : vector<16xi32> to vector<1xi32>
      %squeeze3A_259 = vector.extract %slice3A_258[0] : i32 from vector<1xi32>
      %slice3A_260 = vector.extract_strided_slice %select_n3A_244 {offsets = [1], sizes = [1], strides = [1]} : vector<16xi32> to vector<1xi32>
      %squeeze3A_261 = vector.extract %slice3A_260[0] : i32 from vector<1xi32>
      %slice3A_262 = vector.extract_strided_slice %select_n3A_244 {offsets = [2], sizes = [1], strides = [1]} : vector<16xi32> to vector<1xi32>
      %squeeze3A_263 = vector.extract %slice3A_262[0] : i32 from vector<1xi32>
      %slice3A_264 = vector.extract_strided_slice %select_n3A_244 {offsets = [3], sizes = [1], strides = [1]} : vector<16xi32> to vector<1xi32>
      %squeeze3A_265 = vector.extract %slice3A_264[0] : i32 from vector<1xi32>
      %slice3A_266 = vector.extract_strided_slice %select_n3A_244 {offsets = [4], sizes = [1], strides = [1]} : vector<16xi32> to vector<1xi32>
      %squeeze3A_267 = vector.extract %slice3A_266[0] : i32 from vector<1xi32>
      %slice3A_268 = vector.extract_strided_slice %select_n3A_244 {offsets = [5], sizes = [1], strides = [1]} : vector<16xi32> to vector<1xi32>
      %squeeze3A_269 = vector.extract %slice3A_268[0] : i32 from vector<1xi32>
      %slice3A_270 = vector.extract_strided_slice %select_n3A_244 {offsets = [6], sizes = [1], strides = [1]} : vector<16xi32> to vector<1xi32>
      %squeeze3A_271 = vector.extract %slice3A_270[0] : i32 from vector<1xi32>
      %slice3A_272 = vector.extract_strided_slice %select_n3A_244 {offsets = [7], sizes = [1], strides = [1]} : vector<16xi32> to vector<1xi32>
      %squeeze3A_273 = vector.extract %slice3A_272[0] : i32 from vector<1xi32>
      %slice3A_274 = vector.extract_strided_slice %select_n3A_244 {offsets = [8], sizes = [1], strides = [1]} : vector<16xi32> to vector<1xi32>
      %squeeze3A_275 = vector.extract %slice3A_274[0] : i32 from vector<1xi32>
      %slice3A_276 = vector.extract_strided_slice %select_n3A_244 {offsets = [9], sizes = [1], strides = [1]} : vector<16xi32> to vector<1xi32>
      %squeeze3A_277 = vector.extract %slice3A_276[0] : i32 from vector<1xi32>
      %slice3A_278 = vector.extract_strided_slice %select_n3A_244 {offsets = [10], sizes = [1], strides = [1]} : vector<16xi32> to vector<1xi32>
      %squeeze3A_279 = vector.extract %slice3A_278[0] : i32 from vector<1xi32>
      %slice3A_280 = vector.extract_strided_slice %select_n3A_244 {offsets = [11], sizes = [1], strides = [1]} : vector<16xi32> to vector<1xi32>
      %squeeze3A_281 = vector.extract %slice3A_280[0] : i32 from vector<1xi32>
      %slice3A_282 = vector.extract_strided_slice %select_n3A_244 {offsets = [12], sizes = [1], strides = [1]} : vector<16xi32> to vector<1xi32>
      %squeeze3A_283 = vector.extract %slice3A_282[0] : i32 from vector<1xi32>
      %slice3A_284 = vector.extract_strided_slice %select_n3A_244 {offsets = [13], sizes = [1], strides = [1]} : vector<16xi32> to vector<1xi32>
      %squeeze3A_285 = vector.extract %slice3A_284[0] : i32 from vector<1xi32>
      %slice3A_286 = vector.extract_strided_slice %select_n3A_244 {offsets = [14], sizes = [1], strides = [1]} : vector<16xi32> to vector<1xi32>
      %squeeze3A_287 = vector.extract %slice3A_286[0] : i32 from vector<1xi32>
      %slice3A_288 = vector.extract_strided_slice %select_n3A_244 {offsets = [15], sizes = [1], strides = [1]} : vector<16xi32> to vector<1xi32>
      %squeeze3A_289 = vector.extract %slice3A_288[0] : i32 from vector<1xi32>
      %slice3A_290 = vector.extract_strided_slice %div3A_257 {offsets = [0], sizes = [1], strides = [1]} : vector<16xf32> to vector<1xf32>
      %squeeze3A_291 = vector.extract %slice3A_290[0] : f32 from vector<1xf32>
      %broadcast_in_dim3A_292 = vector.broadcast %squeeze3A_291 : f32 to vector<16xf32>
      %slice3A_293 = vector.extract_strided_slice %div3A_257 {offsets = [1], sizes = [1], strides = [1]} : vector<16xf32> to vector<1xf32>
      %squeeze3A_294 = vector.extract %slice3A_293[0] : f32 from vector<1xf32>
      %broadcast_in_dim3A_295 = vector.broadcast %squeeze3A_294 : f32 to vector<16xf32>
      %slice3A_296 = vector.extract_strided_slice %div3A_257 {offsets = [2], sizes = [1], strides = [1]} : vector<16xf32> to vector<1xf32>
      %squeeze3A_297 = vector.extract %slice3A_296[0] : f32 from vector<1xf32>
      %broadcast_in_dim3A_298 = vector.broadcast %squeeze3A_297 : f32 to vector<16xf32>
      %slice3A_299 = vector.extract_strided_slice %div3A_257 {offsets = [3], sizes = [1], strides = [1]} : vector<16xf32> to vector<1xf32>
      %squeeze3A_300 = vector.extract %slice3A_299[0] : f32 from vector<1xf32>
      %broadcast_in_dim3A_301 = vector.broadcast %squeeze3A_300 : f32 to vector<16xf32>
      %slice3A_302 = vector.extract_strided_slice %div3A_257 {offsets = [4], sizes = [1], strides = [1]} : vector<16xf32> to vector<1xf32>
      %squeeze3A_303 = vector.extract %slice3A_302[0] : f32 from vector<1xf32>
      %broadcast_in_dim3A_304 = vector.broadcast %squeeze3A_303 : f32 to vector<16xf32>
      %slice3A_305 = vector.extract_strided_slice %div3A_257 {offsets = [5], sizes = [1], strides = [1]} : vector<16xf32> to vector<1xf32>
      %squeeze3A_306 = vector.extract %slice3A_305[0] : f32 from vector<1xf32>
      %broadcast_in_dim3A_307 = vector.broadcast %squeeze3A_306 : f32 to vector<16xf32>
      %slice3A_308 = vector.extract_strided_slice %div3A_257 {offsets = [6], sizes = [1], strides = [1]} : vector<16xf32> to vector<1xf32>
      %squeeze3A_309 = vector.extract %slice3A_308[0] : f32 from vector<1xf32>
      %broadcast_in_dim3A_310 = vector.broadcast %squeeze3A_309 : f32 to vector<16xf32>
      %slice3A_311 = vector.extract_strided_slice %div3A_257 {offsets = [7], sizes = [1], strides = [1]} : vector<16xf32> to vector<1xf32>
      %squeeze3A_312 = vector.extract %slice3A_311[0] : f32 from vector<1xf32>
      %broadcast_in_dim3A_313 = vector.broadcast %squeeze3A_312 : f32 to vector<16xf32>
      %slice3A_314 = vector.extract_strided_slice %div3A_257 {offsets = [8], sizes = [1], strides = [1]} : vector<16xf32> to vector<1xf32>
      %squeeze3A_315 = vector.extract %slice3A_314[0] : f32 from vector<1xf32>
      %broadcast_in_dim3A_316 = vector.broadcast %squeeze3A_315 : f32 to vector<16xf32>
      %slice3A_317 = vector.extract_strided_slice %div3A_257 {offsets = [9], sizes = [1], strides = [1]} : vector<16xf32> to vector<1xf32>
      %squeeze3A_318 = vector.extract %slice3A_317[0] : f32 from vector<1xf32>
      %broadcast_in_dim3A_319 = vector.broadcast %squeeze3A_318 : f32 to vector<16xf32>
      %slice3A_320 = vector.extract_strided_slice %div3A_257 {offsets = [10], sizes = [1], strides = [1]} : vector<16xf32> to vector<1xf32>
      %squeeze3A_321 = vector.extract %slice3A_320[0] : f32 from vector<1xf32>
      %broadcast_in_dim3A_322 = vector.broadcast %squeeze3A_321 : f32 to vector<16xf32>
      %slice3A_323 = vector.extract_strided_slice %div3A_257 {offsets = [11], sizes = [1], strides = [1]} : vector<16xf32> to vector<1xf32>
      %squeeze3A_324 = vector.extract %slice3A_323[0] : f32 from vector<1xf32>
      %broadcast_in_dim3A_325 = vector.broadcast %squeeze3A_324 : f32 to vector<16xf32>
      %slice3A_326 = vector.extract_strided_slice %div3A_257 {offsets = [12], sizes = [1], strides = [1]} : vector<16xf32> to vector<1xf32>
      %squeeze3A_327 = vector.extract %slice3A_326[0] : f32 from vector<1xf32>
      %broadcast_in_dim3A_328 = vector.broadcast %squeeze3A_327 : f32 to vector<16xf32>
      %slice3A_329 = vector.extract_strided_slice %div3A_257 {offsets = [13], sizes = [1], strides = [1]} : vector<16xf32> to vector<1xf32>
      %squeeze3A_330 = vector.extract %slice3A_329[0] : f32 from vector<1xf32>
      %broadcast_in_dim3A_331 = vector.broadcast %squeeze3A_330 : f32 to vector<16xf32>
      %slice3A_332 = vector.extract_strided_slice %div3A_257 {offsets = [14], sizes = [1], strides = [1]} : vector<16xf32> to vector<1xf32>
      %squeeze3A_333 = vector.extract %slice3A_332[0] : f32 from vector<1xf32>
      %broadcast_in_dim3A_334 = vector.broadcast %squeeze3A_333 : f32 to vector<16xf32>
      %slice3A_335 = vector.extract_strided_slice %div3A_257 {offsets = [15], sizes = [1], strides = [1]} : vector<16xf32> to vector<1xf32>
      %squeeze3A_336 = vector.extract %slice3A_335[0] : f32 from vector<1xf32>
      %broadcast_in_dim3A_337 = vector.broadcast %squeeze3A_336 : f32 to vector<16xf32>
      %parallel_loop3A = arith.constant 0 : i32
      %parallel_loop3A_338 = arith.constant 2048 : i32
      %parallel_loop3A_339 = arith.constant 16 : i32
      scf.for %parallel_loop3A_630 = %parallel_loop3A to %parallel_loop3A_338 step %parallel_loop3A_339  : i32 {
        %parallel_loop3A_631 = arith.constant 0 : i32
        %parallel_loop3A_632 = tpu.memref_slice %arg8[%parallel_loop3A_631] : memref<2080xf32, #tpu.memory_space<vmem>> -> memref<2048xf32, #tpu.memory_space<vmem>>
        %parallel_loop3A_633 = arith.index_cast %parallel_loop3A_630 : i32 to index
        %parallel_loop3A_634 = tpu.vector_load %parallel_loop3A_632[%parallel_loop3A_633] {strides = array<i32>} : memref<2048xf32, #tpu.memory_space<vmem>>, vector<16xf32>,
        %parallel_loop3A_635 = vector.shape_cast %parallel_loop3A_634 : vector<16xf32> to vector<16xf32>
        %parallel_loop3A_636 = arith.index_cast %squeeze3A_259 : i32 to index
        %parallel_loop3A_637 = arith.index_cast %parallel_loop3A_630 : i32 to index
        %parallel_loop3A_638 = tpu.vector_load %arg7[%parallel_loop3A_636, %parallel_loop3A_637] {strides = array<i32>} : memref<16x2048xf32, #tpu.memory_space<vmem>>, vector<1x16xf32>,
        %parallel_loop3A_639 = vector.shape_cast %parallel_loop3A_638 : vector<1x16xf32> to vector<16xf32>
        %parallel_loop3A_640 = arith.mulf %broadcast_in_dim3A_292, %parallel_loop3A_639 : vector<16xf32>
        %parallel_loop3A_641 = arith.addf %parallel_loop3A_640, %parallel_loop3A_635 : vector<16xf32>
        %parallel_loop3A_642 = arith.constant 0 : i32
        %parallel_loop3A_643 = arith.index_cast %parallel_loop3A_642 : i32 to index
        %parallel_loop3A_644 = arith.index_cast %parallel_loop3A_630 : i32 to index
        %parallel_loop3A_645 = tpu.vector_load %arg9[%parallel_loop3A_643, %parallel_loop3A_644] {strides = array<i32>} : memref<16x2048xf32, #tpu.memory_space<vmem>>, vector<1x16xf32>,
        %parallel_loop3A_646 = vector.shape_cast %parallel_loop3A_645 : vector<1x16xf32> to vector<16xf32>
        %parallel_loop3A_647 = vector.shape_cast %parallel_loop3A_641 : vector<16xf32> to vector<1x16xf32>
        tpu.vector_store %arg9[%parallel_loop3A_643, %parallel_loop3A_644], %parallel_loop3A_647 {strides = array<i32>} : memref<16x2048xf32, #tpu.memory_space<vmem>>, vector<1x16xf32>,
        %parallel_loop3A_648 = arith.index_cast %squeeze3A_261 : i32 to index
        %parallel_loop3A_649 = arith.index_cast %parallel_loop3A_630 : i32 to index
        %parallel_loop3A_650 = tpu.vector_load %arg7[%parallel_loop3A_648, %parallel_loop3A_649] {strides = array<i32>} : memref<16x2048xf32, #tpu.memory_space<vmem>>, vector<1x16xf32>,
        %parallel_loop3A_651 = vector.shape_cast %parallel_loop3A_650 : vector<1x16xf32> to vector<16xf32>
        %parallel_loop3A_652 = arith.mulf %broadcast_in_dim3A_295, %parallel_loop3A_651 : vector<16xf32>
        %parallel_loop3A_653 = arith.addf %parallel_loop3A_652, %parallel_loop3A_635 : vector<16xf32>
        %parallel_loop3A_654 = arith.constant 1 : i32
        %parallel_loop3A_655 = arith.index_cast %parallel_loop3A_654 : i32 to index
        %parallel_loop3A_656 = arith.index_cast %parallel_loop3A_630 : i32 to index
        %parallel_loop3A_657 = tpu.vector_load %arg9[%parallel_loop3A_655, %parallel_loop3A_656] {strides = array<i32>} : memref<16x2048xf32, #tpu.memory_space<vmem>>, vector<1x16xf32>,
        %parallel_loop3A_658 = vector.shape_cast %parallel_loop3A_657 : vector<1x16xf32> to vector<16xf32>
        %parallel_loop3A_659 = vector.shape_cast %parallel_loop3A_653 : vector<16xf32> to vector<1x16xf32>
        tpu.vector_store %arg9[%parallel_loop3A_655, %parallel_loop3A_656], %parallel_loop3A_659 {strides = array<i32>} : memref<16x2048xf32, #tpu.memory_space<vmem>>, vector<1x16xf32>,
        %parallel_loop3A_660 = arith.index_cast %squeeze3A_263 : i32 to index
        %parallel_loop3A_661 = arith.index_cast %parallel_loop3A_630 : i32 to index
        %parallel_loop3A_662 = tpu.vector_load %arg7[%parallel_loop3A_660, %parallel_loop3A_661] {strides = array<i32>} : memref<16x2048xf32, #tpu.memory_space<vmem>>, vector<1x16xf32>,
        %parallel_loop3A_663 = vector.shape_cast %parallel_loop3A_662 : vector<1x16xf32> to vector<16xf32>
        %parallel_loop3A_664 = arith.mulf %broadcast_in_dim3A_298, %parallel_loop3A_663 : vector<16xf32>
        %parallel_loop3A_665 = arith.addf %parallel_loop3A_664, %parallel_loop3A_635 : vector<16xf32>
        %parallel_loop3A_666 = arith.constant 2 : i32
        %parallel_loop3A_667 = arith.index_cast %parallel_loop3A_666 : i32 to index
        %parallel_loop3A_668 = arith.index_cast %parallel_loop3A_630 : i32 to index
        %parallel_loop3A_669 = tpu.vector_load %arg9[%parallel_loop3A_667, %parallel_loop3A_668] {strides = array<i32>} : memref<16x2048xf32, #tpu.memory_space<vmem>>, vector<1x16xf32>,
        %parallel_loop3A_670 = vector.shape_cast %parallel_loop3A_669 : vector<1x16xf32> to vector<16xf32>
        %parallel_loop3A_671 = vector.shape_cast %parallel_loop3A_665 : vector<16xf32> to vector<1x16xf32>
        tpu.vector_store %arg9[%parallel_loop3A_667, %parallel_loop3A_668], %parallel_loop3A_671 {strides = array<i32>} : memref<16x2048xf32, #tpu.memory_space<vmem>>, vector<1x16xf32>,
        %parallel_loop3A_672 = arith.index_cast %squeeze3A_265 : i32 to index
        %parallel_loop3A_673 = arith.index_cast %parallel_loop3A_630 : i32 to index
        %parallel_loop3A_674 = tpu.vector_load %arg7[%parallel_loop3A_672, %parallel_loop3A_673] {strides = array<i32>} : memref<16x2048xf32, #tpu.memory_space<vmem>>, vector<1x16xf32>,
        %parallel_loop3A_675 = vector.shape_cast %parallel_loop3A_674 : vector<1x16xf32> to vector<16xf32>
        %parallel_loop3A_676 = arith.mulf %broadcast_in_dim3A_301, %parallel_loop3A_675 : vector<16xf32>
        %parallel_loop3A_677 = arith.addf %parallel_loop3A_676, %parallel_loop3A_635 : vector<16xf32>
        %parallel_loop3A_678 = arith.constant 3 : i32
        %parallel_loop3A_679 = arith.index_cast %parallel_loop3A_678 : i32 to index
        %parallel_loop3A_680 = arith.index_cast %parallel_loop3A_630 : i32 to index
        %parallel_loop3A_681 = tpu.vector_load %arg9[%parallel_loop3A_679, %parallel_loop3A_680] {strides = array<i32>} : memref<16x2048xf32, #tpu.memory_space<vmem>>, vector<1x16xf32>,
        %parallel_loop3A_682 = vector.shape_cast %parallel_loop3A_681 : vector<1x16xf32> to vector<16xf32>
        %parallel_loop3A_683 = vector.shape_cast %parallel_loop3A_677 : vector<16xf32> to vector<1x16xf32>
        tpu.vector_store %arg9[%parallel_loop3A_679, %parallel_loop3A_680], %parallel_loop3A_683 {strides = array<i32>} : memref<16x2048xf32, #tpu.memory_space<vmem>>, vector<1x16xf32>,
        %parallel_loop3A_684 = arith.index_cast %squeeze3A_267 : i32 to index
        %parallel_loop3A_685 = arith.index_cast %parallel_loop3A_630 : i32 to index
        %parallel_loop3A_686 = tpu.vector_load %arg7[%parallel_loop3A_684, %parallel_loop3A_685] {strides = array<i32>} : memref<16x2048xf32, #tpu.memory_space<vmem>>, vector<1x16xf32>,
        %parallel_loop3A_687 = vector.shape_cast %parallel_loop3A_686 : vector<1x16xf32> to vector<16xf32>
        %parallel_loop3A_688 = arith.mulf %broadcast_in_dim3A_304, %parallel_loop3A_687 : vector<16xf32>
        %parallel_loop3A_689 = arith.addf %parallel_loop3A_688, %parallel_loop3A_635 : vector<16xf32>
        %parallel_loop3A_690 = arith.constant 4 : i32
        %parallel_loop3A_691 = arith.index_cast %parallel_loop3A_690 : i32 to index
        %parallel_loop3A_692 = arith.index_cast %parallel_loop3A_630 : i32 to index
        %parallel_loop3A_693 = tpu.vector_load %arg9[%parallel_loop3A_691, %parallel_loop3A_692] {strides = array<i32>} : memref<16x2048xf32, #tpu.memory_space<vmem>>, vector<1x16xf32>,
        %parallel_loop3A_694 = vector.shape_cast %parallel_loop3A_693 : vector<1x16xf32> to vector<16xf32>
        %parallel_loop3A_695 = vector.shape_cast %parallel_loop3A_689 : vector<16xf32> to vector<1x16xf32>
        tpu.vector_store %arg9[%parallel_loop3A_691, %parallel_loop3A_692], %parallel_loop3A_695 {strides = array<i32>} : memref<16x2048xf32, #tpu.memory_space<vmem>>, vector<1x16xf32>,
        %parallel_loop3A_696 = arith.index_cast %squeeze3A_269 : i32 to index
        %parallel_loop3A_697 = arith.index_cast %parallel_loop3A_630 : i32 to index
        %parallel_loop3A_698 = tpu.vector_load %arg7[%parallel_loop3A_696, %parallel_loop3A_697] {strides = array<i32>} : memref<16x2048xf32, #tpu.memory_space<vmem>>, vector<1x16xf32>,
        %parallel_loop3A_699 = vector.shape_cast %parallel_loop3A_698 : vector<1x16xf32> to vector<16xf32>
        %parallel_loop3A_700 = arith.mulf %broadcast_in_dim3A_307, %parallel_loop3A_699 : vector<16xf32>
        %parallel_loop3A_701 = arith.addf %parallel_loop3A_700, %parallel_loop3A_635 : vector<16xf32>
        %parallel_loop3A_702 = arith.constant 5 : i32
        %parallel_loop3A_703 = arith.index_cast %parallel_loop3A_702 : i32 to index
        %parallel_loop3A_704 = arith.index_cast %parallel_loop3A_630 : i32 to index
        %parallel_loop3A_705 = tpu.vector_load %arg9[%parallel_loop3A_703, %parallel_loop3A_704] {strides = array<i32>} : memref<16x2048xf32, #tpu.memory_space<vmem>>, vector<1x16xf32>,
        %parallel_loop3A_706 = vector.shape_cast %parallel_loop3A_705 : vector<1x16xf32> to vector<16xf32>
        %parallel_loop3A_707 = vector.shape_cast %parallel_loop3A_701 : vector<16xf32> to vector<1x16xf32>
        tpu.vector_store %arg9[%parallel_loop3A_703, %parallel_loop3A_704], %parallel_loop3A_707 {strides = array<i32>} : memref<16x2048xf32, #tpu.memory_space<vmem>>, vector<1x16xf32>,
        %parallel_loop3A_708 = arith.index_cast %squeeze3A_271 : i32 to index
        %parallel_loop3A_709 = arith.index_cast %parallel_loop3A_630 : i32 to index
        %parallel_loop3A_710 = tpu.vector_load %arg7[%parallel_loop3A_708, %parallel_loop3A_709] {strides = array<i32>} : memref<16x2048xf32, #tpu.memory_space<vmem>>, vector<1x16xf32>,
        %parallel_loop3A_711 = vector.shape_cast %parallel_loop3A_710 : vector<1x16xf32> to vector<16xf32>
        %parallel_loop3A_712 = arith.mulf %broadcast_in_dim3A_310, %parallel_loop3A_711 : vector<16xf32>
        %parallel_loop3A_713 = arith.addf %parallel_loop3A_712, %parallel_loop3A_635 : vector<16xf32>
        %parallel_loop3A_714 = arith.constant 6 : i32
        %parallel_loop3A_715 = arith.index_cast %parallel_loop3A_714 : i32 to index
        %parallel_loop3A_716 = arith.index_cast %parallel_loop3A_630 : i32 to index
        %parallel_loop3A_717 = tpu.vector_load %arg9[%parallel_loop3A_715, %parallel_loop3A_716] {strides = array<i32>} : memref<16x2048xf32, #tpu.memory_space<vmem>>, vector<1x16xf32>,
        %parallel_loop3A_718 = vector.shape_cast %parallel_loop3A_717 : vector<1x16xf32> to vector<16xf32>
        %parallel_loop3A_719 = vector.shape_cast %parallel_loop3A_713 : vector<16xf32> to vector<1x16xf32>
        tpu.vector_store %arg9[%parallel_loop3A_715, %parallel_loop3A_716], %parallel_loop3A_719 {strides = array<i32>} : memref<16x2048xf32, #tpu.memory_space<vmem>>, vector<1x16xf32>,
        %parallel_loop3A_720 = arith.index_cast %squeeze3A_273 : i32 to index
        %parallel_loop3A_721 = arith.index_cast %parallel_loop3A_630 : i32 to index
        %parallel_loop3A_722 = tpu.vector_load %arg7[%parallel_loop3A_720, %parallel_loop3A_721] {strides = array<i32>} : memref<16x2048xf32, #tpu.memory_space<vmem>>, vector<1x16xf32>,
        %parallel_loop3A_723 = vector.shape_cast %parallel_loop3A_722 : vector<1x16xf32> to vector<16xf32>
        %parallel_loop3A_724 = arith.mulf %broadcast_in_dim3A_313, %parallel_loop3A_723 : vector<16xf32>
        %parallel_loop3A_725 = arith.addf %parallel_loop3A_724, %parallel_loop3A_635 : vector<16xf32>
        %parallel_loop3A_726 = arith.constant 7 : i32
        %parallel_loop3A_727 = arith.index_cast %parallel_loop3A_726 : i32 to index
        %parallel_loop3A_728 = arith.index_cast %parallel_loop3A_630 : i32 to index
        %parallel_loop3A_729 = tpu.vector_load %arg9[%parallel_loop3A_727, %parallel_loop3A_728] {strides = array<i32>} : memref<16x2048xf32, #tpu.memory_space<vmem>>, vector<1x16xf32>,
        %parallel_loop3A_730 = vector.shape_cast %parallel_loop3A_729 : vector<1x16xf32> to vector<16xf32>
        %parallel_loop3A_731 = vector.shape_cast %parallel_loop3A_725 : vector<16xf32> to vector<1x16xf32>
        tpu.vector_store %arg9[%parallel_loop3A_727, %parallel_loop3A_728], %parallel_loop3A_731 {strides = array<i32>} : memref<16x2048xf32, #tpu.memory_space<vmem>>, vector<1x16xf32>,
        %parallel_loop3A_732 = arith.index_cast %squeeze3A_275 : i32 to index
        %parallel_loop3A_733 = arith.index_cast %parallel_loop3A_630 : i32 to index
        %parallel_loop3A_734 = tpu.vector_load %arg7[%parallel_loop3A_732, %parallel_loop3A_733] {strides = array<i32>} : memref<16x2048xf32, #tpu.memory_space<vmem>>, vector<1x16xf32>,
        %parallel_loop3A_735 = vector.shape_cast %parallel_loop3A_734 : vector<1x16xf32> to vector<16xf32>
        %parallel_loop3A_736 = arith.mulf %broadcast_in_dim3A_316, %parallel_loop3A_735 : vector<16xf32>
        %parallel_loop3A_737 = arith.addf %parallel_loop3A_736, %parallel_loop3A_635 : vector<16xf32>
        %parallel_loop3A_738 = arith.constant 8 : i32
        %parallel_loop3A_739 = arith.index_cast %parallel_loop3A_738 : i32 to index
        %parallel_loop3A_740 = arith.index_cast %parallel_loop3A_630 : i32 to index
        %parallel_loop3A_741 = tpu.vector_load %arg9[%parallel_loop3A_739, %parallel_loop3A_740] {strides = array<i32>} : memref<16x2048xf32, #tpu.memory_space<vmem>>, vector<1x16xf32>,
        %parallel_loop3A_742 = vector.shape_cast %parallel_loop3A_741 : vector<1x16xf32> to vector<16xf32>
        %parallel_loop3A_743 = vector.shape_cast %parallel_loop3A_737 : vector<16xf32> to vector<1x16xf32>
        tpu.vector_store %arg9[%parallel_loop3A_739, %parallel_loop3A_740], %parallel_loop3A_743 {strides = array<i32>} : memref<16x2048xf32, #tpu.memory_space<vmem>>, vector<1x16xf32>,
        %parallel_loop3A_744 = arith.index_cast %squeeze3A_277 : i32 to index
        %parallel_loop3A_745 = arith.index_cast %parallel_loop3A_630 : i32 to index
        %parallel_loop3A_746 = tpu.vector_load %arg7[%parallel_loop3A_744, %parallel_loop3A_745] {strides = array<i32>} : memref<16x2048xf32, #tpu.memory_space<vmem>>, vector<1x16xf32>,
        %parallel_loop3A_747 = vector.shape_cast %parallel_loop3A_746 : vector<1x16xf32> to vector<16xf32>
        %parallel_loop3A_748 = arith.mulf %broadcast_in_dim3A_319, %parallel_loop3A_747 : vector<16xf32>
        %parallel_loop3A_749 = arith.addf %parallel_loop3A_748, %parallel_loop3A_635 : vector<16xf32>
        %parallel_loop3A_750 = arith.constant 9 : i32
        %parallel_loop3A_751 = arith.index_cast %parallel_loop3A_750 : i32 to index
        %parallel_loop3A_752 = arith.index_cast %parallel_loop3A_630 : i32 to index
        %parallel_loop3A_753 = tpu.vector_load %arg9[%parallel_loop3A_751, %parallel_loop3A_752] {strides = array<i32>} : memref<16x2048xf32, #tpu.memory_space<vmem>>, vector<1x16xf32>,
        %parallel_loop3A_754 = vector.shape_cast %parallel_loop3A_753 : vector<1x16xf32> to vector<16xf32>
        %parallel_loop3A_755 = vector.shape_cast %parallel_loop3A_749 : vector<16xf32> to vector<1x16xf32>
        tpu.vector_store %arg9[%parallel_loop3A_751, %parallel_loop3A_752], %parallel_loop3A_755 {strides = array<i32>} : memref<16x2048xf32, #tpu.memory_space<vmem>>, vector<1x16xf32>,
        %parallel_loop3A_756 = arith.index_cast %squeeze3A_279 : i32 to index
        %parallel_loop3A_757 = arith.index_cast %parallel_loop3A_630 : i32 to index
        %parallel_loop3A_758 = tpu.vector_load %arg7[%parallel_loop3A_756, %parallel_loop3A_757] {strides = array<i32>} : memref<16x2048xf32, #tpu.memory_space<vmem>>, vector<1x16xf32>,
        %parallel_loop3A_759 = vector.shape_cast %parallel_loop3A_758 : vector<1x16xf32> to vector<16xf32>
        %parallel_loop3A_760 = arith.mulf %broadcast_in_dim3A_322, %parallel_loop3A_759 : vector<16xf32>
        %parallel_loop3A_761 = arith.addf %parallel_loop3A_760, %parallel_loop3A_635 : vector<16xf32>
        %parallel_loop3A_762 = arith.constant 10 : i32
        %parallel_loop3A_763 = arith.index_cast %parallel_loop3A_762 : i32 to index
        %parallel_loop3A_764 = arith.index_cast %parallel_loop3A_630 : i32 to index
        %parallel_loop3A_765 = tpu.vector_load %arg9[%parallel_loop3A_763, %parallel_loop3A_764] {strides = array<i32>} : memref<16x2048xf32, #tpu.memory_space<vmem>>, vector<1x16xf32>,
        %parallel_loop3A_766 = vector.shape_cast %parallel_loop3A_765 : vector<1x16xf32> to vector<16xf32>
        %parallel_loop3A_767 = vector.shape_cast %parallel_loop3A_761 : vector<16xf32> to vector<1x16xf32>
        tpu.vector_store %arg9[%parallel_loop3A_763, %parallel_loop3A_764], %parallel_loop3A_767 {strides = array<i32>} : memref<16x2048xf32, #tpu.memory_space<vmem>>, vector<1x16xf32>,
        %parallel_loop3A_768 = arith.index_cast %squeeze3A_281 : i32 to index
        %parallel_loop3A_769 = arith.index_cast %parallel_loop3A_630 : i32 to index
        %parallel_loop3A_770 = tpu.vector_load %arg7[%parallel_loop3A_768, %parallel_loop3A_769] {strides = array<i32>} : memref<16x2048xf32, #tpu.memory_space<vmem>>, vector<1x16xf32>,
        %parallel_loop3A_771 = vector.shape_cast %parallel_loop3A_770 : vector<1x16xf32> to vector<16xf32>
        %parallel_loop3A_772 = arith.mulf %broadcast_in_dim3A_325, %parallel_loop3A_771 : vector<16xf32>
        %parallel_loop3A_773 = arith.addf %parallel_loop3A_772, %parallel_loop3A_635 : vector<16xf32>
        %parallel_loop3A_774 = arith.constant 11 : i32
        %parallel_loop3A_775 = arith.index_cast %parallel_loop3A_774 : i32 to index
        %parallel_loop3A_776 = arith.index_cast %parallel_loop3A_630 : i32 to index
        %parallel_loop3A_777 = tpu.vector_load %arg9[%parallel_loop3A_775, %parallel_loop3A_776] {strides = array<i32>} : memref<16x2048xf32, #tpu.memory_space<vmem>>, vector<1x16xf32>,
        %parallel_loop3A_778 = vector.shape_cast %parallel_loop3A_777 : vector<1x16xf32> to vector<16xf32>
        %parallel_loop3A_779 = vector.shape_cast %parallel_loop3A_773 : vector<16xf32> to vector<1x16xf32>
        tpu.vector_store %arg9[%parallel_loop3A_775, %parallel_loop3A_776], %parallel_loop3A_779 {strides = array<i32>} : memref<16x2048xf32, #tpu.memory_space<vmem>>, vector<1x16xf32>,
        %parallel_loop3A_780 = arith.index_cast %squeeze3A_283 : i32 to index
        %parallel_loop3A_781 = arith.index_cast %parallel_loop3A_630 : i32 to index
        %parallel_loop3A_782 = tpu.vector_load %arg7[%parallel_loop3A_780, %parallel_loop3A_781] {strides = array<i32>} : memref<16x2048xf32, #tpu.memory_space<vmem>>, vector<1x16xf32>,
        %parallel_loop3A_783 = vector.shape_cast %parallel_loop3A_782 : vector<1x16xf32> to vector<16xf32>
        %parallel_loop3A_784 = arith.mulf %broadcast_in_dim3A_328, %parallel_loop3A_783 : vector<16xf32>
        %parallel_loop3A_785 = arith.addf %parallel_loop3A_784, %parallel_loop3A_635 : vector<16xf32>
        %parallel_loop3A_786 = arith.constant 12 : i32
        %parallel_loop3A_787 = arith.index_cast %parallel_loop3A_786 : i32 to index
        %parallel_loop3A_788 = arith.index_cast %parallel_loop3A_630 : i32 to index
        %parallel_loop3A_789 = tpu.vector_load %arg9[%parallel_loop3A_787, %parallel_loop3A_788] {strides = array<i32>} : memref<16x2048xf32, #tpu.memory_space<vmem>>, vector<1x16xf32>,
        %parallel_loop3A_790 = vector.shape_cast %parallel_loop3A_789 : vector<1x16xf32> to vector<16xf32>
        %parallel_loop3A_791 = vector.shape_cast %parallel_loop3A_785 : vector<16xf32> to vector<1x16xf32>
        tpu.vector_store %arg9[%parallel_loop3A_787, %parallel_loop3A_788], %parallel_loop3A_791 {strides = array<i32>} : memref<16x2048xf32, #tpu.memory_space<vmem>>, vector<1x16xf32>,
        %parallel_loop3A_792 = arith.index_cast %squeeze3A_285 : i32 to index
        %parallel_loop3A_793 = arith.index_cast %parallel_loop3A_630 : i32 to index
        %parallel_loop3A_794 = tpu.vector_load %arg7[%parallel_loop3A_792, %parallel_loop3A_793] {strides = array<i32>} : memref<16x2048xf32, #tpu.memory_space<vmem>>, vector<1x16xf32>,
        %parallel_loop3A_795 = vector.shape_cast %parallel_loop3A_794 : vector<1x16xf32> to vector<16xf32>
        %parallel_loop3A_796 = arith.mulf %broadcast_in_dim3A_331, %parallel_loop3A_795 : vector<16xf32>
        %parallel_loop3A_797 = arith.addf %parallel_loop3A_796, %parallel_loop3A_635 : vector<16xf32>
        %parallel_loop3A_798 = arith.constant 13 : i32
        %parallel_loop3A_799 = arith.index_cast %parallel_loop3A_798 : i32 to index
        %parallel_loop3A_800 = arith.index_cast %parallel_loop3A_630 : i32 to index
        %parallel_loop3A_801 = tpu.vector_load %arg9[%parallel_loop3A_799, %parallel_loop3A_800] {strides = array<i32>} : memref<16x2048xf32, #tpu.memory_space<vmem>>, vector<1x16xf32>,
        %parallel_loop3A_802 = vector.shape_cast %parallel_loop3A_801 : vector<1x16xf32> to vector<16xf32>
        %parallel_loop3A_803 = vector.shape_cast %parallel_loop3A_797 : vector<16xf32> to vector<1x16xf32>
        tpu.vector_store %arg9[%parallel_loop3A_799, %parallel_loop3A_800], %parallel_loop3A_803 {strides = array<i32>} : memref<16x2048xf32, #tpu.memory_space<vmem>>, vector<1x16xf32>,
        %parallel_loop3A_804 = arith.index_cast %squeeze3A_287 : i32 to index
        %parallel_loop3A_805 = arith.index_cast %parallel_loop3A_630 : i32 to index
        %parallel_loop3A_806 = tpu.vector_load %arg7[%parallel_loop3A_804, %parallel_loop3A_805] {strides = array<i32>} : memref<16x2048xf32, #tpu.memory_space<vmem>>, vector<1x16xf32>,
        %parallel_loop3A_807 = vector.shape_cast %parallel_loop3A_806 : vector<1x16xf32> to vector<16xf32>
        %parallel_loop3A_808 = arith.mulf %broadcast_in_dim3A_334, %parallel_loop3A_807 : vector<16xf32>
        %parallel_loop3A_809 = arith.addf %parallel_loop3A_808, %parallel_loop3A_635 : vector<16xf32>
        %parallel_loop3A_810 = arith.constant 14 : i32
        %parallel_loop3A_811 = arith.index_cast %parallel_loop3A_810 : i32 to index
        %parallel_loop3A_812 = arith.index_cast %parallel_loop3A_630 : i32 to index
        %parallel_loop3A_813 = tpu.vector_load %arg9[%parallel_loop3A_811, %parallel_loop3A_812] {strides = array<i32>} : memref<16x2048xf32, #tpu.memory_space<vmem>>, vector<1x16xf32>,
        %parallel_loop3A_814 = vector.shape_cast %parallel_loop3A_813 : vector<1x16xf32> to vector<16xf32>
        %parallel_loop3A_815 = vector.shape_cast %parallel_loop3A_809 : vector<16xf32> to vector<1x16xf32>
        tpu.vector_store %arg9[%parallel_loop3A_811, %parallel_loop3A_812], %parallel_loop3A_815 {strides = array<i32>} : memref<16x2048xf32, #tpu.memory_space<vmem>>, vector<1x16xf32>,
        %parallel_loop3A_816 = arith.index_cast %squeeze3A_289 : i32 to index
        %parallel_loop3A_817 = arith.index_cast %parallel_loop3A_630 : i32 to index
        %parallel_loop3A_818 = tpu.vector_load %arg7[%parallel_loop3A_816, %parallel_loop3A_817] {strides = array<i32>} : memref<16x2048xf32, #tpu.memory_space<vmem>>, vector<1x16xf32>,
        %parallel_loop3A_819 = vector.shape_cast %parallel_loop3A_818 : vector<1x16xf32> to vector<16xf32>
        %parallel_loop3A_820 = arith.mulf %broadcast_in_dim3A_337, %parallel_loop3A_819 : vector<16xf32>
        %parallel_loop3A_821 = arith.addf %parallel_loop3A_820, %parallel_loop3A_635 : vector<16xf32>
        %parallel_loop3A_822 = arith.constant 15 : i32
        %parallel_loop3A_823 = arith.index_cast %parallel_loop3A_822 : i32 to index
        %parallel_loop3A_824 = arith.index_cast %parallel_loop3A_630 : i32 to index
        %parallel_loop3A_825 = tpu.vector_load %arg9[%parallel_loop3A_823, %parallel_loop3A_824] {strides = array<i32>} : memref<16x2048xf32, #tpu.memory_space<vmem>>, vector<1x16xf32>,
        %parallel_loop3A_826 = vector.shape_cast %parallel_loop3A_825 : vector<1x16xf32> to vector<16xf32>
        %parallel_loop3A_827 = vector.shape_cast %parallel_loop3A_821 : vector<16xf32> to vector<1x16xf32>
        tpu.vector_store %arg9[%parallel_loop3A_823, %parallel_loop3A_824], %parallel_loop3A_827 {strides = array<i32>} : memref<16x2048xf32, #tpu.memory_space<vmem>>, vector<1x16xf32>,
      } {sc.loop_unroll_factor = 8 : i64, sc.parallel_access}
      %mul3A_340 = arith.constant 2 : i32
      %mul3A_341 = arith.muli %mul3A_340, %scan3A_82 : i32
      %mul3A_342 = arith.constant 16 : i32
      %mul3A_343 = arith.muli %mul3A_341, %mul3A_342 : i32
      %add3A_344 = arith.addi %mul3A_32, %mul3A_343 : i32
      %dma_start3A_345 = arith.constant 0 : i32
      %dma_start3A_346 = tpu.memref_slice %arg5[%select_n3A, %add3A_344, %dma_start3A_345] : memref<4x4096x2048xf32, #tpu.memory_space<hbm>> -> memref<1x16x2048xf32, #tpu.memory_space<hbm>>
      %dma_start3A_347 = tpu.memref_squeeze %dma_start3A_346 : memref<1x16x2048xf32, #tpu.memory_space<hbm>> -> memref<16x2048xf32, #tpu.memory_space<hbm>>
      %dma_start3A_348 = arith.constant 0 : i32
      %dma_start3A_349 = tpu.memref_slice %arg5[%select_n3A, %add3A_344, %dma_start3A_348] : memref<4x4096x2048xf32, #tpu.memory_space<hbm>> -> memref<1x16x2048xf32, #tpu.memory_space<hbm>>
      %dma_start3A_350 = tpu.memref_squeeze %dma_start3A_349 : memref<1x16x2048xf32, #tpu.memory_space<hbm>> -> memref<16x2048xf32, #tpu.memory_space<hbm>>
      tpu.enqueue_dma source(%arg9 : memref<16x2048xf32, #tpu.memory_space<vmem>>) target(%dma_start3A_350 : memref<16x2048xf32, #tpu.memory_space<hbm>>) target_semaphore(%arg11 : memref<!tpu.dma_semaphore, #tpu.memory_space<semaphore_mem>>)
      %gt3A_351 = arith.constant 0 : i32
      %gt3A_352 = arith.cmpi sgt, %scan3A_82, %gt3A_351 : i32
      %convert_element_type3A_353 = arith.extui %gt3A_352 : i1 to i32
      %cond3A_354 = arith.constant 0 : i32
      %cond3A_355 = arith.cmpi ne, %convert_element_type3A_353, %cond3A_354 : i32
      scf.if %cond3A_355 {
        %add3A_630 = arith.constant 0 : i32
        %add3A_631 = arith.addi %mul3A_32, %add3A_630 : i32
        %dma_wait3A_632 = arith.constant 0 : i32
        %dma_wait3A_633 = tpu.memref_slice %arg5[%select_n3A, %add3A_631, %dma_wait3A_632] : memref<4x4096x2048xf32, #tpu.memory_space<hbm>> -> memref<1x16x2048xf32, #tpu.memory_space<hbm>>
        %dma_wait3A_634 = tpu.memref_squeeze %dma_wait3A_633 : memref<1x16x2048xf32, #tpu.memory_space<hbm>> -> memref<16x2048xf32, #tpu.memory_space<hbm>>
        %dma_wait3A_635 = arith.constant 0 : i32
        %dma_wait3A_636 = tpu.memref_slice %arg5[%select_n3A, %add3A_631, %dma_wait3A_635] : memref<4x4096x2048xf32, #tpu.memory_space<hbm>> -> memref<1x16x2048xf32, #tpu.memory_space<hbm>>
        %dma_wait3A_637 = tpu.memref_squeeze %dma_wait3A_636 : memref<1x16x2048xf32, #tpu.memory_space<hbm>> -> memref<16x2048xf32, #tpu.memory_space<hbm>>
        tpu.wait_dma2 semaphore(%arg12 : memref<!tpu.dma_semaphore, #tpu.memory_space<semaphore_mem>>) src(%arg10 : memref<16x2048xf32, #tpu.memory_space<vmem>>) dst(%dma_wait3A_637 : memref<16x2048xf32, #tpu.memory_space<hbm>>)
      } else {
      }
      %mul3A_356 = arith.constant 2 : i32
      %mul3A_357 = arith.muli %mul3A_356, %scan3A_82 : i32
      %add3A_358 = arith.constant 1 : i32
      %add3A_359 = arith.addi %mul3A_357, %add3A_358 : i32
      %mul3A_360 = arith.constant 16 : i32
      %mul3A_361 = arith.muli %add3A_359, %mul3A_360 : i32
      %get3A_362 = arith.constant 0 : i32
      %get3A_363 = arith.index_cast %get3A_362 : i32 to index
      %get3A_364 = arith.index_cast %mul3A_361 : i32 to index
      %get3A_365 = tpu.vector_load %arg6[%get3A_363, %get3A_364] {strides = array<i32>} : memref<16x512xf32, #tpu.memory_space<vmem>>, vector<1x16xf32>,
      %get3A_366 = vector.shape_cast %get3A_365 : vector<1x16xf32> to vector<16xf32>
      %broadcast_in_dim3A_367 = arith.constant 0 : i32
      %broadcast_in_dim3A_368 = vector.broadcast %broadcast_in_dim3A_367 : i32 to vector<16xi32>
      %get3A_369 = arith.constant 1 : i32
      %get3A_370 = arith.index_cast %get3A_369 : i32 to index
      %get3A_371 = arith.index_cast %mul3A_361 : i32 to index
      %get3A_372 = tpu.vector_load %arg6[%get3A_370, %get3A_371] {strides = array<i32>} : memref<16x512xf32, #tpu.memory_space<vmem>>, vector<1x16xf32>,
      %get3A_373 = vector.shape_cast %get3A_372 : vector<1x16xf32> to vector<16xf32>
      %gt3A_374 = arith.cmpf ogt, %get3A_373, %get3A_366 : vector<16xf32>
      %jit3A_375 = arith.constant 1 : i32
      %broadcast_in_dim3A_376 = vector.broadcast %jit3A_375 : i32 to vector<16xi32>
      %select_n3A_377 = arith.select %gt3A_374, %broadcast_in_dim3A_376, %broadcast_in_dim3A_368 : vector<16xi1>, vector<16xi32>
      %select_n3A_378 = arith.select %gt3A_374, %get3A_373, %get3A_366 : vector<16xi1>, vector<16xf32>
      %get3A_379 = arith.constant 2 : i32
      %get3A_380 = arith.index_cast %get3A_379 : i32 to index
      %get3A_381 = arith.index_cast %mul3A_361 : i32 to index
      %get3A_382 = tpu.vector_load %arg6[%get3A_380, %get3A_381] {strides = array<i32>} : memref<16x512xf32, #tpu.memory_space<vmem>>, vector<1x16xf32>,
      %get3A_383 = vector.shape_cast %get3A_382 : vector<1x16xf32> to vector<16xf32>
      %gt3A_384 = arith.cmpf ogt, %get3A_383, %select_n3A_378 : vector<16xf32>
      %jit3A_385 = arith.constant 2 : i32
      %broadcast_in_dim3A_386 = vector.broadcast %jit3A_385 : i32 to vector<16xi32>
      %select_n3A_387 = arith.select %gt3A_384, %broadcast_in_dim3A_386, %select_n3A_377 : vector<16xi1>, vector<16xi32>
      %select_n3A_388 = arith.select %gt3A_384, %get3A_383, %select_n3A_378 : vector<16xi1>, vector<16xf32>
      %get3A_389 = arith.constant 3 : i32
      %get3A_390 = arith.index_cast %get3A_389 : i32 to index
      %get3A_391 = arith.index_cast %mul3A_361 : i32 to index
      %get3A_392 = tpu.vector_load %arg6[%get3A_390, %get3A_391] {strides = array<i32>} : memref<16x512xf32, #tpu.memory_space<vmem>>, vector<1x16xf32>,
      %get3A_393 = vector.shape_cast %get3A_392 : vector<1x16xf32> to vector<16xf32>
      %gt3A_394 = arith.cmpf ogt, %get3A_393, %select_n3A_388 : vector<16xf32>
      %jit3A_395 = arith.constant 3 : i32
      %broadcast_in_dim3A_396 = vector.broadcast %jit3A_395 : i32 to vector<16xi32>
      %select_n3A_397 = arith.select %gt3A_394, %broadcast_in_dim3A_396, %select_n3A_387 : vector<16xi1>, vector<16xi32>
      %select_n3A_398 = arith.select %gt3A_394, %get3A_393, %select_n3A_388 : vector<16xi1>, vector<16xf32>
      %get3A_399 = arith.constant 4 : i32
      %get3A_400 = arith.index_cast %get3A_399 : i32 to index
      %get3A_401 = arith.index_cast %mul3A_361 : i32 to index
      %get3A_402 = tpu.vector_load %arg6[%get3A_400, %get3A_401] {strides = array<i32>} : memref<16x512xf32, #tpu.memory_space<vmem>>, vector<1x16xf32>,
      %get3A_403 = vector.shape_cast %get3A_402 : vector<1x16xf32> to vector<16xf32>
      %gt3A_404 = arith.cmpf ogt, %get3A_403, %select_n3A_398 : vector<16xf32>
      %jit3A_405 = arith.constant 4 : i32
      %broadcast_in_dim3A_406 = vector.broadcast %jit3A_405 : i32 to vector<16xi32>
      %select_n3A_407 = arith.select %gt3A_404, %broadcast_in_dim3A_406, %select_n3A_397 : vector<16xi1>, vector<16xi32>
      %select_n3A_408 = arith.select %gt3A_404, %get3A_403, %select_n3A_398 : vector<16xi1>, vector<16xf32>
      %get3A_409 = arith.constant 5 : i32
      %get3A_410 = arith.index_cast %get3A_409 : i32 to index
      %get3A_411 = arith.index_cast %mul3A_361 : i32 to index
      %get3A_412 = tpu.vector_load %arg6[%get3A_410, %get3A_411] {strides = array<i32>} : memref<16x512xf32, #tpu.memory_space<vmem>>, vector<1x16xf32>,
      %get3A_413 = vector.shape_cast %get3A_412 : vector<1x16xf32> to vector<16xf32>
      %gt3A_414 = arith.cmpf ogt, %get3A_413, %select_n3A_408 : vector<16xf32>
      %jit3A_415 = arith.constant 5 : i32
      %broadcast_in_dim3A_416 = vector.broadcast %jit3A_415 : i32 to vector<16xi32>
      %select_n3A_417 = arith.select %gt3A_414, %broadcast_in_dim3A_416, %select_n3A_407 : vector<16xi1>, vector<16xi32>
      %select_n3A_418 = arith.select %gt3A_414, %get3A_413, %select_n3A_408 : vector<16xi1>, vector<16xf32>
      %get3A_419 = arith.constant 6 : i32
      %get3A_420 = arith.index_cast %get3A_419 : i32 to index
      %get3A_421 = arith.index_cast %mul3A_361 : i32 to index
      %get3A_422 = tpu.vector_load %arg6[%get3A_420, %get3A_421] {strides = array<i32>} : memref<16x512xf32, #tpu.memory_space<vmem>>, vector<1x16xf32>,
      %get3A_423 = vector.shape_cast %get3A_422 : vector<1x16xf32> to vector<16xf32>
      %gt3A_424 = arith.cmpf ogt, %get3A_423, %select_n3A_418 : vector<16xf32>
      %jit3A_425 = arith.constant 6 : i32
      %broadcast_in_dim3A_426 = vector.broadcast %jit3A_425 : i32 to vector<16xi32>
      %select_n3A_427 = arith.select %gt3A_424, %broadcast_in_dim3A_426, %select_n3A_417 : vector<16xi1>, vector<16xi32>
      %select_n3A_428 = arith.select %gt3A_424, %get3A_423, %select_n3A_418 : vector<16xi1>, vector<16xf32>
      %get3A_429 = arith.constant 7 : i32
      %get3A_430 = arith.index_cast %get3A_429 : i32 to index
      %get3A_431 = arith.index_cast %mul3A_361 : i32 to index
      %get3A_432 = tpu.vector_load %arg6[%get3A_430, %get3A_431] {strides = array<i32>} : memref<16x512xf32, #tpu.memory_space<vmem>>, vector<1x16xf32>,
      %get3A_433 = vector.shape_cast %get3A_432 : vector<1x16xf32> to vector<16xf32>
      %gt3A_434 = arith.cmpf ogt, %get3A_433, %select_n3A_428 : vector<16xf32>
      %jit3A_435 = arith.constant 7 : i32
      %broadcast_in_dim3A_436 = vector.broadcast %jit3A_435 : i32 to vector<16xi32>
      %select_n3A_437 = arith.select %gt3A_434, %broadcast_in_dim3A_436, %select_n3A_427 : vector<16xi1>, vector<16xi32>
      %select_n3A_438 = arith.select %gt3A_434, %get3A_433, %select_n3A_428 : vector<16xi1>, vector<16xf32>
      %get3A_439 = arith.constant 8 : i32
      %get3A_440 = arith.index_cast %get3A_439 : i32 to index
      %get3A_441 = arith.index_cast %mul3A_361 : i32 to index
      %get3A_442 = tpu.vector_load %arg6[%get3A_440, %get3A_441] {strides = array<i32>} : memref<16x512xf32, #tpu.memory_space<vmem>>, vector<1x16xf32>,
      %get3A_443 = vector.shape_cast %get3A_442 : vector<1x16xf32> to vector<16xf32>
      %gt3A_444 = arith.cmpf ogt, %get3A_443, %select_n3A_438 : vector<16xf32>
      %jit3A_445 = arith.constant 8 : i32
      %broadcast_in_dim3A_446 = vector.broadcast %jit3A_445 : i32 to vector<16xi32>
      %select_n3A_447 = arith.select %gt3A_444, %broadcast_in_dim3A_446, %select_n3A_437 : vector<16xi1>, vector<16xi32>
      %select_n3A_448 = arith.select %gt3A_444, %get3A_443, %select_n3A_438 : vector<16xi1>, vector<16xf32>
      %get3A_449 = arith.constant 9 : i32
      %get3A_450 = arith.index_cast %get3A_449 : i32 to index
      %get3A_451 = arith.index_cast %mul3A_361 : i32 to index
      %get3A_452 = tpu.vector_load %arg6[%get3A_450, %get3A_451] {strides = array<i32>} : memref<16x512xf32, #tpu.memory_space<vmem>>, vector<1x16xf32>,
      %get3A_453 = vector.shape_cast %get3A_452 : vector<1x16xf32> to vector<16xf32>
      %gt3A_454 = arith.cmpf ogt, %get3A_453, %select_n3A_448 : vector<16xf32>
      %jit3A_455 = arith.constant 9 : i32
      %broadcast_in_dim3A_456 = vector.broadcast %jit3A_455 : i32 to vector<16xi32>
      %select_n3A_457 = arith.select %gt3A_454, %broadcast_in_dim3A_456, %select_n3A_447 : vector<16xi1>, vector<16xi32>
      %select_n3A_458 = arith.select %gt3A_454, %get3A_453, %select_n3A_448 : vector<16xi1>, vector<16xf32>
      %get3A_459 = arith.constant 10 : i32
      %get3A_460 = arith.index_cast %get3A_459 : i32 to index
      %get3A_461 = arith.index_cast %mul3A_361 : i32 to index
      %get3A_462 = tpu.vector_load %arg6[%get3A_460, %get3A_461] {strides = array<i32>} : memref<16x512xf32, #tpu.memory_space<vmem>>, vector<1x16xf32>,
      %get3A_463 = vector.shape_cast %get3A_462 : vector<1x16xf32> to vector<16xf32>
      %gt3A_464 = arith.cmpf ogt, %get3A_463, %select_n3A_458 : vector<16xf32>
      %jit3A_465 = arith.constant 10 : i32
      %broadcast_in_dim3A_466 = vector.broadcast %jit3A_465 : i32 to vector<16xi32>
      %select_n3A_467 = arith.select %gt3A_464, %broadcast_in_dim3A_466, %select_n3A_457 : vector<16xi1>, vector<16xi32>
      %select_n3A_468 = arith.select %gt3A_464, %get3A_463, %select_n3A_458 : vector<16xi1>, vector<16xf32>
      %get3A_469 = arith.constant 11 : i32
      %get3A_470 = arith.index_cast %get3A_469 : i32 to index
      %get3A_471 = arith.index_cast %mul3A_361 : i32 to index
      %get3A_472 = tpu.vector_load %arg6[%get3A_470, %get3A_471] {strides = array<i32>} : memref<16x512xf32, #tpu.memory_space<vmem>>, vector<1x16xf32>,
      %get3A_473 = vector.shape_cast %get3A_472 : vector<1x16xf32> to vector<16xf32>
      %gt3A_474 = arith.cmpf ogt, %get3A_473, %select_n3A_468 : vector<16xf32>
      %jit3A_475 = arith.constant 11 : i32
      %broadcast_in_dim3A_476 = vector.broadcast %jit3A_475 : i32 to vector<16xi32>
      %select_n3A_477 = arith.select %gt3A_474, %broadcast_in_dim3A_476, %select_n3A_467 : vector<16xi1>, vector<16xi32>
      %select_n3A_478 = arith.select %gt3A_474, %get3A_473, %select_n3A_468 : vector<16xi1>, vector<16xf32>
      %get3A_479 = arith.constant 12 : i32
      %get3A_480 = arith.index_cast %get3A_479 : i32 to index
      %get3A_481 = arith.index_cast %mul3A_361 : i32 to index
      %get3A_482 = tpu.vector_load %arg6[%get3A_480, %get3A_481] {strides = array<i32>} : memref<16x512xf32, #tpu.memory_space<vmem>>, vector<1x16xf32>,
      %get3A_483 = vector.shape_cast %get3A_482 : vector<1x16xf32> to vector<16xf32>
      %gt3A_484 = arith.cmpf ogt, %get3A_483, %select_n3A_478 : vector<16xf32>
      %jit3A_485 = arith.constant 12 : i32
      %broadcast_in_dim3A_486 = vector.broadcast %jit3A_485 : i32 to vector<16xi32>
      %select_n3A_487 = arith.select %gt3A_484, %broadcast_in_dim3A_486, %select_n3A_477 : vector<16xi1>, vector<16xi32>
      %select_n3A_488 = arith.select %gt3A_484, %get3A_483, %select_n3A_478 : vector<16xi1>, vector<16xf32>
      %get3A_489 = arith.constant 13 : i32
      %get3A_490 = arith.index_cast %get3A_489 : i32 to index
      %get3A_491 = arith.index_cast %mul3A_361 : i32 to index
      %get3A_492 = tpu.vector_load %arg6[%get3A_490, %get3A_491] {strides = array<i32>} : memref<16x512xf32, #tpu.memory_space<vmem>>, vector<1x16xf32>,
      %get3A_493 = vector.shape_cast %get3A_492 : vector<1x16xf32> to vector<16xf32>
      %gt3A_494 = arith.cmpf ogt, %get3A_493, %select_n3A_488 : vector<16xf32>
      %jit3A_495 = arith.constant 13 : i32
      %broadcast_in_dim3A_496 = vector.broadcast %jit3A_495 : i32 to vector<16xi32>
      %select_n3A_497 = arith.select %gt3A_494, %broadcast_in_dim3A_496, %select_n3A_487 : vector<16xi1>, vector<16xi32>
      %select_n3A_498 = arith.select %gt3A_494, %get3A_493, %select_n3A_488 : vector<16xi1>, vector<16xf32>
      %get3A_499 = arith.constant 14 : i32
      %get3A_500 = arith.index_cast %get3A_499 : i32 to index
      %get3A_501 = arith.index_cast %mul3A_361 : i32 to index
      %get3A_502 = tpu.vector_load %arg6[%get3A_500, %get3A_501] {strides = array<i32>} : memref<16x512xf32, #tpu.memory_space<vmem>>, vector<1x16xf32>,
      %get3A_503 = vector.shape_cast %get3A_502 : vector<1x16xf32> to vector<16xf32>
      %gt3A_504 = arith.cmpf ogt, %get3A_503, %select_n3A_498 : vector<16xf32>
      %jit3A_505 = arith.constant 14 : i32
      %broadcast_in_dim3A_506 = vector.broadcast %jit3A_505 : i32 to vector<16xi32>
      %select_n3A_507 = arith.select %gt3A_504, %broadcast_in_dim3A_506, %select_n3A_497 : vector<16xi1>, vector<16xi32>
      %select_n3A_508 = arith.select %gt3A_504, %get3A_503, %select_n3A_498 : vector<16xi1>, vector<16xf32>
      %get3A_509 = arith.constant 15 : i32
      %get3A_510 = arith.index_cast %get3A_509 : i32 to index
      %get3A_511 = arith.index_cast %mul3A_361 : i32 to index
      %get3A_512 = tpu.vector_load %arg6[%get3A_510, %get3A_511] {strides = array<i32>} : memref<16x512xf32, #tpu.memory_space<vmem>>, vector<1x16xf32>,
      %get3A_513 = vector.shape_cast %get3A_512 : vector<1x16xf32> to vector<16xf32>
      %gt3A_514 = arith.cmpf ogt, %get3A_513, %select_n3A_508 : vector<16xf32>
      %jit3A_515 = arith.constant 15 : i32
      %broadcast_in_dim3A_516 = vector.broadcast %jit3A_515 : i32 to vector<16xi32>
      %select_n3A_517 = arith.select %gt3A_514, %broadcast_in_dim3A_516, %select_n3A_507 : vector<16xi1>, vector<16xi32>
      %select_n3A_518 = arith.select %gt3A_514, %get3A_513, %select_n3A_508 : vector<16xi1>, vector<16xf32>
      %mul3A_519 = vector.broadcast %squeeze3A : f32 to vector<16xf32>
      %mul3A_520 = arith.mulf %mul3A_519, %select_n3A_518 : vector<16xf32>
      %add3A_521 = vector.broadcast %squeeze3A_59 : f32 to vector<16xf32>
      %add3A_522 = arith.addf %mul3A_520, %add3A_521 : vector<16xf32>
      %neg3A_523 = arith.constant 0.000000e+00 : f32
      %neg3A_524 = vector.broadcast %neg3A_523 : f32 to vector<16xf32>
      %neg3A_525 = arith.subf %neg3A_524, %add3A_522 : vector<16xf32>
      %exp3A_526 = math.exp %neg3A_525 : vector<16xf32>
      %add3A_527 = arith.constant 1.000000e+00 : f32
      %add3A_528 = vector.broadcast %add3A_527 : f32 to vector<16xf32>
      %add3A_529 = arith.addf %add3A_528, %exp3A_526 : vector<16xf32>
      %div3A_530 = arith.constant 1.000000e+00 : f32
      %div3A_531 = vector.broadcast %div3A_530 : f32 to vector<16xf32>
      %div3A_532 = arith.divf %div3A_531, %add3A_529 : vector<16xf32>
      %slice3A_533 = vector.extract_strided_slice %select_n3A_517 {offsets = [0], sizes = [1], strides = [1]} : vector<16xi32> to vector<1xi32>
      %squeeze3A_534 = vector.extract %slice3A_533[0] : i32 from vector<1xi32>
      %slice3A_535 = vector.extract_strided_slice %select_n3A_517 {offsets = [1], sizes = [1], strides = [1]} : vector<16xi32> to vector<1xi32>
      %squeeze3A_536 = vector.extract %slice3A_535[0] : i32 from vector<1xi32>
      %slice3A_537 = vector.extract_strided_slice %select_n3A_517 {offsets = [2], sizes = [1], strides = [1]} : vector<16xi32> to vector<1xi32>
      %squeeze3A_538 = vector.extract %slice3A_537[0] : i32 from vector<1xi32>
      %slice3A_539 = vector.extract_strided_slice %select_n3A_517 {offsets = [3], sizes = [1], strides = [1]} : vector<16xi32> to vector<1xi32>
      %squeeze3A_540 = vector.extract %slice3A_539[0] : i32 from vector<1xi32>
      %slice3A_541 = vector.extract_strided_slice %select_n3A_517 {offsets = [4], sizes = [1], strides = [1]} : vector<16xi32> to vector<1xi32>
      %squeeze3A_542 = vector.extract %slice3A_541[0] : i32 from vector<1xi32>
      %slice3A_543 = vector.extract_strided_slice %select_n3A_517 {offsets = [5], sizes = [1], strides = [1]} : vector<16xi32> to vector<1xi32>
      %squeeze3A_544 = vector.extract %slice3A_543[0] : i32 from vector<1xi32>
      %slice3A_545 = vector.extract_strided_slice %select_n3A_517 {offsets = [6], sizes = [1], strides = [1]} : vector<16xi32> to vector<1xi32>
      %squeeze3A_546 = vector.extract %slice3A_545[0] : i32 from vector<1xi32>
      %slice3A_547 = vector.extract_strided_slice %select_n3A_517 {offsets = [7], sizes = [1], strides = [1]} : vector<16xi32> to vector<1xi32>
      %squeeze3A_548 = vector.extract %slice3A_547[0] : i32 from vector<1xi32>
      %slice3A_549 = vector.extract_strided_slice %select_n3A_517 {offsets = [8], sizes = [1], strides = [1]} : vector<16xi32> to vector<1xi32>
      %squeeze3A_550 = vector.extract %slice3A_549[0] : i32 from vector<1xi32>
      %slice3A_551 = vector.extract_strided_slice %select_n3A_517 {offsets = [9], sizes = [1], strides = [1]} : vector<16xi32> to vector<1xi32>
      %squeeze3A_552 = vector.extract %slice3A_551[0] : i32 from vector<1xi32>
      %slice3A_553 = vector.extract_strided_slice %select_n3A_517 {offsets = [10], sizes = [1], strides = [1]} : vector<16xi32> to vector<1xi32>
      %squeeze3A_554 = vector.extract %slice3A_553[0] : i32 from vector<1xi32>
      %slice3A_555 = vector.extract_strided_slice %select_n3A_517 {offsets = [11], sizes = [1], strides = [1]} : vector<16xi32> to vector<1xi32>
      %squeeze3A_556 = vector.extract %slice3A_555[0] : i32 from vector<1xi32>
      %slice3A_557 = vector.extract_strided_slice %select_n3A_517 {offsets = [12], sizes = [1], strides = [1]} : vector<16xi32> to vector<1xi32>
      %squeeze3A_558 = vector.extract %slice3A_557[0] : i32 from vector<1xi32>
      %slice3A_559 = vector.extract_strided_slice %select_n3A_517 {offsets = [13], sizes = [1], strides = [1]} : vector<16xi32> to vector<1xi32>
      %squeeze3A_560 = vector.extract %slice3A_559[0] : i32 from vector<1xi32>
      %slice3A_561 = vector.extract_strided_slice %select_n3A_517 {offsets = [14], sizes = [1], strides = [1]} : vector<16xi32> to vector<1xi32>
      %squeeze3A_562 = vector.extract %slice3A_561[0] : i32 from vector<1xi32>
      %slice3A_563 = vector.extract_strided_slice %select_n3A_517 {offsets = [15], sizes = [1], strides = [1]} : vector<16xi32> to vector<1xi32>
      %squeeze3A_564 = vector.extract %slice3A_563[0] : i32 from vector<1xi32>
      %slice3A_565 = vector.extract_strided_slice %div3A_532 {offsets = [0], sizes = [1], strides = [1]} : vector<16xf32> to vector<1xf32>
      %squeeze3A_566 = vector.extract %slice3A_565[0] : f32 from vector<1xf32>
      %broadcast_in_dim3A_567 = vector.broadcast %squeeze3A_566 : f32 to vector<16xf32>
      %slice3A_568 = vector.extract_strided_slice %div3A_532 {offsets = [1], sizes = [1], strides = [1]} : vector<16xf32> to vector<1xf32>
      %squeeze3A_569 = vector.extract %slice3A_568[0] : f32 from vector<1xf32>
      %broadcast_in_dim3A_570 = vector.broadcast %squeeze3A_569 : f32 to vector<16xf32>
      %slice3A_571 = vector.extract_strided_slice %div3A_532 {offsets = [2], sizes = [1], strides = [1]} : vector<16xf32> to vector<1xf32>
      %squeeze3A_572 = vector.extract %slice3A_571[0] : f32 from vector<1xf32>
      %broadcast_in_dim3A_573 = vector.broadcast %squeeze3A_572 : f32 to vector<16xf32>
      %slice3A_574 = vector.extract_strided_slice %div3A_532 {offsets = [3], sizes = [1], strides = [1]} : vector<16xf32> to vector<1xf32>
      %squeeze3A_575 = vector.extract %slice3A_574[0] : f32 from vector<1xf32>
      %broadcast_in_dim3A_576 = vector.broadcast %squeeze3A_575 : f32 to vector<16xf32>
      %slice3A_577 = vector.extract_strided_slice %div3A_532 {offsets = [4], sizes = [1], strides = [1]} : vector<16xf32> to vector<1xf32>
      %squeeze3A_578 = vector.extract %slice3A_577[0] : f32 from vector<1xf32>
      %broadcast_in_dim3A_579 = vector.broadcast %squeeze3A_578 : f32 to vector<16xf32>
      %slice3A_580 = vector.extract_strided_slice %div3A_532 {offsets = [5], sizes = [1], strides = [1]} : vector<16xf32> to vector<1xf32>
      %squeeze3A_581 = vector.extract %slice3A_580[0] : f32 from vector<1xf32>
      %broadcast_in_dim3A_582 = vector.broadcast %squeeze3A_581 : f32 to vector<16xf32>
      %slice3A_583 = vector.extract_strided_slice %div3A_532 {offsets = [6], sizes = [1], strides = [1]} : vector<16xf32> to vector<1xf32>
      %squeeze3A_584 = vector.extract %slice3A_583[0] : f32 from vector<1xf32>
      %broadcast_in_dim3A_585 = vector.broadcast %squeeze3A_584 : f32 to vector<16xf32>
      %slice3A_586 = vector.extract_strided_slice %div3A_532 {offsets = [7], sizes = [1], strides = [1]} : vector<16xf32> to vector<1xf32>
      %squeeze3A_587 = vector.extract %slice3A_586[0] : f32 from vector<1xf32>
      %broadcast_in_dim3A_588 = vector.broadcast %squeeze3A_587 : f32 to vector<16xf32>
      %slice3A_589 = vector.extract_strided_slice %div3A_532 {offsets = [8], sizes = [1], strides = [1]} : vector<16xf32> to vector<1xf32>
      %squeeze3A_590 = vector.extract %slice3A_589[0] : f32 from vector<1xf32>
      %broadcast_in_dim3A_591 = vector.broadcast %squeeze3A_590 : f32 to vector<16xf32>
      %slice3A_592 = vector.extract_strided_slice %div3A_532 {offsets = [9], sizes = [1], strides = [1]} : vector<16xf32> to vector<1xf32>
      %squeeze3A_593 = vector.extract %slice3A_592[0] : f32 from vector<1xf32>
      %broadcast_in_dim3A_594 = vector.broadcast %squeeze3A_593 : f32 to vector<16xf32>
      %slice3A_595 = vector.extract_strided_slice %div3A_532 {offsets = [10], sizes = [1], strides = [1]} : vector<16xf32> to vector<1xf32>
      %squeeze3A_596 = vector.extract %slice3A_595[0] : f32 from vector<1xf32>
      %broadcast_in_dim3A_597 = vector.broadcast %squeeze3A_596 : f32 to vector<16xf32>
      %slice3A_598 = vector.extract_strided_slice %div3A_532 {offsets = [11], sizes = [1], strides = [1]} : vector<16xf32> to vector<1xf32>
      %squeeze3A_599 = vector.extract %slice3A_598[0] : f32 from vector<1xf32>
      %broadcast_in_dim3A_600 = vector.broadcast %squeeze3A_599 : f32 to vector<16xf32>
      %slice3A_601 = vector.extract_strided_slice %div3A_532 {offsets = [12], sizes = [1], strides = [1]} : vector<16xf32> to vector<1xf32>
      %squeeze3A_602 = vector.extract %slice3A_601[0] : f32 from vector<1xf32>
      %broadcast_in_dim3A_603 = vector.broadcast %squeeze3A_602 : f32 to vector<16xf32>
      %slice3A_604 = vector.extract_strided_slice %div3A_532 {offsets = [13], sizes = [1], strides = [1]} : vector<16xf32> to vector<1xf32>
      %squeeze3A_605 = vector.extract %slice3A_604[0] : f32 from vector<1xf32>
      %broadcast_in_dim3A_606 = vector.broadcast %squeeze3A_605 : f32 to vector<16xf32>
      %slice3A_607 = vector.extract_strided_slice %div3A_532 {offsets = [14], sizes = [1], strides = [1]} : vector<16xf32> to vector<1xf32>
      %squeeze3A_608 = vector.extract %slice3A_607[0] : f32 from vector<1xf32>
      %broadcast_in_dim3A_609 = vector.broadcast %squeeze3A_608 : f32 to vector<16xf32>
      %slice3A_610 = vector.extract_strided_slice %div3A_532 {offsets = [15], sizes = [1], strides = [1]} : vector<16xf32> to vector<1xf32>
      %squeeze3A_611 = vector.extract %slice3A_610[0] : f32 from vector<1xf32>
      %broadcast_in_dim3A_612 = vector.broadcast %squeeze3A_611 : f32 to vector<16xf32>
      %parallel_loop3A_613 = arith.constant 0 : i32
      %parallel_loop3A_614 = arith.constant 2048 : i32
      %parallel_loop3A_615 = arith.constant 16 : i32
      scf.for %parallel_loop3A_630 = %parallel_loop3A_613 to %parallel_loop3A_614 step %parallel_loop3A_615  : i32 {
        %parallel_loop3A_631 = arith.constant 0 : i32
        %parallel_loop3A_632 = tpu.memref_slice %arg8[%parallel_loop3A_631] : memref<2080xf32, #tpu.memory_space<vmem>> -> memref<2048xf32, #tpu.memory_space<vmem>>
        %parallel_loop3A_633 = arith.index_cast %parallel_loop3A_630 : i32 to index
        %parallel_loop3A_634 = tpu.vector_load %parallel_loop3A_632[%parallel_loop3A_633] {strides = array<i32>} : memref<2048xf32, #tpu.memory_space<vmem>>, vector<16xf32>,
        %parallel_loop3A_635 = vector.shape_cast %parallel_loop3A_634 : vector<16xf32> to vector<16xf32>
        %parallel_loop3A_636 = arith.index_cast %squeeze3A_534 : i32 to index
        %parallel_loop3A_637 = arith.index_cast %parallel_loop3A_630 : i32 to index
        %parallel_loop3A_638 = tpu.vector_load %arg7[%parallel_loop3A_636, %parallel_loop3A_637] {strides = array<i32>} : memref<16x2048xf32, #tpu.memory_space<vmem>>, vector<1x16xf32>,
        %parallel_loop3A_639 = vector.shape_cast %parallel_loop3A_638 : vector<1x16xf32> to vector<16xf32>
        %parallel_loop3A_640 = arith.mulf %broadcast_in_dim3A_567, %parallel_loop3A_639 : vector<16xf32>
        %parallel_loop3A_641 = arith.addf %parallel_loop3A_640, %parallel_loop3A_635 : vector<16xf32>
        %parallel_loop3A_642 = arith.constant 0 : i32
        %parallel_loop3A_643 = arith.index_cast %parallel_loop3A_642 : i32 to index
        %parallel_loop3A_644 = arith.index_cast %parallel_loop3A_630 : i32 to index
        %parallel_loop3A_645 = tpu.vector_load %arg10[%parallel_loop3A_643, %parallel_loop3A_644] {strides = array<i32>} : memref<16x2048xf32, #tpu.memory_space<vmem>>, vector<1x16xf32>,
        %parallel_loop3A_646 = vector.shape_cast %parallel_loop3A_645 : vector<1x16xf32> to vector<16xf32>
        %parallel_loop3A_647 = vector.shape_cast %parallel_loop3A_641 : vector<16xf32> to vector<1x16xf32>
        tpu.vector_store %arg10[%parallel_loop3A_643, %parallel_loop3A_644], %parallel_loop3A_647 {strides = array<i32>} : memref<16x2048xf32, #tpu.memory_space<vmem>>, vector<1x16xf32>,
        %parallel_loop3A_648 = arith.index_cast %squeeze3A_536 : i32 to index
        %parallel_loop3A_649 = arith.index_cast %parallel_loop3A_630 : i32 to index
        %parallel_loop3A_650 = tpu.vector_load %arg7[%parallel_loop3A_648, %parallel_loop3A_649] {strides = array<i32>} : memref<16x2048xf32, #tpu.memory_space<vmem>>, vector<1x16xf32>,
        %parallel_loop3A_651 = vector.shape_cast %parallel_loop3A_650 : vector<1x16xf32> to vector<16xf32>
        %parallel_loop3A_652 = arith.mulf %broadcast_in_dim3A_570, %parallel_loop3A_651 : vector<16xf32>
        %parallel_loop3A_653 = arith.addf %parallel_loop3A_652, %parallel_loop3A_635 : vector<16xf32>
        %parallel_loop3A_654 = arith.constant 1 : i32
        %parallel_loop3A_655 = arith.index_cast %parallel_loop3A_654 : i32 to index
        %parallel_loop3A_656 = arith.index_cast %parallel_loop3A_630 : i32 to index
        %parallel_loop3A_657 = tpu.vector_load %arg10[%parallel_loop3A_655, %parallel_loop3A_656] {strides = array<i32>} : memref<16x2048xf32, #tpu.memory_space<vmem>>, vector<1x16xf32>,
        %parallel_loop3A_658 = vector.shape_cast %parallel_loop3A_657 : vector<1x16xf32> to vector<16xf32>
        %parallel_loop3A_659 = vector.shape_cast %parallel_loop3A_653 : vector<16xf32> to vector<1x16xf32>
        tpu.vector_store %arg10[%parallel_loop3A_655, %parallel_loop3A_656], %parallel_loop3A_659 {strides = array<i32>} : memref<16x2048xf32, #tpu.memory_space<vmem>>, vector<1x16xf32>,
        %parallel_loop3A_660 = arith.index_cast %squeeze3A_538 : i32 to index
        %parallel_loop3A_661 = arith.index_cast %parallel_loop3A_630 : i32 to index
        %parallel_loop3A_662 = tpu.vector_load %arg7[%parallel_loop3A_660, %parallel_loop3A_661] {strides = array<i32>} : memref<16x2048xf32, #tpu.memory_space<vmem>>, vector<1x16xf32>,
        %parallel_loop3A_663 = vector.shape_cast %parallel_loop3A_662 : vector<1x16xf32> to vector<16xf32>
        %parallel_loop3A_664 = arith.mulf %broadcast_in_dim3A_573, %parallel_loop3A_663 : vector<16xf32>
        %parallel_loop3A_665 = arith.addf %parallel_loop3A_664, %parallel_loop3A_635 : vector<16xf32>
        %parallel_loop3A_666 = arith.constant 2 : i32
        %parallel_loop3A_667 = arith.index_cast %parallel_loop3A_666 : i32 to index
        %parallel_loop3A_668 = arith.index_cast %parallel_loop3A_630 : i32 to index
        %parallel_loop3A_669 = tpu.vector_load %arg10[%parallel_loop3A_667, %parallel_loop3A_668] {strides = array<i32>} : memref<16x2048xf32, #tpu.memory_space<vmem>>, vector<1x16xf32>,
        %parallel_loop3A_670 = vector.shape_cast %parallel_loop3A_669 : vector<1x16xf32> to vector<16xf32>
        %parallel_loop3A_671 = vector.shape_cast %parallel_loop3A_665 : vector<16xf32> to vector<1x16xf32>
        tpu.vector_store %arg10[%parallel_loop3A_667, %parallel_loop3A_668], %parallel_loop3A_671 {strides = array<i32>} : memref<16x2048xf32, #tpu.memory_space<vmem>>, vector<1x16xf32>,
        %parallel_loop3A_672 = arith.index_cast %squeeze3A_540 : i32 to index
        %parallel_loop3A_673 = arith.index_cast %parallel_loop3A_630 : i32 to index
        %parallel_loop3A_674 = tpu.vector_load %arg7[%parallel_loop3A_672, %parallel_loop3A_673] {strides = array<i32>} : memref<16x2048xf32, #tpu.memory_space<vmem>>, vector<1x16xf32>,
        %parallel_loop3A_675 = vector.shape_cast %parallel_loop3A_674 : vector<1x16xf32> to vector<16xf32>
        %parallel_loop3A_676 = arith.mulf %broadcast_in_dim3A_576, %parallel_loop3A_675 : vector<16xf32>
        %parallel_loop3A_677 = arith.addf %parallel_loop3A_676, %parallel_loop3A_635 : vector<16xf32>
        %parallel_loop3A_678 = arith.constant 3 : i32
        %parallel_loop3A_679 = arith.index_cast %parallel_loop3A_678 : i32 to index
        %parallel_loop3A_680 = arith.index_cast %parallel_loop3A_630 : i32 to index
        %parallel_loop3A_681 = tpu.vector_load %arg10[%parallel_loop3A_679, %parallel_loop3A_680] {strides = array<i32>} : memref<16x2048xf32, #tpu.memory_space<vmem>>, vector<1x16xf32>,
        %parallel_loop3A_682 = vector.shape_cast %parallel_loop3A_681 : vector<1x16xf32> to vector<16xf32>
        %parallel_loop3A_683 = vector.shape_cast %parallel_loop3A_677 : vector<16xf32> to vector<1x16xf32>
        tpu.vector_store %arg10[%parallel_loop3A_679, %parallel_loop3A_680], %parallel_loop3A_683 {strides = array<i32>} : memref<16x2048xf32, #tpu.memory_space<vmem>>, vector<1x16xf32>,
        %parallel_loop3A_684 = arith.index_cast %squeeze3A_542 : i32 to index
        %parallel_loop3A_685 = arith.index_cast %parallel_loop3A_630 : i32 to index
        %parallel_loop3A_686 = tpu.vector_load %arg7[%parallel_loop3A_684, %parallel_loop3A_685] {strides = array<i32>} : memref<16x2048xf32, #tpu.memory_space<vmem>>, vector<1x16xf32>,
        %parallel_loop3A_687 = vector.shape_cast %parallel_loop3A_686 : vector<1x16xf32> to vector<16xf32>
        %parallel_loop3A_688 = arith.mulf %broadcast_in_dim3A_579, %parallel_loop3A_687 : vector<16xf32>
        %parallel_loop3A_689 = arith.addf %parallel_loop3A_688, %parallel_loop3A_635 : vector<16xf32>
        %parallel_loop3A_690 = arith.constant 4 : i32
        %parallel_loop3A_691 = arith.index_cast %parallel_loop3A_690 : i32 to index
        %parallel_loop3A_692 = arith.index_cast %parallel_loop3A_630 : i32 to index
        %parallel_loop3A_693 = tpu.vector_load %arg10[%parallel_loop3A_691, %parallel_loop3A_692] {strides = array<i32>} : memref<16x2048xf32, #tpu.memory_space<vmem>>, vector<1x16xf32>,
        %parallel_loop3A_694 = vector.shape_cast %parallel_loop3A_693 : vector<1x16xf32> to vector<16xf32>
        %parallel_loop3A_695 = vector.shape_cast %parallel_loop3A_689 : vector<16xf32> to vector<1x16xf32>
        tpu.vector_store %arg10[%parallel_loop3A_691, %parallel_loop3A_692], %parallel_loop3A_695 {strides = array<i32>} : memref<16x2048xf32, #tpu.memory_space<vmem>>, vector<1x16xf32>,
        %parallel_loop3A_696 = arith.index_cast %squeeze3A_544 : i32 to index
        %parallel_loop3A_697 = arith.index_cast %parallel_loop3A_630 : i32 to index
        %parallel_loop3A_698 = tpu.vector_load %arg7[%parallel_loop3A_696, %parallel_loop3A_697] {strides = array<i32>} : memref<16x2048xf32, #tpu.memory_space<vmem>>, vector<1x16xf32>,
        %parallel_loop3A_699 = vector.shape_cast %parallel_loop3A_698 : vector<1x16xf32> to vector<16xf32>
        %parallel_loop3A_700 = arith.mulf %broadcast_in_dim3A_582, %parallel_loop3A_699 : vector<16xf32>
        %parallel_loop3A_701 = arith.addf %parallel_loop3A_700, %parallel_loop3A_635 : vector<16xf32>
        %parallel_loop3A_702 = arith.constant 5 : i32
        %parallel_loop3A_703 = arith.index_cast %parallel_loop3A_702 : i32 to index
        %parallel_loop3A_704 = arith.index_cast %parallel_loop3A_630 : i32 to index
        %parallel_loop3A_705 = tpu.vector_load %arg10[%parallel_loop3A_703, %parallel_loop3A_704] {strides = array<i32>} : memref<16x2048xf32, #tpu.memory_space<vmem>>, vector<1x16xf32>,
        %parallel_loop3A_706 = vector.shape_cast %parallel_loop3A_705 : vector<1x16xf32> to vector<16xf32>
        %parallel_loop3A_707 = vector.shape_cast %parallel_loop3A_701 : vector<16xf32> to vector<1x16xf32>
        tpu.vector_store %arg10[%parallel_loop3A_703, %parallel_loop3A_704], %parallel_loop3A_707 {strides = array<i32>} : memref<16x2048xf32, #tpu.memory_space<vmem>>, vector<1x16xf32>,
        %parallel_loop3A_708 = arith.index_cast %squeeze3A_546 : i32 to index
        %parallel_loop3A_709 = arith.index_cast %parallel_loop3A_630 : i32 to index
        %parallel_loop3A_710 = tpu.vector_load %arg7[%parallel_loop3A_708, %parallel_loop3A_709] {strides = array<i32>} : memref<16x2048xf32, #tpu.memory_space<vmem>>, vector<1x16xf32>,
        %parallel_loop3A_711 = vector.shape_cast %parallel_loop3A_710 : vector<1x16xf32> to vector<16xf32>
        %parallel_loop3A_712 = arith.mulf %broadcast_in_dim3A_585, %parallel_loop3A_711 : vector<16xf32>
        %parallel_loop3A_713 = arith.addf %parallel_loop3A_712, %parallel_loop3A_635 : vector<16xf32>
        %parallel_loop3A_714 = arith.constant 6 : i32
        %parallel_loop3A_715 = arith.index_cast %parallel_loop3A_714 : i32 to index
        %parallel_loop3A_716 = arith.index_cast %parallel_loop3A_630 : i32 to index
        %parallel_loop3A_717 = tpu.vector_load %arg10[%parallel_loop3A_715, %parallel_loop3A_716] {strides = array<i32>} : memref<16x2048xf32, #tpu.memory_space<vmem>>, vector<1x16xf32>,
        %parallel_loop3A_718 = vector.shape_cast %parallel_loop3A_717 : vector<1x16xf32> to vector<16xf32>
        %parallel_loop3A_719 = vector.shape_cast %parallel_loop3A_713 : vector<16xf32> to vector<1x16xf32>
        tpu.vector_store %arg10[%parallel_loop3A_715, %parallel_loop3A_716], %parallel_loop3A_719 {strides = array<i32>} : memref<16x2048xf32, #tpu.memory_space<vmem>>, vector<1x16xf32>,
        %parallel_loop3A_720 = arith.index_cast %squeeze3A_548 : i32 to index
        %parallel_loop3A_721 = arith.index_cast %parallel_loop3A_630 : i32 to index
        %parallel_loop3A_722 = tpu.vector_load %arg7[%parallel_loop3A_720, %parallel_loop3A_721] {strides = array<i32>} : memref<16x2048xf32, #tpu.memory_space<vmem>>, vector<1x16xf32>,
        %parallel_loop3A_723 = vector.shape_cast %parallel_loop3A_722 : vector<1x16xf32> to vector<16xf32>
        %parallel_loop3A_724 = arith.mulf %broadcast_in_dim3A_588, %parallel_loop3A_723 : vector<16xf32>
        %parallel_loop3A_725 = arith.addf %parallel_loop3A_724, %parallel_loop3A_635 : vector<16xf32>
        %parallel_loop3A_726 = arith.constant 7 : i32
        %parallel_loop3A_727 = arith.index_cast %parallel_loop3A_726 : i32 to index
        %parallel_loop3A_728 = arith.index_cast %parallel_loop3A_630 : i32 to index
        %parallel_loop3A_729 = tpu.vector_load %arg10[%parallel_loop3A_727, %parallel_loop3A_728] {strides = array<i32>} : memref<16x2048xf32, #tpu.memory_space<vmem>>, vector<1x16xf32>,
        %parallel_loop3A_730 = vector.shape_cast %parallel_loop3A_729 : vector<1x16xf32> to vector<16xf32>
        %parallel_loop3A_731 = vector.shape_cast %parallel_loop3A_725 : vector<16xf32> to vector<1x16xf32>
        tpu.vector_store %arg10[%parallel_loop3A_727, %parallel_loop3A_728], %parallel_loop3A_731 {strides = array<i32>} : memref<16x2048xf32, #tpu.memory_space<vmem>>, vector<1x16xf32>,
        %parallel_loop3A_732 = arith.index_cast %squeeze3A_550 : i32 to index
        %parallel_loop3A_733 = arith.index_cast %parallel_loop3A_630 : i32 to index
        %parallel_loop3A_734 = tpu.vector_load %arg7[%parallel_loop3A_732, %parallel_loop3A_733] {strides = array<i32>} : memref<16x2048xf32, #tpu.memory_space<vmem>>, vector<1x16xf32>,
        %parallel_loop3A_735 = vector.shape_cast %parallel_loop3A_734 : vector<1x16xf32> to vector<16xf32>
        %parallel_loop3A_736 = arith.mulf %broadcast_in_dim3A_591, %parallel_loop3A_735 : vector<16xf32>
        %parallel_loop3A_737 = arith.addf %parallel_loop3A_736, %parallel_loop3A_635 : vector<16xf32>
        %parallel_loop3A_738 = arith.constant 8 : i32
        %parallel_loop3A_739 = arith.index_cast %parallel_loop3A_738 : i32 to index
        %parallel_loop3A_740 = arith.index_cast %parallel_loop3A_630 : i32 to index
        %parallel_loop3A_741 = tpu.vector_load %arg10[%parallel_loop3A_739, %parallel_loop3A_740] {strides = array<i32>} : memref<16x2048xf32, #tpu.memory_space<vmem>>, vector<1x16xf32>,
        %parallel_loop3A_742 = vector.shape_cast %parallel_loop3A_741 : vector<1x16xf32> to vector<16xf32>
        %parallel_loop3A_743 = vector.shape_cast %parallel_loop3A_737 : vector<16xf32> to vector<1x16xf32>
        tpu.vector_store %arg10[%parallel_loop3A_739, %parallel_loop3A_740], %parallel_loop3A_743 {strides = array<i32>} : memref<16x2048xf32, #tpu.memory_space<vmem>>, vector<1x16xf32>,
        %parallel_loop3A_744 = arith.index_cast %squeeze3A_552 : i32 to index
        %parallel_loop3A_745 = arith.index_cast %parallel_loop3A_630 : i32 to index
        %parallel_loop3A_746 = tpu.vector_load %arg7[%parallel_loop3A_744, %parallel_loop3A_745] {strides = array<i32>} : memref<16x2048xf32, #tpu.memory_space<vmem>>, vector<1x16xf32>,
        %parallel_loop3A_747 = vector.shape_cast %parallel_loop3A_746 : vector<1x16xf32> to vector<16xf32>
        %parallel_loop3A_748 = arith.mulf %broadcast_in_dim3A_594, %parallel_loop3A_747 : vector<16xf32>
        %parallel_loop3A_749 = arith.addf %parallel_loop3A_748, %parallel_loop3A_635 : vector<16xf32>
        %parallel_loop3A_750 = arith.constant 9 : i32
        %parallel_loop3A_751 = arith.index_cast %parallel_loop3A_750 : i32 to index
        %parallel_loop3A_752 = arith.index_cast %parallel_loop3A_630 : i32 to index
        %parallel_loop3A_753 = tpu.vector_load %arg10[%parallel_loop3A_751, %parallel_loop3A_752] {strides = array<i32>} : memref<16x2048xf32, #tpu.memory_space<vmem>>, vector<1x16xf32>,
        %parallel_loop3A_754 = vector.shape_cast %parallel_loop3A_753 : vector<1x16xf32> to vector<16xf32>
        %parallel_loop3A_755 = vector.shape_cast %parallel_loop3A_749 : vector<16xf32> to vector<1x16xf32>
        tpu.vector_store %arg10[%parallel_loop3A_751, %parallel_loop3A_752], %parallel_loop3A_755 {strides = array<i32>} : memref<16x2048xf32, #tpu.memory_space<vmem>>, vector<1x16xf32>,
        %parallel_loop3A_756 = arith.index_cast %squeeze3A_554 : i32 to index
        %parallel_loop3A_757 = arith.index_cast %parallel_loop3A_630 : i32 to index
        %parallel_loop3A_758 = tpu.vector_load %arg7[%parallel_loop3A_756, %parallel_loop3A_757] {strides = array<i32>} : memref<16x2048xf32, #tpu.memory_space<vmem>>, vector<1x16xf32>,
        %parallel_loop3A_759 = vector.shape_cast %parallel_loop3A_758 : vector<1x16xf32> to vector<16xf32>
        %parallel_loop3A_760 = arith.mulf %broadcast_in_dim3A_597, %parallel_loop3A_759 : vector<16xf32>
        %parallel_loop3A_761 = arith.addf %parallel_loop3A_760, %parallel_loop3A_635 : vector<16xf32>
        %parallel_loop3A_762 = arith.constant 10 : i32
        %parallel_loop3A_763 = arith.index_cast %parallel_loop3A_762 : i32 to index
        %parallel_loop3A_764 = arith.index_cast %parallel_loop3A_630 : i32 to index
        %parallel_loop3A_765 = tpu.vector_load %arg10[%parallel_loop3A_763, %parallel_loop3A_764] {strides = array<i32>} : memref<16x2048xf32, #tpu.memory_space<vmem>>, vector<1x16xf32>,
        %parallel_loop3A_766 = vector.shape_cast %parallel_loop3A_765 : vector<1x16xf32> to vector<16xf32>
        %parallel_loop3A_767 = vector.shape_cast %parallel_loop3A_761 : vector<16xf32> to vector<1x16xf32>
        tpu.vector_store %arg10[%parallel_loop3A_763, %parallel_loop3A_764], %parallel_loop3A_767 {strides = array<i32>} : memref<16x2048xf32, #tpu.memory_space<vmem>>, vector<1x16xf32>,
        %parallel_loop3A_768 = arith.index_cast %squeeze3A_556 : i32 to index
        %parallel_loop3A_769 = arith.index_cast %parallel_loop3A_630 : i32 to index
        %parallel_loop3A_770 = tpu.vector_load %arg7[%parallel_loop3A_768, %parallel_loop3A_769] {strides = array<i32>} : memref<16x2048xf32, #tpu.memory_space<vmem>>, vector<1x16xf32>,
        %parallel_loop3A_771 = vector.shape_cast %parallel_loop3A_770 : vector<1x16xf32> to vector<16xf32>
        %parallel_loop3A_772 = arith.mulf %broadcast_in_dim3A_600, %parallel_loop3A_771 : vector<16xf32>
        %parallel_loop3A_773 = arith.addf %parallel_loop3A_772, %parallel_loop3A_635 : vector<16xf32>
        %parallel_loop3A_774 = arith.constant 11 : i32
        %parallel_loop3A_775 = arith.index_cast %parallel_loop3A_774 : i32 to index
        %parallel_loop3A_776 = arith.index_cast %parallel_loop3A_630 : i32 to index
        %parallel_loop3A_777 = tpu.vector_load %arg10[%parallel_loop3A_775, %parallel_loop3A_776] {strides = array<i32>} : memref<16x2048xf32, #tpu.memory_space<vmem>>, vector<1x16xf32>,
        %parallel_loop3A_778 = vector.shape_cast %parallel_loop3A_777 : vector<1x16xf32> to vector<16xf32>
        %parallel_loop3A_779 = vector.shape_cast %parallel_loop3A_773 : vector<16xf32> to vector<1x16xf32>
        tpu.vector_store %arg10[%parallel_loop3A_775, %parallel_loop3A_776], %parallel_loop3A_779 {strides = array<i32>} : memref<16x2048xf32, #tpu.memory_space<vmem>>, vector<1x16xf32>,
        %parallel_loop3A_780 = arith.index_cast %squeeze3A_558 : i32 to index
        %parallel_loop3A_781 = arith.index_cast %parallel_loop3A_630 : i32 to index
        %parallel_loop3A_782 = tpu.vector_load %arg7[%parallel_loop3A_780, %parallel_loop3A_781] {strides = array<i32>} : memref<16x2048xf32, #tpu.memory_space<vmem>>, vector<1x16xf32>,
        %parallel_loop3A_783 = vector.shape_cast %parallel_loop3A_782 : vector<1x16xf32> to vector<16xf32>
        %parallel_loop3A_784 = arith.mulf %broadcast_in_dim3A_603, %parallel_loop3A_783 : vector<16xf32>
        %parallel_loop3A_785 = arith.addf %parallel_loop3A_784, %parallel_loop3A_635 : vector<16xf32>
        %parallel_loop3A_786 = arith.constant 12 : i32
        %parallel_loop3A_787 = arith.index_cast %parallel_loop3A_786 : i32 to index
        %parallel_loop3A_788 = arith.index_cast %parallel_loop3A_630 : i32 to index
        %parallel_loop3A_789 = tpu.vector_load %arg10[%parallel_loop3A_787, %parallel_loop3A_788] {strides = array<i32>} : memref<16x2048xf32, #tpu.memory_space<vmem>>, vector<1x16xf32>,
        %parallel_loop3A_790 = vector.shape_cast %parallel_loop3A_789 : vector<1x16xf32> to vector<16xf32>
        %parallel_loop3A_791 = vector.shape_cast %parallel_loop3A_785 : vector<16xf32> to vector<1x16xf32>
        tpu.vector_store %arg10[%parallel_loop3A_787, %parallel_loop3A_788], %parallel_loop3A_791 {strides = array<i32>} : memref<16x2048xf32, #tpu.memory_space<vmem>>, vector<1x16xf32>,
        %parallel_loop3A_792 = arith.index_cast %squeeze3A_560 : i32 to index
        %parallel_loop3A_793 = arith.index_cast %parallel_loop3A_630 : i32 to index
        %parallel_loop3A_794 = tpu.vector_load %arg7[%parallel_loop3A_792, %parallel_loop3A_793] {strides = array<i32>} : memref<16x2048xf32, #tpu.memory_space<vmem>>, vector<1x16xf32>,
        %parallel_loop3A_795 = vector.shape_cast %parallel_loop3A_794 : vector<1x16xf32> to vector<16xf32>
        %parallel_loop3A_796 = arith.mulf %broadcast_in_dim3A_606, %parallel_loop3A_795 : vector<16xf32>
        %parallel_loop3A_797 = arith.addf %parallel_loop3A_796, %parallel_loop3A_635 : vector<16xf32>
        %parallel_loop3A_798 = arith.constant 13 : i32
        %parallel_loop3A_799 = arith.index_cast %parallel_loop3A_798 : i32 to index
        %parallel_loop3A_800 = arith.index_cast %parallel_loop3A_630 : i32 to index
        %parallel_loop3A_801 = tpu.vector_load %arg10[%parallel_loop3A_799, %parallel_loop3A_800] {strides = array<i32>} : memref<16x2048xf32, #tpu.memory_space<vmem>>, vector<1x16xf32>,
        %parallel_loop3A_802 = vector.shape_cast %parallel_loop3A_801 : vector<1x16xf32> to vector<16xf32>
        %parallel_loop3A_803 = vector.shape_cast %parallel_loop3A_797 : vector<16xf32> to vector<1x16xf32>
        tpu.vector_store %arg10[%parallel_loop3A_799, %parallel_loop3A_800], %parallel_loop3A_803 {strides = array<i32>} : memref<16x2048xf32, #tpu.memory_space<vmem>>, vector<1x16xf32>,
        %parallel_loop3A_804 = arith.index_cast %squeeze3A_562 : i32 to index
        %parallel_loop3A_805 = arith.index_cast %parallel_loop3A_630 : i32 to index
        %parallel_loop3A_806 = tpu.vector_load %arg7[%parallel_loop3A_804, %parallel_loop3A_805] {strides = array<i32>} : memref<16x2048xf32, #tpu.memory_space<vmem>>, vector<1x16xf32>,
        %parallel_loop3A_807 = vector.shape_cast %parallel_loop3A_806 : vector<1x16xf32> to vector<16xf32>
        %parallel_loop3A_808 = arith.mulf %broadcast_in_dim3A_609, %parallel_loop3A_807 : vector<16xf32>
        %parallel_loop3A_809 = arith.addf %parallel_loop3A_808, %parallel_loop3A_635 : vector<16xf32>
        %parallel_loop3A_810 = arith.constant 14 : i32
        %parallel_loop3A_811 = arith.index_cast %parallel_loop3A_810 : i32 to index
        %parallel_loop3A_812 = arith.index_cast %parallel_loop3A_630 : i32 to index
        %parallel_loop3A_813 = tpu.vector_load %arg10[%parallel_loop3A_811, %parallel_loop3A_812] {strides = array<i32>} : memref<16x2048xf32, #tpu.memory_space<vmem>>, vector<1x16xf32>,
        %parallel_loop3A_814 = vector.shape_cast %parallel_loop3A_813 : vector<1x16xf32> to vector<16xf32>
        %parallel_loop3A_815 = vector.shape_cast %parallel_loop3A_809 : vector<16xf32> to vector<1x16xf32>
        tpu.vector_store %arg10[%parallel_loop3A_811, %parallel_loop3A_812], %parallel_loop3A_815 {strides = array<i32>} : memref<16x2048xf32, #tpu.memory_space<vmem>>, vector<1x16xf32>,
        %parallel_loop3A_816 = arith.index_cast %squeeze3A_564 : i32 to index
        %parallel_loop3A_817 = arith.index_cast %parallel_loop3A_630 : i32 to index
        %parallel_loop3A_818 = tpu.vector_load %arg7[%parallel_loop3A_816, %parallel_loop3A_817] {strides = array<i32>} : memref<16x2048xf32, #tpu.memory_space<vmem>>, vector<1x16xf32>,
        %parallel_loop3A_819 = vector.shape_cast %parallel_loop3A_818 : vector<1x16xf32> to vector<16xf32>
        %parallel_loop3A_820 = arith.mulf %broadcast_in_dim3A_612, %parallel_loop3A_819 : vector<16xf32>
        %parallel_loop3A_821 = arith.addf %parallel_loop3A_820, %parallel_loop3A_635 : vector<16xf32>
        %parallel_loop3A_822 = arith.constant 15 : i32
        %parallel_loop3A_823 = arith.index_cast %parallel_loop3A_822 : i32 to index
        %parallel_loop3A_824 = arith.index_cast %parallel_loop3A_630 : i32 to index
        %parallel_loop3A_825 = tpu.vector_load %arg10[%parallel_loop3A_823, %parallel_loop3A_824] {strides = array<i32>} : memref<16x2048xf32, #tpu.memory_space<vmem>>, vector<1x16xf32>,
        %parallel_loop3A_826 = vector.shape_cast %parallel_loop3A_825 : vector<1x16xf32> to vector<16xf32>
        %parallel_loop3A_827 = vector.shape_cast %parallel_loop3A_821 : vector<16xf32> to vector<1x16xf32>
        tpu.vector_store %arg10[%parallel_loop3A_823, %parallel_loop3A_824], %parallel_loop3A_827 {strides = array<i32>} : memref<16x2048xf32, #tpu.memory_space<vmem>>, vector<1x16xf32>,
      } {sc.loop_unroll_factor = 8 : i64, sc.parallel_access}
      %mul3A_616 = arith.constant 2 : i32
      %mul3A_617 = arith.muli %mul3A_616, %scan3A_82 : i32
      %add3A_618 = arith.constant 1 : i32
      %add3A_619 = arith.addi %mul3A_617, %add3A_618 : i32
      %mul3A_620 = arith.constant 16 : i32
      %mul3A_621 = arith.muli %add3A_619, %mul3A_620 : i32
      %add3A_622 = arith.addi %mul3A_32, %mul3A_621 : i32
      %dma_start3A_623 = arith.constant 0 : i32
      %dma_start3A_624 = tpu.memref_slice %arg5[%select_n3A, %add3A_622, %dma_start3A_623] : memref<4x4096x2048xf32, #tpu.memory_space<hbm>> -> memref<1x16x2048xf32, #tpu.memory_space<hbm>>
      %dma_start3A_625 = tpu.memref_squeeze %dma_start3A_624 : memref<1x16x2048xf32, #tpu.memory_space<hbm>> -> memref<16x2048xf32, #tpu.memory_space<hbm>>
      %dma_start3A_626 = arith.constant 0 : i32
      %dma_start3A_627 = tpu.memref_slice %arg5[%select_n3A, %add3A_622, %dma_start3A_626] : memref<4x4096x2048xf32, #tpu.memory_space<hbm>> -> memref<1x16x2048xf32, #tpu.memory_space<hbm>>
      %dma_start3A_628 = tpu.memref_squeeze %dma_start3A_627 : memref<1x16x2048xf32, #tpu.memory_space<hbm>> -> memref<16x2048xf32, #tpu.memory_space<hbm>>
      tpu.enqueue_dma source(%arg10 : memref<16x2048xf32, #tpu.memory_space<vmem>>) target(%dma_start3A_628 : memref<16x2048xf32, #tpu.memory_space<hbm>>) target_semaphore(%arg12 : memref<!tpu.dma_semaphore, #tpu.memory_space<semaphore_mem>>)
      %scan3A_629 = arith.constant 0 : i32
      scf.yield %scan3A_629 : i32
    }
    %scan3A_65 = arith.constant 16 : i32
    %add3A_66 = arith.constant 0 : i32
    %add3A_67 = arith.addi %mul3A_32, %add3A_66 : i32
    %dma_wait3A_68 = arith.constant 0 : i32
    %dma_wait3A_69 = tpu.memref_slice %arg5[%select_n3A, %add3A_67, %dma_wait3A_68] : memref<4x4096x2048xf32, #tpu.memory_space<hbm>> -> memref<1x16x2048xf32, #tpu.memory_space<hbm>>
    %dma_wait3A_70 = tpu.memref_squeeze %dma_wait3A_69 : memref<1x16x2048xf32, #tpu.memory_space<hbm>> -> memref<16x2048xf32, #tpu.memory_space<hbm>>
    %dma_wait3A_71 = arith.constant 0 : i32
    %dma_wait3A_72 = tpu.memref_slice %arg5[%select_n3A, %add3A_67, %dma_wait3A_71] : memref<4x4096x2048xf32, #tpu.memory_space<hbm>> -> memref<1x16x2048xf32, #tpu.memory_space<hbm>>
    %dma_wait3A_73 = tpu.memref_squeeze %dma_wait3A_72 : memref<1x16x2048xf32, #tpu.memory_space<hbm>> -> memref<16x2048xf32, #tpu.memory_space<hbm>>
    tpu.wait_dma2 semaphore(%arg11 : memref<!tpu.dma_semaphore, #tpu.memory_space<semaphore_mem>>) src(%arg9 : memref<16x2048xf32, #tpu.memory_space<vmem>>) dst(%dma_wait3A_73 : memref<16x2048xf32, #tpu.memory_space<hbm>>)
    %add3A_74 = arith.constant 0 : i32
    %add3A_75 = arith.addi %mul3A_32, %add3A_74 : i32
    %dma_wait3A_76 = arith.constant 0 : i32
    %dma_wait3A_77 = tpu.memref_slice %arg5[%select_n3A, %add3A_75, %dma_wait3A_76] : memref<4x4096x2048xf32, #tpu.memory_space<hbm>> -> memref<1x16x2048xf32, #tpu.memory_space<hbm>>
    %dma_wait3A_78 = tpu.memref_squeeze %dma_wait3A_77 : memref<1x16x2048xf32, #tpu.memory_space<hbm>> -> memref<16x2048xf32, #tpu.memory_space<hbm>>
    %dma_wait3A_79 = arith.constant 0 : i32
    %dma_wait3A_80 = tpu.memref_slice %arg5[%select_n3A, %add3A_75, %dma_wait3A_79] : memref<4x4096x2048xf32, #tpu.memory_space<hbm>> -> memref<1x16x2048xf32, #tpu.memory_space<hbm>>
    %dma_wait3A_81 = tpu.memref_squeeze %dma_wait3A_80 : memref<1x16x2048xf32, #tpu.memory_space<hbm>> -> memref<16x2048xf32, #tpu.memory_space<hbm>>
    tpu.wait_dma2 semaphore(%arg12 : memref<!tpu.dma_semaphore, #tpu.memory_space<semaphore_mem>>) src(%arg10 : memref<16x2048xf32, #tpu.memory_space<vmem>>) dst(%dma_wait3A_81 : memref<16x2048xf32, #tpu.memory_space<hbm>>)
    return
  }
}

module attributes {stable_mosaic.version = 14 : i64} {
  func.func @_mm_body(%arg0: i32, %arg1: memref<64x2048xf32, #tpu.memory_space<vmem>>, %arg2: memref<512x2048xf32, #tpu.memory_space<vmem>>, %arg3: memref<64x512xf32, #tpu.memory_space<vmem>>) attributes {dimension_semantics = [#tpu.dimension_semantics<arbitrary>], iteration_bounds = array<i64: 4>, scalar_prefetch = 0 : i64, scratch_operands = 0 : i64, tpu.core_type = #tpu.core_type<tc>, window_params = [{pipeline_mode = #tpu.pipeline_mode<synchronous>, transform_indices = @transform_0, window_bounds = array<i64: 64, 2048>}, {transform_indices = @transform_1, window_bounds = array<i64: 512, 2048>}, {transform_indices = @transform_2, window_bounds = array<i64: 64, 512>}]} {
    %get3A = arith.constant 0 : index
    %get3A_0 = arith.constant 0 : index
    %get3A_1 = vector.load %arg1[%get3A, %get3A_0] : memref<64x2048xf32, #tpu.memory_space<vmem>>, vector<64x2048xf32>
    %get3A_2 = arith.constant 0 : index
    %get3A_3 = arith.constant 0 : index
    %get3A_4 = vector.load %arg2[%get3A_2, %get3A_3] : memref<512x2048xf32, #tpu.memory_space<vmem>>, vector<512x2048xf32>
    %dot_general3A = arith.constant dense<0.000000e+00> : vector<64x512xf32>
    %dot_general3A_5 = tpu.matmul %get3A_1, %get3A_4, %dot_general3A {dimension_numbers = #tpu.dot_dimension_numbers<[1], [1], [0], [0], [0, 0, 1, 0], [], []>, transpose_lhs_hint = false} : vector<64x2048xf32>, vector<512x2048xf32>, vector<64x512xf32> -> vector<64x512xf32>
    %swap3A = arith.constant 0 : index
    %swap3A_6 = arith.constant 0 : index
    %swap3A_7 = vector.load %arg3[%swap3A, %swap3A_6] : memref<64x512xf32, #tpu.memory_space<vmem>>, vector<64x512xf32>
    tpu.vector_store %arg3[%swap3A, %swap3A_6], %dot_general3A_5 {strides = array<i32>} : memref<64x512xf32, #tpu.memory_space<vmem>>, vector<64x512xf32>,
    return
  }
  func.func @transform_0(%arg0: i32) -> (i32, i32) {
    %c0_i32 = arith.constant 0 : i32
    %c0_i32_0 = arith.constant 0 : i32
    %c0_i32_1 = arith.constant 0 : i32
    return %c0_i32, %c0_i32_0 : i32, i32
  }
  func.func @transform_1(%arg0: i32) -> (i32, i32) {
    %c0_i32 = arith.constant 0 : i32
    %c0_i32_0 = arith.constant 0 : i32
    return %arg0, %c0_i32 : i32, i32
  }
  func.func @transform_2(%arg0: i32) -> (i32, i32) {
    %c0_i32 = arith.constant 0 : i32
    %c0_i32_0 = arith.constant 0 : i32
    return %c0_i32, %arg0 : i32, i32
  }
}

</mosaic_0001>

<sc_bundles>
// kernel: kernel.4.cloned.1.call-start
scs
__scs_entry_jumppad:
0x0: {  	(pc) =	sbr.rel $0x88, $3  }
0x1: {  	(tag) =	ssettag $0x0;
	lr =	simm.s32 $0x1  }
0x2: {  	[smem:$0x3F9B] =	sst lr;
	_ =	strace $0xD0000000  }
0x3: {  	_ = 	snop  }
0x4: {  	_ = 	snop  }
0x5: {  	_ = 	snop  }
0x6: {  	_ = 	snop  }
0x7: {  	_ = 	snop  }
__scs_overlays_trampoline_lowered:
0x8: {  	[smem:$0x3FAA] =	sst s0  }
0x9: {  	[smem:$0x3FAB] =	sst s1  }
0xa: {  	[smem:$0x3FAC] =	sst s2  }
0xb: {  	[smem:$0x3FAD] =	sst s3  }
0xc: {  	[smem:$0x3FAE] =	sst s4  }
0xd: {  	[smem:$0x3FAF] =	sst s5  }
0xe: {  	[smem:$0x3FB0] =	sst s6  }
0xf: {  	[smem:$0x3FB1] =	sst s7  }
0x10: {  	[smem:$0x3FB2] =	sst s8  }
0x11: {  	[smem:$0x3FB3] =	sst s9;
	s0 =	simm.s32 @!p0 $0x0  }
0x12: {  	s1 =	sld [smem:$0x3F99];
	s0 =	simm.s32 @p0 $0x1  }
0x13: {  	[smem:$0x3FB4] =	sst s0;
	s0 =	simm.s32 @!p1 $0x0  }
0x14: {  	s2 =	sld [smem:$0x3F98];
	s0 =	simm.s32 @p1 $0x1  }
0x15: {  	[smem:$0x3FB5] =	sst s0;
	s0 =	simm.s32 @!p2 $0x0  }
0x16: {  	s3 =	sld [smem:$0x3FDB];
	s0 =	simm.s32 @p2 $0x1  }
0x17: {  	s4 =	simm.s32 $0x1BF5;
	[smem:$0x3FB7] =	sst s0  }
0x18: {  	s0 =	sld [smem:$0x3F9A];
	_ =	swait.ge [sflag:s4], $0x0  }
0x19: {  	s7 =	sld [smem:$0x3F9B]  }
0x1a: {  	s8 =	sadd.s32 $0xFFFFE003, lr  }
0x1b: {  	s9 =	sadd.s32 $0xFFFFFEF7, lr;
	s5 =	simm.s32 $0xFFFFFFFF;
	p2 =	slt.u32 s8, $0xFFFFF086  }
0x1c: {  	p1 =	slt.u32 s9, $0xF7A;
	s5 =	simm.s32 @!p2 $0x0  }
0x1d: {  	s5 =	simm.s32 @p1 $0x1;
	p0 =	seq.s32 s7, s2  }
0x1e: {  	s7 =	smul.u32 @!p0 $0xF7A, s2;
	p2 =	seq.s32 @!p0 s5, $0x0  }
0x1f: {  	s9 =	smul.u32 $0xF7A, s1;
	s8 =	simm.s32 @!p0 $0x1BF5;
	p2 =	por !p2, p0  }
0x20: {  	[sflag:s8] =	ssyncset.s32 @!p0 $0xFFFFF086;
	s6 =	sadd.s32 @!p0 s3, s7;
	s7 =	simm.s32 @!p0 $0x108  }
0x21: {  	s3 =	sadd.s32 s3, s9;
	s6 =	sadd.s32 @!p0 $0x88, s6;
	s7 =	simm.s32 @p2 $0x1082  }
0x22: {  	[simem:s7], [sflag:s8] =	dma.local @!p0 [hbm:s6], $0xF7A  }
0x23: {  	s9 =	sor.u32 $0xD0000000, s2;
	s6 =	simm.s32 $0x108;
	_ =	swait.ge @!p0 [sflag:s8], $0x0  }
0x24: {  	s3 =	sadd.s32 $0x88, s3;
	s6 =	simm.s32 @!p1 $0x1082;
	[sflag:s4] =	ssyncset.s32 $0xFFFFF086  }
0x25: {  	[simem:s6], [sflag:s4] =	dma.local [hbm:s3], $0xF7A  }
0x26: {  	[smem:$0x3F9B] =	sst s1;
	(tag) =	ssettag s2;
	_ =	strace s9  }
0x27: {  	s1 =	sld [smem:$0x3FAB]  }
0x28: {  	s2 =	sld [smem:$0x3FAC]  }
0x29: {  	s4 =	sld [smem:$0x3FAE]  }
0x2a: {  	p0 =	seq.s32 s5, $0x0;
	s5 =	sld [smem:$0x3FAF]  }
0x2b: {  	s6 =	sld [smem:$0x3FB0]  }
0x2c: {  	s7 =	sld [smem:$0x3FB1]  }
0x2d: {  	s3 =	simm.s32 $0x108;
	s8 =	sld [smem:$0x3FB2]  }
0x2e: {  	s3 =	simm.s32 @!p0 $0x1082;
	s9 =	sld [smem:$0x3FB3]  }
0x2f: {  	lr =	sadd.s32 s0, s3;
	s0 =	sld [smem:$0x3FAA]  }
0x30: {  	s3 =	sld [smem:$0x3FAD]  }
0x31: {  	[smem:$0x3FB6] =	sst s10  }
0x32: {  	s10 =	sld [smem:$0x3FB4];
	_ =	sdelay $0x3  }
0x33: {  	p0 =	seq.s32 s10, $0x1;
	s10 =	sld [smem:$0x3FB6];
	_ =	sdelay $0x3  }
0x34: {  	[smem:$0x3FB6] =	sst s10  }
0x35: {  	s10 =	sld [smem:$0x3FB5];
	_ =	sdelay $0x3  }
0x36: {  	p1 =	seq.s32 s10, $0x1;
	s10 =	sld [smem:$0x3FB6];
	_ =	sdelay $0x3  }
0x37: {  	[smem:$0x3FB6] =	sst s10  }
0x38: {  	s10 =	sld [smem:$0x3FB7]  }
0x39: {  	_ = 	snop;
	(pc) =	sbr.ind lr, $3  }
0x3a: {  	_ = 	snop  }
0x3b: {  	_ = 	snop  }
0x3c: {  	p2 =	seq.s32 s10, $0x1;
	s10 =	sld [smem:$0x3FB6]  }
0x3d: {  	_ =	shalt  }
0x3e: {  	_ =	shalt  }
0x3f: {  	_ =	shalt  }
0x40: {  	_ =	shalt  }
0x41: {  	_ =	shalt  }
0x42: {  	_ =	shalt  }
0x43: {  	_ =	shalt  }
0x44: {  	_ =	shalt  }
0x45: {  	_ =	shalt  }
0x46: {  	_ =	shalt  }
0x47: {  	_ =	shalt  }
0x48: {  	_ =	shalt  }
0x49: {  	_ =	shalt  }
0x4a: {  	_ =	shalt  }
0x4b: {  	_ =	shalt  }
0x4c: {  	_ =	shalt  }
0x4d: {  	_ =	shalt  }
0x4e: {  	_ =	shalt  }
0x4f: {  	_ =	shalt  }
0x50: {  	_ =	shalt  }
0x51: {  	_ =	shalt  }
0x52: {  	_ =	shalt  }
0x53: {  	_ =	shalt  }
0x54: {  	_ =	shalt  }
0x55: {  	_ =	shalt  }
0x56: {  	_ =	shalt  }
0x57: {  	_ =	shalt  }
0x58: {  	_ =	shalt  }
0x59: {  	_ =	shalt  }
0x5a: {  	_ =	shalt  }
0x5b: {  	_ =	shalt  }
0x5c: {  	_ =	shalt  }
0x5d: {  	_ =	shalt  }
0x5e: {  	_ =	shalt  }
0x5f: {  	_ =	shalt  }
0x60: {  	_ =	shalt  }
0x61: {  	_ =	shalt  }
0x62: {  	_ =	shalt  }
0x63: {  	_ =	shalt  }
0x64: {  	_ =	shalt  }
0x65: {  	_ =	shalt  }
0x66: {  	_ =	shalt  }
0x67: {  	_ =	shalt  }
0x68: {  	_ =	shalt  }
0x69: {  	_ =	shalt  }
0x6a: {  	_ =	shalt  }
0x6b: {  	_ =	shalt  }
0x6c: {  	_ =	shalt  }
0x6d: {  	_ =	shalt  }
0x6e: {  	_ =	shalt  }
0x6f: {  	_ =	shalt  }
0x70: {  	_ =	shalt  }
0x71: {  	_ =	shalt  }
0x72: {  	_ =	shalt  }
0x73: {  	_ =	shalt  }
0x74: {  	_ =	shalt  }
0x75: {  	_ =	shalt  }
0x76: {  	_ =	shalt  }
0x77: {  	_ =	shalt  }
0x78: {  	_ =	shalt  }
0x79: {  	_ =	shalt  }
0x7a: {  	_ =	shalt  }
0x7b: {  	_ =	shalt  }
0x7c: {  	_ =	shalt  }
0x7d: {  	_ =	shalt  }
0x7e: {  	_ =	shalt  }
0x7f: {  	_ =	shalt  }
0x80: {  	_ =	shalt  }
0x81: {  	_ =	shalt  }
0x82: {  	_ =	shalt  }
0x83: {  	_ =	shalt  }
0x84: {  	_ =	shalt  }
0x85: {  	_ =	shalt  }
0x86: {  	_ =	shalt  }
0x87: {  	_ =	shalt  }
.Lfunc_end0:
.L_simem_size_0:
called_computation_lowered:
.L_overlay_start_0:
0x88: {  	s2 =	sld [smem:$0x3FD9]  }
0x89: {  	s3 =	sld [smem:$0x3FFE];
	_ =	sdelay $0x1  }
0x8a: {  	s1 =	srdreg.scid  }
0x8b: {  	s0 =	sand.u32 $0x1, s1  }
0x8c: {  	s17 =	sshll.u32 s0, $0xA;
	s2 =	sadd.s32 s3, s2  }
0x8d: {  	s2 =	sadd.s32 s2, s17  }
0x8e: {  	[smem:$0x3FC2] =	sst s2  }
0x8f: {  	_ = 	snop  }
0x90: {  	s2 =	sld [smem:$0x3FC8]  }
0x91: {  	s18 =	sld [smem:$0x3FD0];
	(tm) =	ssettm $0x1  }
0x92: {  	s4 =	sld [smem:$0x3FFB];
	_ =	sdelay $0x3  }
0x93: {  	_ =	strace s4  }
0x94: {  	s4 =	sld [smem:$0x3FFC];
	_ =	sdelay $0x3  }
0x95: {  	_ =	strace s4  }
0x96: {  	s4 =	sld [smem:$0x3FFD];
	_ =	sdelay $0x3  }
0x97: {  	_ =	strace s4  }
0x98: {  	_ =	strace $0x8FFFFFFF  }
0x99: {  	s19 =	sld [smem:$0x3FDB];
	_ =	sdelay $0x1  }
0x9a: {  	s5 =	simm.s32 $_scs_section_size  }
0x9b: {  	s6 =	simm.s32 $_size__tile_overlayer_lowered;
	s7 =	simm.s32 $_tile_overlayer_lowered  }
0x9c: {  	s22 =	simm.s32 $0x1BFF;
	s21 =	sshll.u32 s7, $0x1;
	s4 =	sadd.s32 s5, s19  }
0x9d: {  	s8 =	simm.s32 $0x0;
	s20 =	sshll.u32 s6, $0x1;
	s6 =	sadd.s32 s21, s4  }
0x9e: {  	[timem:s8], [sflag:s22] =	dma.local [hbm:s6], s20  }
0x9f: {  	_ =	swait.ge [sflag:s22], s20  }
0xa0: {  	s5 =	ssub.s32 $0x0, s20;
	[sflag:s22] =	ssyncset.done $0x0  }
0xa1: {  	[sflag:s22] =	ssyncadd.s32 s5;
	_ =	sdelay $0x1  }
0xa2: {  	s23 =	simm.s32 $0x1B8B  }
0xa3: {  	_ =	swait.ge [sflag:s23], $0x1  }
0xa4: {  	[sflag:s23] =	ssyncset.done $0x0  }
0xa5: {  	s25 =	simm.s32 $0x1B8E;
	s24 =	sld [smem:$0x3FFE];
	[sflag:s23] =	ssyncadd.s32 $0xFFFFFFFF  }
0xa6: {  	s26 =	simm.s32 $execute0_lowered;
	[smem:$0x3FD2] =	sst s25  }
0xa7: {  	s6 =	sshll.u32 s26, $0x1;
	_ =	strace $0x80000046;
	[dreg:$0x1] =	wrdreg $0xFFFFFFFF  }
0xa8: {  	s28 =	simm.s32 $_size_execute0_lowered;
	s4 =	sadd.s32 s4, s6;
	[dreg:$0x0] =	wrdreg $0x0  }
0xa9: {  	s6 =	sshll.u32 s28, $0x1;
	[dreg:$0x2] =	wrdreg s4  }
0xaa: {  	[dreg:$0x3] =	wrdreg s6  }
0xab: {  	[dreg:$0x4] =	wrdreg $0xC0  }
0xac: {  	_ =	task [dreg:s8], $0x5FFFF  }
0xad: {  	[dreg:$0x1] =	wrdreg $0xFFFFFFFF  }
0xae: {  	[dreg:$0x0] =	wrdreg $0x60  }
0xaf: {  	[dreg:$0x2] =	wrdreg s24  }
0xb0: {  	[dreg:$0x3] =	wrdreg s2  }
0xb1: {  	[dreg:$0x4] =	wrdreg s18  }
0xb2: {  	[dreg:$0x5] =	wrdreg $0x9  }
0xb3: {  	_ =	task.clear_ibuf [dreg:s8], $0x6FFFF;
	_ =	strace $0x90000046  }
0xb4: {  	s29 =	simm.s32 $0x9;
	_ =	strace $0x80000048  }
0xb5: {  	_ =	swait.ge [sflag:s29], $0x1  }
0xb6: {  	[sflag:s29] =	ssyncadd.s32 $0xFFFFFFFF  }
0xb7: {  	_ =	strace $0x90000048  }
0xb8: {  	_ =	sfence  }
0xb9: {  	s30 =	sld [smem:$0x0];
	_ =	sdelay $0x2  }
0xba: {  	s31 =	sshll.u32 s1, $0xD;
	s1 =	sshrl.u32 s1, $0x2  }
0xbb: {  	s3 =	sand.u32 $0x4000, s31;
	s1 =	sadd.s32 s1, s30  }
0xbc: {  	s0 =	sor.u32 s3, s0;
	s1 =	sshll.u32 s1, $0x11  }
0xbd: {  	s0 =	sor.u32 s1, s0  }
0xbe: {  	s0 =	sadd.s32 $0x8F2B, s0  }
0xbf: {  	[sflag:s0] =	ssyncadd.remote.s32 $0x1  }
0xc0: {  	_ =	sfence.sel $0xFFFF  }
0xc1: {  	[dreg:$0x0] =	wrdreg $0xFFFFFFFF;
	(pc) =	sbr.abs _section_cstart, $3  }
0xc2: {  	[dreg:$0x1] =	wrdreg $0xFFFFFFFF  }
0xc3: {  	_ =	task.clear_ibuf [dreg:s8], $0x2FFFF;
	_ =	strace $0x9FFFFFFF  }
0xc4: {  	(tm) =	ssettm $0x7FFFFFFF  }
0xc5: {  	_ =	shalt  }
tec
execute0_lowered:
.L_overlay_start_1:
0x0: {  	(tag) =	ssettag $0x1  }
0x1: {  	s0 =	rddreg [dreg:$0x0]  }
0x2: {  	s1 =	rddreg [dreg:$0x1]  }
0x3: {  	s2 =	rddreg [dreg:$0x2];
	s3 =	simm.s32 $0x0;
	s7 =	stileid.u32  }
0x4: {  	s5 =	srdreg.scid;
	s14 =	simm.s32 $0x3;
	s15 =	simm.s32 $0x1  }
0x5: {  	s16 =	simm.s32 $0x2;
	s17 =	simm.s32 $0xA880;
	s18 =	simm.s32 $0x12880  }
0x6: {  	s19 =	simm.s32 $0x0;
	[smem:$0x7FF] =	sst s3;
	s8 =	sshrl.u32 s7, $0x2  }
0x7: {  	s7 =	sshll.u32 s7, $0x1;
	s26 =	sand.u32 $0x1, s5;
	_ =	strace $0x80000047  }
0x8: {  	s4 =	sshll.u32 s8, $0xC;
	s28 =	sand.u32 $0x6, s7;
	s29 =	ssub.s32 $0x2, s26  }
0x9: {  	s9 =	sshll.u32 s8, $0xD;
	s8 =	sshll.u32 s8, $0x17;
	s6 =	sadd.s32 s4, s0  }
0xa: {  	s4 =	sadd.s32 $0x4C00, s0;
	s0 =	sor.u32 s26, s28;
	s10 =	sshrl.u32 s29, $0x1  }
0xb: {  	s30 =	sadd.s32 s1, s9;
	s5 =	sshll.u32 s0, $0x9;
	s31 =	ssub.s32 s29, s10  }
0xc: {  	v0 =	vimm.s32 $0x0;
	s6 =	sadd.s32 $0xC00, s6;
	s7 =	sadd.s32 s5, s30;
	s9 =	smax.u32 s31, $0x1  }
.LBB2_1:
0xd: {  	s0 =	simm.s32 $0x2000  }
0xe: {  	[tilespmem:s0], [sflag:$0x1] =	stream.linear.gather [hbm4b:s6+s3], $0x8000, $0x38;
	[tilespmem:$0x1A880] =	vst v63  }
0xf: {  	s30 =	simm.s32 $0x1000;
	s1 =	simm.s32 $0x8000  }
0x10: {  	[tilespmem:s3], [sflag:$0x2] =	stream.strided.gather [hbm4b:s7+s30], $0x2000, s1, s30, $0x38;
	[tilespmem:$0x1A880] =	vst v63  }
0x11: {  	s31 =	simm.s32 $0xA000  }
0x12: {  	[tilespmem:s31], [sflag:$0x3] =	stream.linear.gather [hbm4b:s4+s3], $0x880, $0x38;
	[tilespmem:$0x1A880] =	vst v63  }
0x13: {  	_ =	swait.ge [sflag:s14], $0x880  }
0x14: {  	[sflag:s14] =	ssyncset.done $0x0  }
0x15: {  	[sflag:s14] =	ssyncadd.s32 $0xFFFFF780  }
0x16: {  	_ =	swait.ge [sflag:s15], $0x8000  }
0x17: {  	[sflag:s15] =	ssyncset.done $0x0  }
0x18: {  	[sflag:s15] =	ssyncadd.s32 $0xFFFF8000  }
0x19: {  	_ =	swait.ge [sflag:s16], $0x2000  }
0x1a: {  	[sflag:s16] =	ssyncset.done $0x0  }
0x1b: {  	[sflag:s16] =	ssyncadd.s32 $0xFFFFE000  }
0x1c: {  	v1 =	vld.msk [tilespmem:$0xA800 ss:$0x0], $0xffff  }
0x1d: {  	s20 =	simm.s32 $0x0;
	v2 =	vld.msk [tilespmem:$0xA810 ss:$0x0], $0xffff  }
.LBB2_2:
0x1e: {  	p0 =	seq.s32 s20, $0x0  }
0x1f: {  	s0 =	simm.s32 @!p0 $0x1  }
0x20: {  	s22 =	sshll.u32 s20, $0x5;
	s21 =	sshll.u32 s20, $0x8;
	_ =	swait.ge @!p0 [sflag:s0], $0x8000  }
0x21: {  	s1 =	sand.u32 $0x60, s22;
	s23 =	sand.u32 $0xC00, s21;
	[sflag:s0] =	ssyncset.done @!p0 $0x0  }
0x22: {  	s13 =	sor.u32 s1, s23;
	[sflag:s0] =	ssyncadd.s32 @!p0 $0xFFFF8000  }
0x23: {  	v3 =	vld [tilespmem:s13+$0x0]  }
0x24: {  	v4 =	vld [tilespmem:s13+$0x80];
	_ =	sdelay $0x1  }
0x25: {  	v5 =	vld [tilespmem:s13+$0x100];
	_ =	sdelay $0x1  }
0x26: {  	v6 =	vld [tilespmem:s13+$0x180]  }
0x27: {  	vm1 =	vgt.f32 v4, v3  }
0x28: {  	v3 =	vsel vm1, v4, v3;
	v4 =	vld [tilespmem:s13+$0x200]  }
0x29: {  	vm0 =	vgt.f32 v5, v3  }
0x2a: {  	s24 =	sor.u32 s1, s21;
	v3 =	vsel vm0, v5, v3;
	v5 =	vld [tilespmem:s13+$0x280]  }
0x2b: {  	s0 =	sor.u32 $0x300, s24;
	vm2 =	vgt.f32 v6, v3  }
0x2c: {  	s25 =	sor.u32 s22, s21;
	v3 =	vsel vm2, v6, v3;
	v6 =	vld [tilespmem:s0+$0x0]  }
0x2d: {  	s0 =	sor.u32 $0x380, s25;
	vm3 =	vgt.f32 v4, v3  }
0x2e: {  	s24 =	sor.u32 $0x1000, s23;
	v3 =	vsel vm3, v4, v3;
	v4 =	vld [tilespmem:s0+$0x0]  }
0x2f: {  	s26 =	sor.u32 s1, s24;
	vm4 =	vgt.f32 v5, v3  }
0x30: {  	s25 =	sor.u32 $0x1080, s23;
	v3 =	vsel vm4, v5, v3;
	v5 =	vld [tilespmem:s26+$0x0]  }
0x31: {  	s10 =	sor.u32 s1, s25;
	vm5 =	vgt.f32 v6, v3  }
0x32: {  	s26 =	sor.u32 $0x1100, s23;
	v3 =	vsel vm5, v6, v3;
	v6 =	vld [tilespmem:s10+$0x0]  }
0x33: {  	s11 =	sor.u32 s1, s26;
	vm6 =	vgt.f32 v4, v3  }
0x34: {  	s28 =	sor.u32 $0x1180, s23;
	v3 =	vsel vm6, v4, v3;
	v4 =	vld [tilespmem:s11+$0x0]  }
0x35: {  	s12 =	sor.u32 s1, s28;
	vm7 =	vgt.f32 v5, v3  }
0x36: {  	s29 =	sor.u32 $0x1200, s23;
	v3 =	vsel vm7, v5, v3;
	v5 =	vld [tilespmem:s12+$0x0]  }
0x37: {  	s13 =	sor.u32 s1, s29;
	vm8 =	vgt.f32 v6, v3  }
0x38: {  	s30 =	sor.u32 $0x1280, s23;
	v7 =	vsel vm1, $0x1, v0;
	v3 =	vsel vm8, v6, v3;
	v6 =	vld [tilespmem:s13+$0x0]  }
0x39: {  	v7 =	vsel vm0, $0x2, v7;
	s10 =	sor.u32 s1, s30;
	vm10 =	vgt.f32 v4, v3  }
0x3a: {  	s31 =	sor.u32 $0x1300, s23;
	v7 =	vsel vm2, $0x3, v7;
	v3 =	vsel vm10, v4, v3;
	v4 =	vld [tilespmem:s10+$0x0]  }
0x3b: {  	v7 =	vsel vm3, $0x4, v7;
	s11 =	sor.u32 s1, s31;
	vm11 =	vgt.f32 v5, v3  }
0x3c: {  	s0 =	sor.u32 $0x1380, s23;
	v7 =	vsel vm4, $0x5, v7;
	v3 =	vsel vm11, v5, v3;
	v5 =	vld [tilespmem:s11+$0x0]  }
0x3d: {  	v7 =	vsel vm5, $0x6, v7;
	s1 =	sor.u32 s1, s0;
	vm12 =	vgt.f32 v6, v3  }
0x3e: {  	v7 =	vsel vm6, $0x7, v7;
	v3 =	vsel vm12, v6, v3;
	v6 =	vld [tilespmem:s1+$0x0]  }
0x3f: {  	v7 =	vsel vm7, $0x8, v7;
	vm13 =	vgt.f32 v4, v3  }
0x40: {  	v7 =	vsel vm8, $0x9, v7;
	v3 =	vsel vm13, v4, v3  }
0x41: {  	v4 =	vsel vm10, $0xA, v7;
	vm14 =	vgt.f32 v5, v3  }
0x42: {  	v4 =	vsel vm11, $0xB, v4;
	v3 =	vsel vm14, v5, v3  }
0x43: {  	v4 =	vsel vm12, $0xC, v4;
	vm15 =	vgt.f32 v6, v3  }
0x44: {  	v4 =	vsel vm13, $0xD, v4;
	v3 =	vsel vm15, v6, v3  }
0x45: {  	v4 =	vsel vm14, $0xE, v4;
	v3 =	vmul.f32 v3, v1  }
0x46: {  	v38 =	vsel vm15, $0xF, v4  }
0x47: {  	(v2sf) =	vpush v38, $0x0;
	v3 =	vadd.f32 v3, v2;
	_ =	sdelay $0x1  }
0x48: {  	v3 =	vsub.f32 $0.0e+00, v3;
	_ =	sdelay $0x1  }
0x49: {  	v3 =	vmul.f32 $1.442695020e+00, v3;
	_ =	sdelay $0x1  }
0x4a: {  	(erf) = vpow2.f32 v3;
	_ =	sdelay $0x3  }
0x4b: {  	(v2sf) =	vpush v38, $0x1;
	_ =	sdelay $0x4  }
0x4c: {  	s12 =	spop (v2sf);
	v3 =	vpop (erf)  }
0x4d: {  	s10 =	sshll.u32 s12, $0xB;
	s1 =	sshll.u32 s12, $0x7;
	v3 =	vadd.f32 $1.000000000e+00, v3  }
0x4e: {  	s10 =	sand.u32 $0xFFFFC000, s10;
	s1 =	sand.u32 $0x380, s1  }
0x4f: {  	s1 =	sor.u32 s1, s10;
	(erf) = vrcp.f32 v3  }
0x50: {  	s1 =	sor.u32 $0x2000, s1  }
0x51: {  	(v2sf) =	vpush v38, $0x2;
	v3 =	vmov s1;
	_ =	sdelay $0x3  }
0x52: {  	s1 =	simm.s32 $0x0  }
0x53: {  	s13 =	spop (v2sf);
	v6 =	vld.idx.msk [tilespmem:v3+s1+$0x50 ss:$0x1], $0xffff  }
0x54: {  	s11 =	sshll.u32 s13, $0xB;
	s12 =	sshll.u32 s13, $0x7;
	s10 =	simm.s32 $0x0  }
0x55: {  	s11 =	sand.u32 $0xFFFFC000, s11;
	s12 =	sand.u32 $0x380, s12;
	v45 =	vld [tilespmem:s10+$0xA050];
	v41 =	vpop (erf)  }
0x56: {  	s11 =	sor.u32 s12, s11;
	v4 =	vbroadcast v41, $0x0  }
0x57: {  	s11 =	sor.u32 $0x2000, s11;
	v7 =	vld.idx.msk [tilespmem:v3+s1+$0x60 ss:$0x1], $0xffff  }
0x58: {  	(v2sf) =	vpush v38, $0x3;
	v44 =	vld [tilespmem:s10+$0xA060];
	v5 =	vmov s11;
	v6 =	vmul.f32 v6, v4  }
0x59: {  	v8 =	vld.idx.msk [tilespmem:v3+s1+$0x70 ss:$0x1], $0xffff  }
0x5a: {  	v9 =	vld.idx.msk [tilespmem:v3+s1+$0x30 ss:$0x1], $0xffff;
	v6 =	vadd.f32 v6, v45  }
0x5b: {  	v50 =	vld [tilespmem:s10+$0xA070]  }
0x5c: {  	v43 =	vld [tilespmem:s10+$0xA030];
	v7 =	vmul.f32 v7, v4;
	[tilespmem:s1+$0xA8D0] =	vst v6  }
0x5d: {  	s12 =	spop (v2sf);
	v10 =	vld.idx.msk [tilespmem:v5+s1+$0x50 ss:$0x1], $0xffff  }
0x5e: {  	v47 =	vld [tilespmem:s10+$0xA010];
	s13 =	sshll.u32 s12, $0xB;
	s11 =	sshll.u32 s12, $0x7;
	v8 =	vmul.f32 v8, v4;
	v7 =	vadd.f32 v7, v44  }
0x5f: {  	v11 =	vld.idx.msk [tilespmem:v3+s1+$0x0 ss:$0x1], $0xffff;
	v9 =	vmul.f32 v9, v4;
	s12 =	sand.u32 $0xFFFFC000, s13;
	s11 =	sand.u32 $0x380, s11  }
0x60: {  	v49 =	vld [tilespmem:s10+$0xA000];
	s11 =	sor.u32 s11, s12;
	v8 =	vadd.f32 v8, v50;
	v6 =	vbroadcast v41, $0x1;
	[tilespmem:s1+$0xA8E0] =	vst v7  }
0x61: {  	v9 =	vadd.f32 v9, v43;
	s11 =	sor.u32 $0x2000, s11;
	v12 =	vld.idx.msk [tilespmem:v5+s1+$0x60 ss:$0x1], $0xffff  }
0x62: {  	v13 =	vld.idx.msk [tilespmem:v3+s1+$0x10 ss:$0x1], $0xffff;
	(v2sf) =	vpush v38, $0x4;
	v7 =	vmov s11;
	[tilespmem:s1+$0xA8F0] =	vst v8;
	v8 =	vmul.f32 v10, v6  }
0x63: {  	[tilespmem:s1+$0xA8B0] =	vst v9;
	v9 =	vld.idx.msk [tilespmem:v5+s1+$0x70 ss:$0x1], $0xffff  }
0x64: {  	v11 =	vmul.f32 v11, v4;
	v10 =	vld.idx.msk [tilespmem:v5+s1+$0x30 ss:$0x1], $0xffff;
	v8 =	vadd.f32 v8, v45;
	_ =	sdelay $0x1  }
0x65: {  	v11 =	vadd.f32 v11, v49;
	v12 =	vmul.f32 v12, v6;
	[tilespmem:s1+$0xA950] =	vst v8  }
0x66: {  	s12 =	spop (v2sf);
	v8 =	vmul.f32 v13, v4;
	v13 =	vld.idx.msk [tilespmem:v7+s1+$0x50 ss:$0x1], $0xffff  }
0x67: {  	v46 =	vld [tilespmem:s10+$0xA040];
	s13 =	sshll.u32 s12, $0xB;
	s11 =	sshll.u32 s12, $0x7;
	[tilespmem:s1+$0xA880] =	vst v11;
	v9 =	vmul.f32 v9, v6;
	v11 =	vadd.f32 v12, v44  }
0x68: {  	s12 =	sand.u32 $0xFFFFC000, s13;
	s11 =	sand.u32 $0x380, s11;
	v12 =	vld.idx.msk [tilespmem:v5+s1+$0x0 ss:$0x1], $0xffff;
	v10 =	vmul.f32 v10, v6;
	v15 =	vadd.f32 v8, v47  }
0x69: {  	v14 =	vld.idx.msk [tilespmem:v3+s1+$0x40 ss:$0x1], $0xffff;
	s11 =	sor.u32 s11, s12;
	[tilespmem:s1+$0xA960] =	vst v11;
	v11 =	vadd.f32 v9, v50;
	v8 =	vbroadcast v41, $0x2  }
0x6a: {  	s11 =	sor.u32 $0x2000, s11;
	v10 =	vadd.f32 v10, v43;
	[tilespmem:s1+$0xA890] =	vst v15;
	v15 =	vld.idx.msk [tilespmem:v7+s1+$0x60 ss:$0x1], $0xffff  }
0x6b: {  	(v2sf) =	vpush v38, $0x5;
	v9 =	vmov s11;
	[tilespmem:s1+$0xA970] =	vst v11;
	v16 =	vld.idx.msk [tilespmem:v5+s1+$0x10 ss:$0x1], $0xffff;
	v11 =	vmul.f32 v13, v8  }
0x6c: {  	[tilespmem:s1+$0xA930] =	vst v10;
	v10 =	vld.idx.msk [tilespmem:v7+s1+$0x70 ss:$0x1], $0xffff  }
0x6d: {  	v12 =	vmul.f32 v12, v6;
	v13 =	vld.idx.msk [tilespmem:v7+s1+$0x30 ss:$0x1], $0xffff;
	v11 =	vadd.f32 v11, v45  }
0x6e: {  	v14 =	vmul.f32 v14, v4  }
0x6f: {  	v12 =	vadd.f32 v12, v49;
	v15 =	vmul.f32 v15, v8;
	[tilespmem:s1+$0xA9D0] =	vst v11  }
0x70: {  	s12 =	spop (v2sf);
	v11 =	vadd.f32 v14, v46;
	v14 =	vmul.f32 v16, v6;
	v16 =	vld.idx.msk [tilespmem:v9+s1+$0x50 ss:$0x1], $0xffff  }
0x71: {  	s13 =	sshll.u32 s12, $0xB;
	s11 =	sshll.u32 s12, $0x7;
	[tilespmem:s1+$0xA900] =	vst v12;
	v12 =	vadd.f32 v15, v44;
	v15 =	vmul.f32 v10, v8  }
0x72: {  	s12 =	sand.u32 $0xFFFFC000, s13;
	s11 =	sand.u32 $0x380, s11;
	[tilespmem:s1+$0xA8C0] =	vst v11;
	v11 =	vmul.f32 v13, v8;
	v13 =	vld.idx.msk [tilespmem:v7+s1+$0x0 ss:$0x1], $0xffff;
	v14 =	vadd.f32 v14, v47  }
0x73: {  	v48 =	vld [tilespmem:s10+$0xA020];
	s11 =	sor.u32 s11, s12;
	v10 =	vbroadcast v41, $0x3;
	[tilespmem:s1+$0xA9E0] =	vst v12;
	v12 =	vadd.f32 v15, v50  }
0x74: {  	s11 =	sor.u32 $0x2000, s11;
	v15 =	vadd.f32 v11, v43;
	[tilespmem:s1+$0xA910] =	vst v14;
	v14 =	vld.idx.msk [tilespmem:v9+s1+$0x60 ss:$0x1], $0xffff  }
0x75: {  	(v2sf) =	vpush v38, $0x6;
	v11 =	vmov s11;
	v18 =	vld.idx.msk [tilespmem:v7+s1+$0x10 ss:$0x1], $0xffff;
	[tilespmem:s1+$0xA9F0] =	vst v12;
	v12 =	vmul.f32 v16, v10  }
0x76: {  	[tilespmem:s1+$0xA9B0] =	vst v15;
	v15 =	vld.idx.msk [tilespmem:v9+s1+$0x70 ss:$0x1], $0xffff  }
0x77: {  	v13 =	vmul.f32 v13, v8;
	v16 =	vld.idx.msk [tilespmem:v9+s1+$0x30 ss:$0x1], $0xffff;
	v12 =	vadd.f32 v12, v45  }
0x78: {  	v19 =	vld.idx.msk [tilespmem:v3+s1+$0x20 ss:$0x1], $0xffff  }
0x79: {  	v17 =	vld.idx.msk [tilespmem:v5+s1+$0x40 ss:$0x1], $0xffff;
	v13 =	vadd.f32 v13, v49;
	v14 =	vmul.f32 v14, v10;
	[tilespmem:s1+$0xAA50] =	vst v12  }
0x7a: {  	s12 =	spop (v2sf);
	v12 =	vmul.f32 v18, v8;
	v18 =	vld.idx.msk [tilespmem:v11+s1+$0x50 ss:$0x1], $0xffff  }
0x7b: {  	s13 =	sshll.u32 s12, $0xB;
	s10 =	sshll.u32 s12, $0x7;
	[tilespmem:s1+$0xA980] =	vst v13;
	v13 =	vadd.f32 v14, v44;
	v14 =	vmul.f32 v15, v10  }
0x7c: {  	s10 =	sand.u32 $0x380, s10;
	s11 =	sand.u32 $0xFFFFC000, s13;
	v15 =	vld.idx.msk [tilespmem:v9+s1+$0x0 ss:$0x1], $0xffff;
	v20 =	vadd.f32 v12, v47;
	v16 =	vmul.f32 v16, v10  }
0x7d: {  	v19 =	vmul.f32 v19, v4;
	s10 =	sor.u32 s10, s11;
	v12 =	vbroadcast v41, $0x4;
	[tilespmem:s1+$0xAA60] =	vst v13;
	v14 =	vadd.f32 v14, v50  }
0x7e: {  	(v2sf) =	vpush v38, $0x7;
	s10 =	sor.u32 $0x2000, s10;
	v17 =	vmul.f32 v17, v6;
	[tilespmem:s1+$0xA990] =	vst v20;
	v20 =	vld.idx.msk [tilespmem:v11+s1+$0x60 ss:$0x1], $0xffff;
	v16 =	vadd.f32 v16, v43  }
0x7f: {  	v13 =	vmov s10;
	v21 =	vld.idx.msk [tilespmem:v9+s1+$0x10 ss:$0x1], $0xffff;
	[tilespmem:s1+$0xAA70] =	vst v14;
	v14 =	vadd.f32 v19, v48;
	v18 =	vmul.f32 v18, v12  }
0x80: {  	v17 =	vadd.f32 v17, v46;
	v19 =	vld.idx.msk [tilespmem:v11+s1+$0x70 ss:$0x1], $0xffff;
	[tilespmem:s1+$0xAA30] =	vst v16  }
0x81: {  	v15 =	vmul.f32 v15, v10;
	[tilespmem:s1+$0xA8A0] =	vst v14;
	v14 =	vld.idx.msk [tilespmem:v11+s1+$0x30 ss:$0x1], $0xffff;
	v16 =	vadd.f32 v18, v45  }
0x82: {  	[tilespmem:s1+$0xA940] =	vst v17;
	v17 =	vld.idx.msk [tilespmem:v5+s1+$0x20 ss:$0x1], $0xffff  }
0x83: {  	v15 =	vadd.f32 v15, v49;
	v18 =	vmul.f32 v20, v12;
	v20 =	vld.idx.msk [tilespmem:v7+s1+$0x40 ss:$0x1], $0xffff;
	[tilespmem:s1+$0xAAD0] =	vst v16  }
0x84: {  	s12 =	spop (v2sf);
	v16 =	vmul.f32 v21, v10;
	v21 =	vld.idx.msk [tilespmem:v13+s1+$0x50 ss:$0x1], $0xffff  }
0x85: {  	s13 =	sshll.u32 s12, $0xB;
	s10 =	sshll.u32 s12, $0x7;
	[tilespmem:s1+$0xAA00] =	vst v15;
	v15 =	vadd.f32 v18, v44;
	v18 =	vmul.f32 v19, v12  }
0x86: {  	s11 =	sand.u32 $0xFFFFC000, s13;
	s10 =	sand.u32 $0x380, s10;
	v19 =	vld.idx.msk [tilespmem:v11+s1+$0x0 ss:$0x1], $0xffff;
	v16 =	vadd.f32 v16, v47;
	v22 =	vmul.f32 v14, v12  }
0x87: {  	s10 =	sor.u32 s10, s11;
	v14 =	vbroadcast v41, $0x5;
	[tilespmem:s1+$0xAAE0] =	vst v15;
	v18 =	vadd.f32 v18, v50;
	v17 =	vmul.f32 v17, v6  }
0x88: {  	(v2sf) =	vpush v38, $0x8;
	s10 =	sor.u32 $0x2000, s10;
	[tilespmem:s1+$0xAA10] =	vst v16;
	v16 =	vld.idx.msk [tilespmem:v13+s1+$0x60 ss:$0x1], $0xffff;
	v22 =	vadd.f32 v22, v43;
	v20 =	vmul.f32 v20, v8  }
0x89: {  	v15 =	vmov s10;
	v23 =	vld.idx.msk [tilespmem:v11+s1+$0x10 ss:$0x1], $0xffff;
	[tilespmem:s1+$0xAAF0] =	vst v18;
	v17 =	vadd.f32 v17, v48;
	v18 =	vmul.f32 v21, v14  }
0x8a: {  	v21 =	vld.idx.msk [tilespmem:v13+s1+$0x70 ss:$0x1], $0xffff;
	[tilespmem:s1+$0xAAB0] =	vst v22;
	v20 =	vadd.f32 v20, v46  }
0x8b: {  	v19 =	vmul.f32 v19, v12;
	[tilespmem:s1+$0xA920] =	vst v17;
	v17 =	vld.idx.msk [tilespmem:v13+s1+$0x30 ss:$0x1], $0xffff;
	v18 =	vadd.f32 v18, v45  }
0x8c: {  	v22 =	vld.idx.msk [tilespmem:v7+s1+$0x20 ss:$0x1], $0xffff;
	[tilespmem:s1+$0xA9C0] =	vst v20  }
0x8d: {  	v19 =	vadd.f32 v19, v49;
	v16 =	vmul.f32 v16, v14;
	v20 =	vld.idx.msk [tilespmem:v9+s1+$0x40 ss:$0x1], $0xffff;
	[tilespmem:s1+$0xAB50] =	vst v18  }
0x8e: {  	s12 =	spop (v2sf);
	v18 =	vmul.f32 v23, v12;
	v23 =	vld.idx.msk [tilespmem:v15+s1+$0x50 ss:$0x1], $0xffff  }
0x8f: {  	s13 =	sshll.u32 s12, $0xB;
	s10 =	sshll.u32 s12, $0x7;
	[tilespmem:s1+$0xAA80] =	vst v19;
	v19 =	vadd.f32 v16, v44;
	v21 =	vmul.f32 v21, v14  }
0x90: {  	s11 =	sand.u32 $0xFFFFC000, s13;
	s10 =	sand.u32 $0x380, s10;
	v24 =	vld.idx.msk [tilespmem:v13+s1+$0x0 ss:$0x1], $0xffff;
	v18 =	vadd.f32 v18, v47;
	v17 =	vmul.f32 v17, v14  }
0x91: {  	s10 =	sor.u32 s10, s11;
	v16 =	vbroadcast v41, $0x6;
	[tilespmem:s1+$0xAB60] =	vst v19;
	v19 =	vadd.f32 v21, v50;
	v21 =	vmul.f32 v22, v8  }
0x92: {  	(v2sf) =	vpush v38, $0x9;
	s10 =	sor.u32 $0x2000, s10;
	[tilespmem:s1+$0xAA90] =	vst v18;
	v18 =	vld.idx.msk [tilespmem:v15+s1+$0x60 ss:$0x1], $0xffff;
	v22 =	vadd.f32 v17, v43;
	v20 =	vmul.f32 v20, v10  }
0x93: {  	v17 =	vmov s10;
	v25 =	vld.idx.msk [tilespmem:v13+s1+$0x10 ss:$0x1], $0xffff;
	[tilespmem:s1+$0xAB70] =	vst v19;
	v19 =	vadd.f32 v21, v48;
	v21 =	vmul.f32 v23, v16  }
0x94: {  	v23 =	vld.idx.msk [tilespmem:v15+s1+$0x70 ss:$0x1], $0xffff;
	[tilespmem:s1+$0xAB30] =	vst v22;
	v20 =	vadd.f32 v20, v46  }
0x95: {  	v22 =	vmul.f32 v24, v14;
	[tilespmem:s1+$0xA9A0] =	vst v19;
	v19 =	vld.idx.msk [tilespmem:v15+s1+$0x30 ss:$0x1], $0xffff;
	v21 =	vadd.f32 v21, v45  }
0x96: {  	v24 =	vld.idx.msk [tilespmem:v9+s1+$0x20 ss:$0x1], $0xffff;
	[tilespmem:s1+$0xAA40] =	vst v20  }
0x97: {  	v20 =	vadd.f32 v22, v49;
	v18 =	vmul.f32 v18, v16;
	v22 =	vld.idx.msk [tilespmem:v11+s1+$0x40 ss:$0x1], $0xffff;
	[tilespmem:s1+$0xABD0] =	vst v21  }
0x98: {  	s12 =	spop (v2sf);
	v21 =	vmul.f32 v25, v14;
	v25 =	vld.idx.msk [tilespmem:v17+s1+$0x50 ss:$0x1], $0xffff  }
0x99: {  	s13 =	sshll.u32 s12, $0xB;
	s10 =	sshll.u32 s12, $0x7;
	[tilespmem:s1+$0xAB00] =	vst v20;
	v20 =	vadd.f32 v18, v44;
	v23 =	vmul.f32 v23, v16  }
0x9a: {  	s11 =	sand.u32 $0xFFFFC000, s13;
	s10 =	sand.u32 $0x380, s10;
	v26 =	vld.idx.msk [tilespmem:v15+s1+$0x0 ss:$0x1], $0xffff;
	v21 =	vadd.f32 v21, v47;
	v19 =	vmul.f32 v19, v16  }
0x9b: {  	s10 =	sor.u32 s10, s11;
	v18 =	vbroadcast v41, $0x7;
	[tilespmem:s1+$0xABE0] =	vst v20;
	v20 =	vadd.f32 v23, v50;
	v23 =	vmul.f32 v24, v10  }
0x9c: {  	(v2sf) =	vpush v38, $0xA;
	s10 =	sor.u32 $0x2000, s10;
	[tilespmem:s1+$0xAB10] =	vst v21;
	v21 =	vld.idx.msk [tilespmem:v17+s1+$0x60 ss:$0x1], $0xffff;
	v24 =	vadd.f32 v19, v43;
	v22 =	vmul.f32 v22, v12  }
0x9d: {  	v19 =	vmov s10;
	v27 =	vld.idx.msk [tilespmem:v15+s1+$0x10 ss:$0x1], $0xffff;
	[tilespmem:s1+$0xABF0] =	vst v20;
	v20 =	vadd.f32 v23, v48;
	v23 =	vmul.f32 v25, v18  }
0x9e: {  	v25 =	vld.idx.msk [tilespmem:v17+s1+$0x70 ss:$0x1], $0xffff;
	[tilespmem:s1+$0xABB0] =	vst v24;
	v22 =	vadd.f32 v22, v46  }
0x9f: {  	[tilespmem:s1+$0xAA20] =	vst v20;
	v20 =	vld.idx.msk [tilespmem:v17+s1+$0x30 ss:$0x1], $0xffff;
	v24 =	vmul.f32 v26, v16;
	v23 =	vadd.f32 v23, v45  }
0xa0: {  	v26 =	vld.idx.msk [tilespmem:v11+s1+$0x20 ss:$0x1], $0xffff;
	[tilespmem:s1+$0xAAC0] =	vst v22  }
0xa1: {  	v21 =	vmul.f32 v21, v18;
	v22 =	vld.idx.msk [tilespmem:v13+s1+$0x40 ss:$0x1], $0xffff;
	v24 =	vadd.f32 v24, v49;
	[tilespmem:s1+$0xAC50] =	vst v23  }
0xa2: {  	s12 =	spop (v2sf);
	v23 =	vmul.f32 v27, v16;
	v27 =	vld.idx.msk [tilespmem:v19+s1+$0x50 ss:$0x1], $0xffff  }
0xa3: {  	s13 =	sshll.u32 s12, $0xB;
	s10 =	sshll.u32 s12, $0x7;
	v28 =	vadd.f32 v21, v44;
	v25 =	vmul.f32 v25, v18;
	[tilespmem:s1+$0xAB80] =	vst v24  }
0xa4: {  	s11 =	sand.u32 $0xFFFFC000, s13;
	s10 =	sand.u32 $0x380, s10;
	v23 =	vadd.f32 v23, v47;
	v24 =	vld.idx.msk [tilespmem:v17+s1+$0x0 ss:$0x1], $0xffff;
	v20 =	vmul.f32 v20, v18  }
0xa5: {  	s10 =	sor.u32 s10, s11;
	v21 =	vbroadcast v41, $0x8;
	[tilespmem:s1+$0xAC60] =	vst v28;
	v25 =	vadd.f32 v25, v50;
	v26 =	vmul.f32 v26, v12  }
0xa6: {  	(v2sf) =	vpush v38, $0xB;
	s10 =	sor.u32 $0x2000, s10;
	v28 =	vld.idx.msk [tilespmem:v19+s1+$0x60 ss:$0x1], $0xffff;
	[tilespmem:s1+$0xAB90] =	vst v23;
	v20 =	vadd.f32 v20, v43;
	v23 =	vmul.f32 v22, v14  }
0xa7: {  	v22 =	vmov s10;
	v29 =	vld.idx.msk [tilespmem:v17+s1+$0x10 ss:$0x1], $0xffff;
	[tilespmem:s1+$0xAC70] =	vst v25;
	v25 =	vadd.f32 v26, v48;
	v26 =	vmul.f32 v27, v21  }
0xa8: {  	v27 =	vld.idx.msk [tilespmem:v19+s1+$0x70 ss:$0x1], $0xffff;
	[tilespmem:s1+$0xAC30] =	vst v20;
	v20 =	vadd.f32 v23, v46  }
0xa9: {  	[tilespmem:s1+$0xAAA0] =	vst v25;
	v23 =	vld.idx.msk [tilespmem:v19+s1+$0x30 ss:$0x1], $0xffff;
	v24 =	vmul.f32 v24, v18;
	v25 =	vadd.f32 v26, v45  }
0xaa: {  	v30 =	vld.idx.msk [tilespmem:v13+s1+$0x20 ss:$0x1], $0xffff;
	[tilespmem:s1+$0xAB40] =	vst v20  }
0xab: {  	v20 =	vmul.f32 v28, v21;
	v28 =	vld.idx.msk [tilespmem:v15+s1+$0x40 ss:$0x1], $0xffff;
	v24 =	vadd.f32 v24, v49;
	[tilespmem:s1+$0xE8D0] =	vst v25  }
0xac: {  	s12 =	spop (v2sf);
	(v2sf) =	vpush v38, $0xC;
	v25 =	vmul.f32 v29, v18;
	v29 =	vld.idx.msk [tilespmem:v22+s1+$0x50 ss:$0x1], $0xffff  }
0xad: {  	s13 =	sshll.u32 s12, $0xB;
	s10 =	sshll.u32 s12, $0x7;
	v20 =	vadd.f32 v20, v44;
	v27 =	vmul.f32 v27, v21;
	[tilespmem:s1+$0xAC00] =	vst v24  }
0xae: {  	s11 =	sand.u32 $0xFFFFC000, s13;
	s10 =	sand.u32 $0x380, s10;
	v24 =	vadd.f32 v25, v47;
	v25 =	vld.idx.msk [tilespmem:v19+s1+$0x0 ss:$0x1], $0xffff;
	v23 =	vmul.f32 v23, v21  }
0xaf: {  	s10 =	sor.u32 s10, s11;
	v26 =	vbroadcast v41, $0x9;
	[tilespmem:s1+$0xE8E0] =	vst v20;
	v20 =	vadd.f32 v27, v50;
	v30 =	vmul.f32 v30, v14  }
0xb0: {  	s10 =	sor.u32 $0x2000, s10;
	v31 =	vld.idx.msk [tilespmem:v22+s1+$0x60 ss:$0x1], $0xffff;
	[tilespmem:s1+$0xAC10] =	vst v24;
	v23 =	vadd.f32 v23, v43;
	v24 =	vmul.f32 v28, v16  }
0xb1: {  	v27 =	vmov s10;
	v28 =	vld.idx.msk [tilespmem:v19+s1+$0x10 ss:$0x1], $0xffff;
	[tilespmem:s1+$0xE8F0] =	vst v20;
	v20 =	vadd.f32 v30, v48;
	v29 =	vmul.f32 v29, v26  }
0xb2: {  	v30 =	vld.idx.msk [tilespmem:v22+s1+$0x70 ss:$0x1], $0xffff;
	[tilespmem:s1+$0xE8B0] =	vst v23;
	v23 =	vadd.f32 v24, v46  }
0xb3: {  	[tilespmem:s1+$0xAB20] =	vst v20;
	v20 =	vld.idx.msk [tilespmem:v22+s1+$0x30 ss:$0x1], $0xffff;
	v24 =	vmul.f32 v25, v21;
	v25 =	vadd.f32 v29, v45  }
0xb4: {  	v29 =	vld.idx.msk [tilespmem:v15+s1+$0x20 ss:$0x1], $0xffff;
	[tilespmem:s1+$0xABC0] =	vst v23  }
0xb5: {  	v23 =	vmul.f32 v31, v26;
	v32 =	vld.idx.msk [tilespmem:v17+s1+$0x40 ss:$0x1], $0xffff;
	v24 =	vadd.f32 v24, v49;
	[tilespmem:s1+$0xE950] =	vst v25  }
0xb6: {  	s12 =	spop (v2sf);
	v25 =	vmul.f32 v28, v21;
	v28 =	vld.idx.msk [tilespmem:v27+s1+$0x50 ss:$0x1], $0xffff  }
0xb7: {  	s13 =	sshll.u32 s12, $0xB;
	s10 =	sshll.u32 s12, $0x7;
	v23 =	vadd.f32 v23, v44;
	v30 =	vmul.f32 v30, v26;
	[tilespmem:s1+$0xE880] =	vst v24  }
0xb8: {  	s11 =	sand.u32 $0xFFFFC000, s13;
	s10 =	sand.u32 $0x380, s10;
	v24 =	vadd.f32 v25, v47;
	v25 =	vld.idx.msk [tilespmem:v22+s1+$0x0 ss:$0x1], $0xffff;
	v20 =	vmul.f32 v20, v26  }
0xb9: {  	s10 =	sor.u32 s10, s11;
	v31 =	vbroadcast v41, $0xA;
	[tilespmem:s1+$0xE960] =	vst v23;
	v23 =	vadd.f32 v30, v50;
	v29 =	vmul.f32 v29, v16  }
0xba: {  	s10 =	sor.u32 $0x2000, s10;
	v30 =	vld.idx.msk [tilespmem:v27+s1+$0x60 ss:$0x1], $0xffff;
	[tilespmem:s1+$0xE890] =	vst v24;
	v20 =	vadd.f32 v20, v43;
	v24 =	vmul.f32 v32, v18  }
0xbb: {  	s12 =	spop (v2sf);
	v32 =	vmov s10;
	v33 =	vld.idx.msk [tilespmem:v22+s1+$0x10 ss:$0x1], $0xffff;
	[tilespmem:s1+$0xE970] =	vst v23;
	v23 =	vadd.f32 v29, v48;
	v28 =	vmul.f32 v28, v31  }
0xbc: {  	s13 =	sshll.u32 s12, $0xB;
	s10 =	sshll.u32 s12, $0x7;
	v29 =	vld.idx.msk [tilespmem:v27+s1+$0x70 ss:$0x1], $0xffff;
	[tilespmem:s1+$0xE930] =	vst v20;
	v20 =	vadd.f32 v24, v46  }
0xbd: {  	s11 =	sand.u32 $0xFFFFC000, s13;
	s10 =	sand.u32 $0x380, s10;
	[tilespmem:s1+$0xABA0] =	vst v23;
	v23 =	vld.idx.msk [tilespmem:v27+s1+$0x30 ss:$0x1], $0xffff;
	v24 =	vmul.f32 v25, v26;
	v25 =	vadd.f32 v28, v45  }
0xbe: {  	s10 =	sor.u32 s10, s11;
	v28 =	vld.idx.msk [tilespmem:v17+s1+$0x20 ss:$0x1], $0xffff;
	[tilespmem:s1+$0xAC40] =	vst v20  }
0xbf: {  	s10 =	sor.u32 $0x2000, s10;
	v20 =	vmul.f32 v30, v31;
	v30 =	vld.idx.msk [tilespmem:v19+s1+$0x40 ss:$0x1], $0xffff;
	[tilespmem:s1+$0xE9D0] =	vst v25  }
0xc0: {  	v25 =	vmul.f32 v33, v26;
	v33 =	vmov s10;
	s10 =	simm.s32 $0x400;
	v35 =	vld.idx.msk [tilespmem:v32+s1+$0x50 ss:$0x1], $0xffff  }
0xc1: {  	(v2sf) =	vpush v38, $0xD;
	v24 =	vadd.f32 v24, v49;
	v40 =	vld.idx.msk [tilespmem:v3+s10+$0x50 ss:$0x1], $0xffff  }
0xc2: {  	v42 =	vld.idx.msk [tilespmem:v3+s10+$0x40 ss:$0x1], $0xffff  }
0xc3: {  	v20 =	vadd.f32 v20, v44;
	v29 =	vmul.f32 v29, v31;
	[tilespmem:s1+$0xE900] =	vst v24;
	v53 =	vld.idx.msk [tilespmem:v3+s10+$0x70 ss:$0x1], $0xffff  }
0xc4: {  	v24 =	vadd.f32 v25, v47;
	v25 =	vld.idx.msk [tilespmem:v27+s1+$0x0 ss:$0x1], $0xffff;
	v23 =	vmul.f32 v23, v31  }
0xc5: {  	v55 =	vld.idx.msk [tilespmem:v3+s10+$0x30 ss:$0x1], $0xffff;
	[tilespmem:s1+$0xE9E0] =	vst v20;
	v20 =	vadd.f32 v29, v50;
	v28 =	vmul.f32 v28, v18  }
0xc6: {  	v34 =	vbroadcast v41, $0xB;
	v51 =	vld.idx.msk [tilespmem:v32+s1+$0x60 ss:$0x1], $0xffff;
	[tilespmem:s1+$0xE910] =	vst v24;
	v23 =	vadd.f32 v23, v43;
	v24 =	vmul.f32 v30, v21  }
0xc7: {  	v29 =	vld.idx.msk [tilespmem:v27+s1+$0x10 ss:$0x1], $0xffff;
	[tilespmem:s1+$0xE9F0] =	vst v20;
	v20 =	vadd.f32 v28, v48  }
0xc8: {  	v28 =	vmul.f32 v35, v34;
	v30 =	vld.idx.msk [tilespmem:v32+s1+$0x70 ss:$0x1], $0xffff;
	[tilespmem:s1+$0xE9B0] =	vst v23;
	v23 =	vadd.f32 v24, v46  }
0xc9: {  	[tilespmem:s1+$0xAC20] =	vst v20;
	v24 =	vld.idx.msk [tilespmem:v32+s1+$0x30 ss:$0x1], $0xffff;
	v20 =	vmul.f32 v25, v31  }
0xca: {  	v25 =	vadd.f32 v28, v45;
	v28 =	vld.idx.msk [tilespmem:v19+s1+$0x20 ss:$0x1], $0xffff;
	[tilespmem:s1+$0xE8C0] =	vst v23  }
0xcb: {  	s11 =	simm.s32 $0x80;
	v37 =	vld.idx.msk [tilespmem:v22+s1+$0x40 ss:$0x1], $0xffff;
	v23 =	vadd.f32 v20, v49  }
0xcc: {  	v20 =	vld [tilespmem:s11+$0xA050];
	[tilespmem:s1+$0xEA50] =	vst v25  }
0xcd: {  	v29 =	vmul.f32 v29, v31;
	v25 =	vld.idx.msk [tilespmem:v33+s1+$0x50 ss:$0x1], $0xffff;
	v30 =	vmul.f32 v30, v34;
	[tilespmem:s1+$0xE980] =	vst v23  }
0xce: {  	v39 =	vld.idx.msk [tilespmem:v32+s1+$0x0 ss:$0x1], $0xffff;
	v23 =	vmul.f32 v24, v34  }
0xcf: {  	v56 =	vadd.f32 v29, v47;
	v29 =	vld [tilespmem:s11+$0xA070];
	v24 =	vadd.f32 v30, v50  }
0xd0: {  	v36 =	vbroadcast v41, $0xC;
	s12 =	spop (v2sf);
	v40 =	vmul.f32 v40, v4;
	v30 =	vld.idx.msk [tilespmem:v3+s10+$0x60 ss:$0x1], $0xffff;
	v23 =	vadd.f32 v23, v43  }
0xd1: {  	s13 =	sshll.u32 s12, $0xB;
	s12 =	sshll.u32 s12, $0x7;
	v28 =	vmul.f32 v28, v21;
	[tilespmem:s1+$0xEA70] =	vst v24;
	v24 =	vld [tilespmem:s11+$0xA040]  }
0xd2: {  	s13 =	sand.u32 $0xFFFFC000, s13;
	s12 =	sand.u32 $0x380, s12;
	v40 =	vadd.f32 v40, v20;
	v52 =	vld.idx.msk [tilespmem:v33+s1+$0x70 ss:$0x1], $0xffff;
	[tilespmem:s1+$0xEA30] =	vst v23;
	v23 =	vmul.f32 v25, v36  }
0xd3: {  	(v2sf) =	vpush v38, $0xE;
	s12 =	sor.u32 s12, s13;
	v37 =	vmul.f32 v37, v26;
	v58 =	vadd.f32 v28, v48;
	v54 =	vld.idx.msk [tilespmem:v33+s1+$0x30 ss:$0x1], $0xffff  }
0xd4: {  	s12 =	sor.u32 $0x2000, s12;
	v62 =	vmul.f32 v53, v4;
	[tilespmem:s10+$0xA8D0] =	vst v40;
	v25 =	vadd.f32 v23, v45;
	v23 =	vld [tilespmem:s11+$0xA060]  }
0xd5: {  	v35 =	vmov s12;
	v37 =	vadd.f32 v37, v46;
	[tilespmem:s1+$0xE8A0] =	vst v58;
	v60 =	vld.idx.msk [tilespmem:v5+s10+$0x50 ss:$0x1], $0xffff  }
0xd6: {  	v40 =	vadd.f32 v62, v29;
	[tilespmem:s1+$0xEAD0] =	vst v25;
	v25 =	vld [tilespmem:s11+$0xA030]  }
0xd7: {  	v58 =	vld.idx.msk [tilespmem:v3+s10+$0x0 ss:$0x1], $0xffff;
	v59 =	vmul.f32 v30, v4;
	[tilespmem:s1+$0xE940] =	vst v37  }
0xd8: {  	v39 =	vmul.f32 v39, v34;
	[tilespmem:s10+$0xA8F0] =	vst v40;
	v40 =	vld.idx.msk [tilespmem:v27+s1+$0x40 ss:$0x1], $0xffff  }
0xd9: {  	v55 =	vmul.f32 v55, v4;
	[tilespmem:s1+$0xE990] =	vst v56;
	v30 =	vld [tilespmem:s11+$0xA000];
	v61 =	vadd.f32 v59, v23  }
0xda: {  	v39 =	vadd.f32 v39, v49;
	v57 =	vld.idx.msk [tilespmem:v35+s1+$0x50 ss:$0x1], $0xffff;
	v52 =	vmul.f32 v52, v36;
	v54 =	vmul.f32 v54, v36  }
0xdb: {  	v60 =	vmul.f32 v60, v6;
	v59 =	vld.idx.msk [tilespmem:v3+s10+$0x10 ss:$0x1], $0xffff;
	v63 =	vadd.f32 v55, v25;
	[tilespmem:s10+$0xA8E0] =	vst v61  }
0xdc: {  	v37 =	vbroadcast v41, $0xD;
	[tilespmem:s1+$0xEA00] =	vst v39;
	v52 =	vadd.f32 v52, v50;
	v56 =	vld.idx.msk [tilespmem:v5+s10+$0x60 ss:$0x1], $0xffff  }
0xdd: {  	v28 =	vld [tilespmem:s11+$0xA010];
	v54 =	vadd.f32 v54, v43;
	v53 =	vadd.f32 v60, v20;
	v40 =	vmul.f32 v40, v31;
	[tilespmem:s10+$0xA8B0] =	vst v63  }
0xde: {  	(v2sf) =	vpush v38, $0xF;
	v61 =	vmul.f32 v42, v4;
	[tilespmem:s1+$0xEAF0] =	vst v52;
	v63 =	vmul.f32 v58, v4;
	v42 =	vld.idx.msk [tilespmem:v5+s10+$0x30 ss:$0x1], $0xffff  }
0xdf: {  	v55 =	vld.idx.msk [tilespmem:v33+s1+$0x0 ss:$0x1], $0xffff;
	[tilespmem:s1+$0xEAB0] =	vst v54;
	v62 =	vmul.f32 v57, v37;
	v40 =	vadd.f32 v40, v46  }
0xe0: {  	v57 =	vld.idx.msk [tilespmem:v5+s10+$0x70 ss:$0x1], $0xffff;
	[tilespmem:s10+$0xA950] =	vst v53;
	v38 =	vadd.f32 v61, v24;
	v61 =	vadd.f32 v63, v30  }
0xe1: {  	v39 =	vld.idx.msk [tilespmem:v35+s1+$0x70 ss:$0x1], $0xffff;
	v58 =	vadd.f32 v62, v45;
	[tilespmem:s1+$0xE9C0] =	vst v40;
	v62 =	vmul.f32 v56, v6  }
0xe2: {  	s12 =	spop (v2sf);
	v63 =	vmul.f32 v59, v4;
	v56 =	vld.idx.msk [tilespmem:v22+s1+$0x20 ss:$0x1], $0xffff;
	[tilespmem:s10+$0xA880] =	vst v61  }
0xe3: {  	s13 =	sshll.u32 s12, $0xB;
	s12 =	sshll.u32 s12, $0x7;
	[tilespmem:s1+$0xEB50] =	vst v58;
	v58 =	vld.idx.msk [tilespmem:v5+s10+$0x0 ss:$0x1], $0xffff;
	v60 =	vmul.f32 v42, v6;
	v61 =	vadd.f32 v62, v23  }
0xe4: {  	s13 =	sand.u32 $0xFFFFC000, s13;
	s12 =	sand.u32 $0x380, s12;
	[tilespmem:s10+$0xA8C0] =	vst v38;
	v55 =	vmul.f32 v55, v36;
	v52 =	vadd.f32 v63, v28;
	v62 =	vld.idx.msk [tilespmem:v35+s1+$0x30 ss:$0x1], $0xffff  }
0xe5: {  	s12 =	sor.u32 s12, s13;
	v59 =	vld.idx.msk [tilespmem:v7+s10+$0x50 ss:$0x1], $0xffff;
	v63 =	vadd.f32 v60, v25;
	[tilespmem:s10+$0xA960] =	vst v61;
	v60 =	vmul.f32 v57, v6  }
0xe6: {  	s12 =	sor.u32 $0x2000, s12;
	v39 =	vmul.f32 v39, v37;
	v55 =	vadd.f32 v55, v49;
	[tilespmem:s10+$0xA890] =	vst v52;
	v52 =	vld.idx.msk [tilespmem:v7+s10+$0x60 ss:$0x1], $0xffff  }
0xe7: {  	v38 =	vmov s12;
	v57 =	vld.idx.msk [tilespmem:v5+s10+$0x10 ss:$0x1], $0xffff;
	v61 =	vmul.f32 v56, v26;
	[tilespmem:s10+$0xA930] =	vst v63;
	v42 =	vadd.f32 v60, v29  }
0xe8: {  	v39 =	vadd.f32 v39, v50;
	[tilespmem:s1+$0xEA80] =	vst v55;
	v63 =	vmul.f32 v58, v6;
	v56 =	vld.idx.msk [tilespmem:v7+s10+$0x30 ss:$0x1], $0xffff  }
0xe9: {  	v62 =	vmul.f32 v62, v37;
	v53 =	vadd.f32 v61, v48;
	[tilespmem:s10+$0xA970] =	vst v42;
	v42 =	vld.idx.msk [tilespmem:v32+s1+$0x40 ss:$0x1], $0xffff  }
0xea: {  	[tilespmem:s1+$0xEB70] =	vst v39;
	v60 =	vmul.f32 v59, v8;
	v54 =	vadd.f32 v63, v30;
	v58 =	vld.idx.msk [tilespmem:v7+s10+$0x70 ss:$0x1], $0xffff  }
0xeb: {  	v40 =	vadd.f32 v62, v43;
	[tilespmem:s1+$0xE920] =	vst v53;
	v53 =	vld.idx.msk [tilespmem:v5+s10+$0x40 ss:$0x1], $0xffff;
	v52 =	vmul.f32 v52, v8  }
0xec: {  	v59 =	vld.idx.msk [tilespmem:v38+s1+$0x70 ss:$0x1], $0xffff;
	v39 =	vadd.f32 v60, v20;
	v57 =	vmul.f32 v57, v6;
	[tilespmem:s10+$0xA900] =	vst v54  }
0xed: {  	s12 =	spop (v2sf);
	v60 =	vld.idx.msk [tilespmem:v27+s1+$0x20 ss:$0x1], $0xffff;
	[tilespmem:s1+$0xEB30] =	vst v40;
	v61 =	vmul.f32 v56, v8;
	v52 =	vadd.f32 v52, v23  }
0xee: {  	s13 =	sshll.u32 s12, $0xB;
	s12 =	sshll.u32 s12, $0x7;
	[tilespmem:s10+$0xA9D0] =	vst v39;
	v57 =	vadd.f32 v57, v28;
	v56 =	vld.idx.msk [tilespmem:v38+s1+$0x30 ss:$0x1], $0xffff;
	v62 =	vmul.f32 v42, v34  }
0xef: {  	s13 =	sand.u32 $0xFFFFC000, s13;
	s12 =	sand.u32 $0x380, s12;
	v40 =	vbroadcast v41, $0xE;
	v42 =	vld.idx.msk [tilespmem:v7+s10+$0x0 ss:$0x1], $0xffff;
	v54 =	vadd.f32 v61, v25;
	[tilespmem:s10+$0xA9E0] =	vst v52;
	v52 =	vmul.f32 v58, v8  }
0xf0: {  	s12 =	sor.u32 s12, s13;
	[tilespmem:s10+$0xA910] =	vst v57;
	v58 =	vld.idx.msk [tilespmem:v9+s10+$0x50 ss:$0x1], $0xffff;
	v53 =	vmul.f32 v53, v6;
	v57 =	vadd.f32 v62, v46  }
0xf1: {  	s12 =	sor.u32 $0x2000, s12;
	v59 =	vmul.f32 v59, v40;
	v61 =	vld.idx.msk [tilespmem:v9+s10+$0x60 ss:$0x1], $0xffff;
	[tilespmem:s10+$0xA9B0] =	vst v54;
	v52 =	vadd.f32 v52, v29  }
0xf2: {  	v39 =	vmov s12;
	v60 =	vmul.f32 v60, v31;
	v54 =	vld.idx.msk [tilespmem:v7+s10+$0x10 ss:$0x1], $0xffff;
	v53 =	vadd.f32 v53, v24;
	[tilespmem:s1+$0xEA40] =	vst v57  }
0xf3: {  	v57 =	vadd.f32 v59, v50;
	v59 =	vld.idx.msk [tilespmem:v32+s1+$0x10 ss:$0x1], $0xffff;
	[tilespmem:s10+$0xA9F0] =	vst v52;
	v52 =	vmul.f32 v56, v40  }
0xf4: {  	v60 =	vadd.f32 v60, v48;
	v56 =	vld.idx.msk [tilespmem:v3+s10+$0x20 ss:$0x1], $0xffff;
	v42 =	vmul.f32 v42, v8;
	[tilespmem:s10+$0xA940] =	vst v53  }
0xf5: {  	[tilespmem:s1+$0xEBF0] =	vst v57;
	v57 =	vld.idx.msk [tilespmem:v9+s10+$0x70 ss:$0x1], $0xffff;
	v53 =	vmul.f32 v58, v10;
	v52 =	vadd.f32 v52, v43  }
0xf6: {  	[tilespmem:s1+$0xE9A0] =	vst v60;
	v60 =	vld.idx.msk [tilespmem:v9+s10+$0x30 ss:$0x1], $0xffff;
	v62 =	vadd.f32 v42, v30;
	v61 =	vmul.f32 v61, v10  }
0xf7: {  	v58 =	vld.idx.msk [tilespmem:v39+s1+$0x70 ss:$0x1], $0xffff;
	v53 =	vadd.f32 v53, v20;
	[tilespmem:s1+$0xEBB0] =	vst v52  }
0xf8: {  	v42 =	vld [tilespmem:s11+$0xA020];
	v54 =	vmul.f32 v54, v8;
	[tilespmem:s10+$0xA980] =	vst v62;
	v52 =	vadd.f32 v61, v23  }
0xf9: {  	v59 =	vmul.f32 v59, v34;
	v61 =	vld.idx.msk [tilespmem:v33+s1+$0x40 ss:$0x1], $0xffff;
	[tilespmem:s10+$0xAA50] =	vst v53  }
0xfa: {  	v41 =	vbroadcast v41, $0xF;
	v54 =	vadd.f32 v54, v28;
	v53 =	vld.idx.msk [tilespmem:v9+s10+$0x0 ss:$0x1], $0xffff;
	[tilespmem:s10+$0xAA60] =	vst v52;
	v52 =	vmul.f32 v57, v10  }
0xfb: {  	v56 =	vmul.f32 v56, v4;
	v57 =	vadd.f32 v59, v47;
	v59 =	vld.idx.msk [tilespmem:v11+s10+$0x50 ss:$0x1], $0xffff;
	v60 =	vmul.f32 v60, v10  }
0xfc: {  	[tilespmem:s10+$0xA990] =	vst v54;
	v54 =	vmul.f32 v58, v41;
	v58 =	vld.idx.msk [tilespmem:v11+s10+$0x60 ss:$0x1], $0xffff;
	v52 =	vadd.f32 v52, v29  }
0xfd: {  	v56 =	vadd.f32 v56, v42;
	[tilespmem:s1+$0xEA10] =	vst v57;
	v57 =	vld.idx.msk [tilespmem:v9+s10+$0x10 ss:$0x1], $0xffff;
	v55 =	vadd.f32 v60, v25  }
0xfe: {  	v50 =	vadd.f32 v54, v50;
	v54 =	vld.idx.msk [tilespmem:v33+s1+$0x10 ss:$0x1], $0xffff;
	[tilespmem:s10+$0xAA70] =	vst v52;
	v52 =	vmul.f32 v61, v36  }
0xff: {  	[tilespmem:s10+$0xA8A0] =	vst v56;
	v56 =	vld.idx.msk [tilespmem:v7+s10+$0x40 ss:$0x1], $0xffff;
	v53 =	vmul.f32 v53, v10  }
0x100: {  	v60 =	vld.idx.msk [tilespmem:v35+s1+$0x0 ss:$0x1], $0xffff;
	[tilespmem:s10+$0xAA30] =	vst v55;
	v63 =	vmul.f32 v59, v12;
	v52 =	vadd.f32 v52, v46  }
0x101: {  	[tilespmem:s1+$0xEC70] =	vst v50;
	v50 =	vld.idx.msk [tilespmem:v11+s10+$0x70 ss:$0x1], $0xffff;
	v53 =	vadd.f32 v53, v30;
	v61 =	vmul.f32 v58, v12  }
0x102: {  	v59 =	vld.idx.msk [tilespmem:v32+s1+$0x20 ss:$0x1], $0xffff;
	v57 =	vmul.f32 v57, v10;
	v55 =	vadd.f32 v63, v20;
	[tilespmem:s1+$0xEAC0] =	vst v52  }
0x103: {  	v58 =	vld.idx.msk [tilespmem:v11+s10+$0x30 ss:$0x1], $0xffff;
	[tilespmem:s10+$0xAA00] =	vst v53;
	v53 =	vadd.f32 v61, v23;
	v54 =	vmul.f32 v54, v36  }
0x104: {  	v52 =	vld.idx.msk [tilespmem:v5+s10+$0x20 ss:$0x1], $0xffff;
	v56 =	vmul.f32 v56, v8;
	v57 =	vadd.f32 v57, v28;
	[tilespmem:s10+$0xAAD0] =	vst v55  }
0x105: {  	v55 =	vmul.f32 v60, v37;
	v60 =	vld.idx.msk [tilespmem:v11+s10+$0x0 ss:$0x1], $0xffff;
	[tilespmem:s10+$0xAAE0] =	vst v53;
	v62 =	vadd.f32 v54, v47  }
0x106: {  	v50 =	vmul.f32 v50, v12;
	v54 =	vld.idx.msk [tilespmem:v13+s10+$0x50 ss:$0x1], $0xffff;
	v56 =	vadd.f32 v56, v24;
	[tilespmem:s10+$0xAA10] =	vst v57  }
0x107: {  	v63 =	vmul.f32 v59, v34;
	v55 =	vadd.f32 v55, v49;
	v59 =	vld.idx.msk [tilespmem:v13+s10+$0x60 ss:$0x1], $0xffff;
	[tilespmem:s1+$0xEA90] =	vst v62  }
0x108: {  	v58 =	vmul.f32 v58, v12;
	v50 =	vadd.f32 v50, v29;
	v53 =	vld.idx.msk [tilespmem:v11+s10+$0x10 ss:$0x1], $0xffff;
	[tilespmem:s10+$0xA9C0] =	vst v56  }
0x109: {  	v52 =	vmul.f32 v52, v6;
	[tilespmem:s1+$0xEB00] =	vst v55;
	v55 =	vadd.f32 v63, v48;
	v57 =	vld.idx.msk [tilespmem:v35+s1+$0x10 ss:$0x1], $0xffff  }
0x10a: {  	v58 =	vadd.f32 v58, v25;
	[tilespmem:s10+$0xAAF0] =	vst v50;
	v50 =	vld.idx.msk [tilespmem:v38+s1+$0x0 ss:$0x1], $0xffff;
	v60 =	vmul.f32 v60, v12  }
0x10b: {  	v52 =	vadd.f32 v52, v42;
	[tilespmem:s1+$0xEA20] =	vst v55;
	v55 =	vld.idx.msk [tilespmem:v13+s10+$0x70 ss:$0x1], $0xffff;
	v54 =	vmul.f32 v54, v14  }
0x10c: {  	[tilespmem:s10+$0xAAB0] =	vst v58;
	v58 =	vld.idx.msk [tilespmem:v33+s1+$0x20 ss:$0x1], $0xffff;
	v60 =	vadd.f32 v60, v30;
	v61 =	vmul.f32 v59, v14  }
0x10d: {  	v59 =	vld.idx.msk [tilespmem:v13+s10+$0x30 ss:$0x1], $0xffff;
	[tilespmem:s10+$0xA920] =	vst v52;
	v53 =	vmul.f32 v53, v12;
	v54 =	vadd.f32 v54, v20  }
0x10e: {  	v56 =	vld.idx.msk [tilespmem:v7+s10+$0x20 ss:$0x1], $0xffff;
	[tilespmem:s10+$0xAA80] =	vst v60;
	v52 =	vadd.f32 v61, v23;
	v57 =	vmul.f32 v57, v37  }
0x10f: {  	v60 =	vld.idx.msk [tilespmem:v9+s10+$0x40 ss:$0x1], $0xffff;
	v53 =	vadd.f32 v53, v28;
	[tilespmem:s10+$0xAB50] =	vst v54;
	v50 =	vmul.f32 v50, v40  }
0x110: {  	v54 =	vld.idx.msk [tilespmem:v13+s10+$0x0 ss:$0x1], $0xffff;
	[tilespmem:s10+$0xAB60] =	vst v52;
	v62 =	vmul.f32 v55, v14;
	v63 =	vadd.f32 v57, v47  }
0x111: {  	v57 =	vld.idx.msk [tilespmem:v15+s10+$0x50 ss:$0x1], $0xffff;
	[tilespmem:s10+$0xAA90] =	vst v53;
	v50 =	vadd.f32 v50, v49;
	v61 =	vmul.f32 v58, v36  }
0x112: {  	v58 =	vld.idx.msk [tilespmem:v15+s10+$0x60 ss:$0x1], $0xffff;
	v59 =	vmul.f32 v59, v14;
	v52 =	vadd.f32 v62, v29;
	[tilespmem:s1+$0xEB10] =	vst v63  }
0x113: {  	v55 =	vld.idx.msk [tilespmem:v13+s10+$0x10 ss:$0x1], $0xffff;
	v56 =	vmul.f32 v56, v8;
	[tilespmem:s1+$0xEB80] =	vst v50;
	v50 =	vadd.f32 v61, v48  }
0x114: {  	v53 =	vld.idx.msk [tilespmem:v38+s1+$0x10 ss:$0x1], $0xffff;
	v59 =	vadd.f32 v59, v25;
	v60 =	vmul.f32 v60, v10;
	[tilespmem:s10+$0xAB70] =	vst v52  }
0x115: {  	v52 =	vld.idx.msk [tilespmem:v39+s1+$0x0 ss:$0x1], $0xffff;
	v54 =	vmul.f32 v54, v14;
	v56 =	vadd.f32 v56, v42;
	[tilespmem:s1+$0xEAA0] =	vst v50  }
0x116: {  	v50 =	vld.idx.msk [tilespmem:v15+s10+$0x70 ss:$0x1], $0xffff;
	[tilespmem:s10+$0xAB30] =	vst v59;
	v59 =	vadd.f32 v60, v24;
	v57 =	vmul.f32 v57, v16  }
0x117: {  	v60 =	vld.idx.msk [tilespmem:v35+s1+$0x20 ss:$0x1], $0xffff;
	v54 =	vadd.f32 v54, v30;
	v62 =	vmul.f32 v58, v16;
	[tilespmem:s10+$0xA9A0] =	vst v56  }
0x118: {  	v58 =	vld.idx.msk [tilespmem:v15+s10+$0x30 ss:$0x1], $0xffff;
	v55 =	vmul.f32 v55, v14;
	[tilespmem:s10+$0xAA40] =	vst v59;
	v57 =	vadd.f32 v57, v20  }
0x119: {  	v59 =	vld.idx.msk [tilespmem:v9+s10+$0x20 ss:$0x1], $0xffff;
	[tilespmem:s10+$0xAB00] =	vst v54;
	v63 =	vadd.f32 v62, v23;
	v53 =	vmul.f32 v53, v40  }
0x11a: {  	v61 =	vld.idx.msk [tilespmem:v11+s10+$0x40 ss:$0x1], $0xffff;
	v55 =	vadd.f32 v55, v28;
	[tilespmem:s10+$0xABD0] =	vst v57;
	v52 =	vmul.f32 v52, v41  }
0x11b: {  	v57 =	vld.idx.msk [tilespmem:v15+s10+$0x0 ss:$0x1], $0xffff;
	[tilespmem:s10+$0xABE0] =	vst v63;
	v50 =	vmul.f32 v50, v16;
	v53 =	vadd.f32 v53, v47  }
0x11c: {  	v54 =	vld.idx.msk [tilespmem:v17+s10+$0x50 ss:$0x1], $0xffff;
	[tilespmem:s10+$0xAB10] =	vst v55;
	v49 =	vadd.f32 v52, v49;
	v62 =	vmul.f32 v60, v37  }
0x11d: {  	v63 =	vld.idx.msk [tilespmem:v17+s10+$0x60 ss:$0x1], $0xffff;
	v58 =	vmul.f32 v58, v16;
	v50 =	vadd.f32 v50, v29;
	[tilespmem:s1+$0xEB90] =	vst v53  }
0x11e: {  	v53 =	vld.idx.msk [tilespmem:v15+s10+$0x10 ss:$0x1], $0xffff;
	v59 =	vmul.f32 v59, v10;
	[tilespmem:s1+$0xEC00] =	vst v49;
	v60 =	vadd.f32 v62, v48  }
0x11f: {  	v52 =	vld.idx.msk [tilespmem:v39+s1+$0x10 ss:$0x1], $0xffff;
	v58 =	vadd.f32 v58, v25;
	v56 =	vmul.f32 v61, v12;
	[tilespmem:s10+$0xABF0] =	vst v50  }
0x120: {  	v61 =	vmul.f32 v51, v34;
	v51 =	vld.idx.msk [tilespmem:v35+s1+$0x40 ss:$0x1], $0xffff;
	v59 =	vadd.f32 v59, v42;
	[tilespmem:s1+$0xEB20] =	vst v60  }
0x121: {  	v57 =	vmul.f32 v57, v16;
	v49 =	vld.idx.msk [tilespmem:v17+s10+$0x70 ss:$0x1], $0xffff;
	[tilespmem:s10+$0xABB0] =	vst v58;
	v56 =	vadd.f32 v56, v24  }
0x122: {  	v54 =	vmul.f32 v54, v18;
	v50 =	vadd.f32 v61, v44;
	v62 =	vld.idx.msk [tilespmem:v38+s1+$0x20 ss:$0x1], $0xffff;
	[tilespmem:s10+$0xAA20] =	vst v59  }
0x123: {  	v55 =	vmul.f32 v63, v18;
	v63 =	vld.idx.msk [tilespmem:v17+s10+$0x30 ss:$0x1], $0xffff;
	v57 =	vadd.f32 v57, v30;
	[tilespmem:s10+$0xAAC0] =	vst v56  }
0x124: {  	v54 =	vadd.f32 v54, v20;
	v53 =	vmul.f32 v53, v16;
	[tilespmem:s1+$0xEA60] =	vst v50;
	v56 =	vld.idx.msk [tilespmem:v11+s10+$0x20 ss:$0x1], $0xffff  }
0x125: {  	v55 =	vadd.f32 v55, v23;
	v60 =	vld.idx.msk [tilespmem:v13+s10+$0x40 ss:$0x1], $0xffff;
	v52 =	vmul.f32 v52, v41;
	[tilespmem:s10+$0xAB80] =	vst v57  }
0x126: {  	v61 =	vld.idx.msk [tilespmem:v33+s1+$0x60 ss:$0x1], $0xffff;
	[tilespmem:s10+$0xAC50] =	vst v54;
	v53 =	vadd.f32 v53, v28;
	v49 =	vmul.f32 v49, v18  }
0x127: {  	[tilespmem:s10+$0xAC60] =	vst v55;
	v55 =	vld.idx.msk [tilespmem:v19+s10+$0x50 ss:$0x1], $0xffff;
	v47 =	vadd.f32 v52, v47;
	v62 =	vmul.f32 v62, v40  }
0x128: {  	v57 =	vld.idx.msk [tilespmem:v19+s10+$0x60 ss:$0x1], $0xffff;
	[tilespmem:s10+$0xAB90] =	vst v53;
	v63 =	vmul.f32 v63, v18;
	v49 =	vadd.f32 v49, v29  }
0x129: {  	v58 =	vld.idx.msk [tilespmem:v17+s10+$0x0 ss:$0x1], $0xffff;
	[tilespmem:s1+$0xEC10] =	vst v47;
	v56 =	vmul.f32 v56, v12;
	v52 =	vadd.f32 v62, v48  }
0x12a: {  	v59 =	vld.idx.msk [tilespmem:v17+s10+$0x10 ss:$0x1], $0xffff;
	v53 =	vadd.f32 v63, v25;
	v50 =	vmul.f32 v60, v14;
	[tilespmem:s10+$0xAC70] =	vst v49  }
0x12b: {  	v47 =	vld.idx.msk [tilespmem:v39+s1+$0x30 ss:$0x1], $0xffff;
	v61 =	vmul.f32 v61, v36;
	v60 =	vadd.f32 v56, v42;
	[tilespmem:s1+$0xEBA0] =	vst v52  }
0x12c: {  	v54 =	vld.idx.msk [tilespmem:v19+s10+$0x70 ss:$0x1], $0xffff;
	[tilespmem:s10+$0xAC30] =	vst v53;
	v50 =	vadd.f32 v50, v24;
	v62 =	vmul.f32 v55, v21  }
0x12d: {  	v52 =	vadd.f32 v61, v44;
	v55 =	vld.idx.msk [tilespmem:v39+s1+$0x20 ss:$0x1], $0xffff;
	v63 =	vmul.f32 v57, v21;
	[tilespmem:s10+$0xAAA0] =	vst v60  }
0x12e: {  	v56 =	vld.idx.msk [tilespmem:v19+s10+$0x30 ss:$0x1], $0xffff;
	v60 =	vmul.f32 v58, v18;
	[tilespmem:s10+$0xAB40] =	vst v50;
	v61 =	vadd.f32 v62, v20  }
0x12f: {  	v62 =	vmul.f32 v59, v18;
	[tilespmem:s1+$0xEAE0] =	vst v52;
	v53 =	vld.idx.msk [tilespmem:v13+s10+$0x20 ss:$0x1], $0xffff;
	v49 =	vadd.f32 v63, v23  }
0x130: {  	v52 =	vld.idx.msk [tilespmem:v15+s10+$0x40 ss:$0x1], $0xffff;
	v63 =	vmul.f32 v51, v37;
	v57 =	vadd.f32 v60, v30;
	[tilespmem:s10+$0xE8D0] =	vst v61  }
0x131: {  	v51 =	vld.idx.msk [tilespmem:v35+s1+$0x60 ss:$0x1], $0xffff;
	v58 =	vadd.f32 v62, v28;
	[tilespmem:s10+$0xE8E0] =	vst v49;
	v60 =	vmul.f32 v54, v21  }
0x132: {  	v61 =	vld.idx.msk [tilespmem:v22+s10+$0x50 ss:$0x1], $0xffff;
	v50 =	vadd.f32 v63, v46;
	[tilespmem:s10+$0xAC00] =	vst v57;
	v55 =	vmul.f32 v55, v41  }
0x133: {  	v62 =	vld.idx.msk [tilespmem:v22+s10+$0x60 ss:$0x1], $0xffff;
	[tilespmem:s10+$0xAC10] =	vst v58;
	v56 =	vmul.f32 v56, v21;
	v49 =	vadd.f32 v60, v29  }
0x134: {  	v63 =	vld.idx.msk [tilespmem:v19+s10+$0x0 ss:$0x1], $0xffff;
	[tilespmem:s1+$0xEB40] =	vst v50;
	v53 =	vmul.f32 v53, v14;
	v48 =	vadd.f32 v55, v48  }
0x135: {  	v50 =	vld.idx.msk [tilespmem:v19+s10+$0x10 ss:$0x1], $0xffff;
	v59 =	vadd.f32 v56, v25;
	v52 =	vmul.f32 v52, v16;
	[tilespmem:s10+$0xE8F0] =	vst v49  }
0x136: {  	v60 =	vmul.f32 v51, v37;
	v55 =	vld.idx.msk [tilespmem:v38+s1+$0x50 ss:$0x1], $0xffff;
	v53 =	vadd.f32 v53, v42;
	[tilespmem:s1+$0xEC20] =	vst v48  }
0x137: {  	v49 =	vld.idx.msk [tilespmem:v38+s1+$0x40 ss:$0x1], $0xffff;
	[tilespmem:s10+$0xE8B0] =	vst v59;
	v52 =	vadd.f32 v52, v24;
	v54 =	vmul.f32 v61, v26  }
0x138: {  	v51 =	vld.idx.msk [tilespmem:v22+s10+$0x70 ss:$0x1], $0xffff;
	v48 =	vadd.f32 v60, v44;
	v61 =	vmul.f32 v62, v26;
	[tilespmem:s10+$0xAB20] =	vst v53  }
0x139: {  	v56 =	vld.idx.msk [tilespmem:v22+s10+$0x30 ss:$0x1], $0xffff;
	v62 =	vmul.f32 v63, v21;
	[tilespmem:s10+$0xABC0] =	vst v52;
	v63 =	vadd.f32 v54, v20  }
0x13a: {  	v50 =	vmul.f32 v50, v21;
	[tilespmem:s1+$0xEB60] =	vst v48;
	v54 =	vld.idx.msk [tilespmem:v15+s10+$0x20 ss:$0x1], $0xffff;
	v53 =	vadd.f32 v61, v23  }
0x13b: {  	v48 =	vld.idx.msk [tilespmem:v17+s10+$0x40 ss:$0x1], $0xffff;
	v55 =	vmul.f32 v55, v40;
	v57 =	vadd.f32 v62, v30;
	[tilespmem:s10+$0xE950] =	vst v63  }
0x13c: {  	v60 =	vld.idx.msk [tilespmem:v38+s1+$0x60 ss:$0x1], $0xffff;
	v49 =	vmul.f32 v49, v40;
	v50 =	vadd.f32 v50, v28;
	[tilespmem:s10+$0xE960] =	vst v53  }
0x13d: {  	v51 =	vmul.f32 v51, v26;
	v61 =	vld.idx.msk [tilespmem:v27+s10+$0x50 ss:$0x1], $0xffff;
	v58 =	vadd.f32 v55, v45;
	[tilespmem:s10+$0xE880] =	vst v57  }
0x13e: {  	v49 =	vadd.f32 v49, v46;
	v57 =	vld.idx.msk [tilespmem:v27+s10+$0x60 ss:$0x1], $0xffff;
	[tilespmem:s10+$0xE890] =	vst v50;
	v62 =	vmul.f32 v56, v26  }
0x13f: {  	v51 =	vadd.f32 v51, v29;
	v63 =	vld.idx.msk [tilespmem:v22+s10+$0x0 ss:$0x1], $0xffff;
	[tilespmem:s1+$0xEBD0] =	vst v58;
	v54 =	vmul.f32 v54, v16  }
0x140: {  	v55 =	vld.idx.msk [tilespmem:v22+s10+$0x10 ss:$0x1], $0xffff;
	[tilespmem:s1+$0xEBC0] =	vst v49;
	v50 =	vadd.f32 v62, v25;
	v48 =	vmul.f32 v48, v18  }
0x141: {  	v59 =	vmul.f32 v60, v40;
	[tilespmem:s10+$0xE970] =	vst v51;
	v51 =	vld.idx.msk [tilespmem:v39+s1+$0x40 ss:$0x1], $0xffff;
	v54 =	vadd.f32 v54, v42  }
0x142: {  	v52 =	vld.idx.msk [tilespmem:v27+s10+$0x70 ss:$0x1], $0xffff;
	[tilespmem:s10+$0xE930] =	vst v50;
	v48 =	vadd.f32 v48, v24;
	v60 =	vmul.f32 v61, v31  }
0x143: {  	v61 =	vld.idx.msk [tilespmem:v39+s1+$0x50 ss:$0x1], $0xffff;
	v49 =	vadd.f32 v59, v44;
	v62 =	vmul.f32 v57, v31;
	[tilespmem:s10+$0xABA0] =	vst v54  }
0x144: {  	v57 =	vld.idx.msk [tilespmem:v27+s10+$0x30 ss:$0x1], $0xffff;
	v56 =	vmul.f32 v63, v26;
	[tilespmem:s10+$0xAC40] =	vst v48;
	v63 =	vadd.f32 v60, v20  }
0x145: {  	v55 =	vmul.f32 v55, v26;
	[tilespmem:s1+$0xEBE0] =	vst v49;
	v50 =	vld.idx.msk [tilespmem:v17+s10+$0x20 ss:$0x1], $0xffff;
	v54 =	vadd.f32 v62, v23  }
0x146: {  	v49 =	vld.idx.msk [tilespmem:v19+s10+$0x40 ss:$0x1], $0xffff;
	v56 =	vadd.f32 v56, v30;
	[tilespmem:s10+$0xE9D0] =	vst v63;
	v59 =	vmul.f32 v51, v41  }
0x147: {  	v60 =	vld.idx.msk [tilespmem:v39+s1+$0x60 ss:$0x1], $0xffff;
	v55 =	vadd.f32 v55, v28;
	[tilespmem:s10+$0xE9E0] =	vst v54;
	v52 =	vmul.f32 v52, v31  }
0x148: {  	v54 =	vld.idx.msk [tilespmem:v32+s10+$0x50 ss:$0x1], $0xffff;
	v61 =	vmul.f32 v61, v41;
	[tilespmem:s10+$0xE900] =	vst v56;
	v46 =	vadd.f32 v59, v46  }
0x149: {  	v62 =	vld.idx.msk [tilespmem:v32+s10+$0x60 ss:$0x1], $0xffff;
	[tilespmem:s10+$0xE910] =	vst v55;
	v63 =	vmul.f32 v57, v31;
	v52 =	vadd.f32 v52, v29  }
0x14a: {  	v56 =	vld.idx.msk [tilespmem:v27+s10+$0x0 ss:$0x1], $0xffff;
	v45 =	vadd.f32 v61, v45;
	v50 =	vmul.f32 v50, v18;
	[tilespmem:s1+$0xEC40] =	vst v46  }
0x14b: {  	v57 =	vld.idx.msk [tilespmem:v27+s10+$0x10 ss:$0x1], $0xffff;
	v59 =	vadd.f32 v63, v25;
	v49 =	vmul.f32 v49, v21;
	[tilespmem:s10+$0xE9F0] =	vst v52  }
0x14c: {  	v60 =	vmul.f32 v60, v41;
	[tilespmem:s1+$0xEC50] =	vst v45;
	v50 =	vadd.f32 v50, v42  }
0x14d: {  	v48 =	vld.idx.msk [tilespmem:v32+s10+$0x70 ss:$0x1], $0xffff;
	[tilespmem:s10+$0xE9B0] =	vst v59;
	v49 =	vadd.f32 v49, v24;
	v61 =	vmul.f32 v54, v34  }
0x14e: {  	v47 =	vmul.f32 v47, v41;
	v44 =	vadd.f32 v60, v44;
	v46 =	vld.idx.msk [tilespmem:v32+s10+$0x30 ss:$0x1], $0xffff;
	[tilespmem:s10+$0xAC20] =	vst v50  }
0x14f: {  	v62 =	vmul.f32 v62, v34;
	v63 =	vmul.f32 v56, v31;
	[tilespmem:s10+$0xE8C0] =	vst v49;
	v51 =	vadd.f32 v61, v20  }
0x150: {  	v43 =	vadd.f32 v47, v43;
	v50 =	vmul.f32 v57, v31;
	[tilespmem:s1+$0xEC60] =	vst v44;
	v45 =	vld.idx.msk [tilespmem:v19+s10+$0x20 ss:$0x1], $0xffff  }
0x151: {  	s11 =	simm.s32 $0x100;
	v44 =	vld.idx.msk [tilespmem:v22+s10+$0x40 ss:$0x1], $0xffff;
	v47 =	vadd.f32 v62, v23;
	v49 =	vadd.f32 v63, v30;
	[tilespmem:s10+$0xEA50] =	vst v51  }
.LBB2_3:
0x152: {  	p1 =	slt.u32 s11, $0x780;
	[tilespmem:s1+$0xEC30] =	vst v43;
	s1 =	smov.u32 s10  }
0x153: {  	v50 =	vadd.f32 v50, v28;
	v51 =	vld.idx.msk [tilespmem:v33+s10+$0x50 ss:$0x1], $0xffff;
	v48 =	vmul.f32 v48, v34;
	s10 =	sshll.u32 s11, $0x3;
	s12 =	smov.u32 s11;
	s11 =	sadd.s32 $0x80, s11  }
0x154: {  	v43 =	vld [tilespmem:s12+$0xA050];
	[tilespmem:s1+$0xE980] =	vst v49  }
0x155: {  	v46 =	vmul.f32 v46, v34;
	v52 =	vld.idx.msk [tilespmem:v32+s1+$0x0 ss:$0x1], $0xffff;
	[tilespmem:s1+$0xE990] =	vst v50;
	v48 =	vadd.f32 v48, v29  }
0x156: {  	v45 =	vmul.f32 v45, v21;
	v49 =	vld.idx.msk [tilespmem:v3+s10+$0x60 ss:$0x1], $0xffff  }
0x157: {  	v46 =	vadd.f32 v46, v25;
	v44 =	vmul.f32 v44, v26;
	v50 =	vld.idx.msk [tilespmem:v3+s10+$0x50 ss:$0x1], $0xffff;
	[tilespmem:s1+$0xEA70] =	vst v48  }
0x158: {  	v45 =	vadd.f32 v45, v42;
	v48 =	vld.idx.msk [tilespmem:v3+s10+$0x40 ss:$0x1], $0xffff  }
0x159: {  	v44 =	vadd.f32 v44, v24;
	[tilespmem:s1+$0xEA30] =	vst v46;
	v46 =	vmul.f32 v51, v36;
	v53 =	vld.idx.msk [tilespmem:v33+s1+$0x70 ss:$0x1], $0xffff  }
0x15a: {  	v54 =	vld.idx.msk [tilespmem:v3+s10+$0x70 ss:$0x1], $0xffff;
	[tilespmem:s1+$0xE8A0] =	vst v45  }
0x15b: {  	v55 =	vld.idx.msk [tilespmem:v33+s1+$0x30 ss:$0x1], $0xffff;
	[tilespmem:s1+$0xE940] =	vst v44;
	v44 =	vadd.f32 v46, v20  }
0x15c: {  	v56 =	vld.idx.msk [tilespmem:v3+s10+$0x30 ss:$0x1], $0xffff  }
0x15d: {  	v45 =	vld [tilespmem:s12+$0xA060];
	[tilespmem:s1+$0xEAD0] =	vst v44  }
0x15e: {  	v57 =	vmul.f32 v48, v4;
	v46 =	vld [tilespmem:s12+$0xA040]  }
0x15f: {  	v44 =	vld [tilespmem:s12+$0xA030]  }
0x160: {  	v50 =	vmul.f32 v50, v4;
	v58 =	vld.idx.msk [tilespmem:v35+s1+$0x50 ss:$0x1], $0xffff  }
0x161: {  	v59 =	vmul.f32 v49, v4;
	v51 =	vld [tilespmem:s12+$0xA070]  }
0x162: {  	v50 =	vadd.f32 v50, v43;
	v55 =	vmul.f32 v55, v36;
	v48 =	vld [tilespmem:s12+$0xA010]  }
0x163: {  	v56 =	vmul.f32 v56, v4;
	v59 =	vadd.f32 v59, v45;
	v49 =	vld [tilespmem:s12+$0xA000];
	v57 =	vadd.f32 v57, v46  }
0x164: {  	v60 =	vld.idx.msk [tilespmem:v3+s10+$0x0 ss:$0x1], $0xffff;
	[tilespmem:s10+$0xA8D0] =	vst v50;
	v50 =	vmul.f32 v54, v4;
	v54 =	vadd.f32 v55, v25  }
0x165: {  	v55 =	vadd.f32 v56, v44;
	v56 =	vld.idx.msk [tilespmem:v5+s10+$0x50 ss:$0x1], $0xffff;
	[tilespmem:s10+$0xA8E0] =	vst v59  }
0x166: {  	v53 =	vmul.f32 v53, v36;
	v59 =	vld.idx.msk [tilespmem:v5+s10+$0x60 ss:$0x1], $0xffff;
	v50 =	vadd.f32 v50, v51;
	[tilespmem:s1+$0xEAB0] =	vst v54  }
0x167: {  	v52 =	vmul.f32 v52, v34;
	v54 =	vld.idx.msk [tilespmem:v3+s10+$0x10 ss:$0x1], $0xffff;
	[tilespmem:s10+$0xA8B0] =	vst v55;
	v55 =	vmul.f32 v58, v37  }
0x168: {  	v53 =	vadd.f32 v53, v29;
	v58 =	vld.idx.msk [tilespmem:v5+s10+$0x30 ss:$0x1], $0xffff;
	[tilespmem:s10+$0xA8C0] =	vst v57  }
0x169: {  	[tilespmem:s10+$0xA8F0] =	vst v50;
	v50 =	vadd.f32 v52, v30;
	v52 =	vld.idx.msk [tilespmem:v27+s1+$0x40 ss:$0x1], $0xffff;
	v55 =	vadd.f32 v55, v20  }
0x16a: {  	v57 =	vmul.f32 v60, v4;
	v60 =	vld.idx.msk [tilespmem:v5+s10+$0x70 ss:$0x1], $0xffff;
	[tilespmem:s1+$0xEAF0] =	vst v53  }
0x16b: {  	v53 =	vmul.f32 v56, v6;
	[tilespmem:s1+$0xEA00] =	vst v50;
	v50 =	vld.idx.msk [tilespmem:v35+s1+$0x70 ss:$0x1], $0xffff  }
0x16c: {  	v56 =	vadd.f32 v57, v49;
	v57 =	vmul.f32 v59, v6;
	v59 =	vld.idx.msk [tilespmem:v33+s1+$0x0 ss:$0x1], $0xffff;
	[tilespmem:s1+$0xEB50] =	vst v55  }
0x16d: {  	v54 =	vmul.f32 v54, v4;
	v53 =	vadd.f32 v53, v43;
	v55 =	vld.idx.msk [tilespmem:v22+s1+$0x20 ss:$0x1], $0xffff  }
0x16e: {  	v57 =	vadd.f32 v57, v45;
	[tilespmem:s10+$0xA880] =	vst v56;
	v56 =	vmul.f32 v58, v6;
	v58 =	vld.idx.msk [tilespmem:v35+s1+$0x30 ss:$0x1], $0xffff  }
0x16f: {  	v54 =	vadd.f32 v54, v48;
	v52 =	vmul.f32 v52, v31;
	v61 =	vld.idx.msk [tilespmem:v5+s10+$0x0 ss:$0x1], $0xffff;
	[tilespmem:s10+$0xA950] =	vst v53  }
0x170: {  	v53 =	vadd.f32 v56, v44;
	v56 =	vld.idx.msk [tilespmem:v7+s10+$0x50 ss:$0x1], $0xffff;
	[tilespmem:s10+$0xA960] =	vst v57;
	v57 =	vmul.f32 v60, v6  }
0x171: {  	v52 =	vadd.f32 v52, v24;
	v50 =	vmul.f32 v50, v37;
	[tilespmem:s10+$0xA890] =	vst v54;
	v54 =	vld.idx.msk [tilespmem:v7+s10+$0x60 ss:$0x1], $0xffff  }
0x172: {  	v60 =	vld.idx.msk [tilespmem:v5+s10+$0x10 ss:$0x1], $0xffff;
	[tilespmem:s10+$0xA930] =	vst v53;
	v53 =	vadd.f32 v57, v51  }
0x173: {  	v55 =	vmul.f32 v55, v26;
	v50 =	vadd.f32 v50, v29;
	v57 =	vld.idx.msk [tilespmem:v7+s10+$0x30 ss:$0x1], $0xffff;
	[tilespmem:s1+$0xE9C0] =	vst v52  }
0x174: {  	v52 =	vmul.f32 v58, v37;
	[tilespmem:s10+$0xA970] =	vst v53;
	v53 =	vld.idx.msk [tilespmem:v32+s1+$0x40 ss:$0x1], $0xffff  }
0x175: {  	v58 =	vmul.f32 v61, v6;
	v55 =	vadd.f32 v55, v42;
	v61 =	vld.idx.msk [tilespmem:v7+s10+$0x70 ss:$0x1], $0xffff;
	[tilespmem:s1+$0xEB70] =	vst v50  }
0x176: {  	v50 =	vmul.f32 v56, v8;
	v52 =	vadd.f32 v52, v25;
	v56 =	vld.idx.msk [tilespmem:v38+s1+$0x70 ss:$0x1], $0xffff  }
0x177: {  	v58 =	vadd.f32 v58, v49;
	v54 =	vmul.f32 v54, v8;
	v62 =	vld.idx.msk [tilespmem:v5+s10+$0x40 ss:$0x1], $0xffff;
	[tilespmem:s1+$0xE920] =	vst v55  }
0x178: {  	v55 =	vmul.f32 v60, v6;
	v50 =	vadd.f32 v50, v43;
	v60 =	vld.idx.msk [tilespmem:v27+s1+$0x20 ss:$0x1], $0xffff;
	[tilespmem:s1+$0xEB30] =	vst v52  }
0x179: {  	v52 =	vmul.f32 v57, v8;
	v54 =	vadd.f32 v54, v45;
	[tilespmem:s10+$0xA900] =	vst v58;
	v57 =	vld.idx.msk [tilespmem:v38+s1+$0x30 ss:$0x1], $0xffff  }
0x17a: {  	v55 =	vadd.f32 v55, v48;
	v58 =	vld.idx.msk [tilespmem:v7+s10+$0x0 ss:$0x1], $0xffff;
	[tilespmem:s10+$0xA9D0] =	vst v50;
	v50 =	vmul.f32 v53, v34  }
0x17b: {  	v52 =	vadd.f32 v52, v44;
	v53 =	vld.idx.msk [tilespmem:v9+s10+$0x50 ss:$0x1], $0xffff;
	[tilespmem:s10+$0xA9E0] =	vst v54;
	v54 =	vmul.f32 v61, v8  }
0x17c: {  	v56 =	vmul.f32 v56, v40;
	[tilespmem:s10+$0xA910] =	vst v55;
	v55 =	vld.idx.msk [tilespmem:v9+s10+$0x60 ss:$0x1], $0xffff;
	v50 =	vadd.f32 v50, v24  }
0x17d: {  	v61 =	vld.idx.msk [tilespmem:v7+s10+$0x10 ss:$0x1], $0xffff;
	[tilespmem:s10+$0xA9B0] =	vst v52;
	v52 =	vmul.f32 v62, v6;
	v54 =	vadd.f32 v54, v51  }
0x17e: {  	v60 =	vmul.f32 v60, v31;
	v62 =	vld.idx.msk [tilespmem:v32+s1+$0x10 ss:$0x1], $0xffff;
	[tilespmem:s1+$0xEA40] =	vst v50;
	v50 =	vadd.f32 v56, v29  }
0x17f: {  	v56 =	vld.idx.msk [tilespmem:v3+s10+$0x20 ss:$0x1], $0xffff;
	v52 =	vadd.f32 v52, v46;
	[tilespmem:s10+$0xA9F0] =	vst v54;
	v54 =	vmul.f32 v57, v40  }
0x180: {  	v57 =	vmul.f32 v58, v8;
	v60 =	vadd.f32 v60, v42;
	v58 =	vld.idx.msk [tilespmem:v9+s10+$0x70 ss:$0x1], $0xffff;
	[tilespmem:s1+$0xEBF0] =	vst v50  }
0x181: {  	[tilespmem:s10+$0xA940] =	vst v52;
	v52 =	vmul.f32 v53, v10;
	v53 =	vadd.f32 v54, v25;
	v54 =	vld.idx.msk [tilespmem:v39+s1+$0x70 ss:$0x1], $0xffff  }
0x182: {  	v57 =	vadd.f32 v57, v49;
	v55 =	vmul.f32 v55, v10;
	v63 =	vld.idx.msk [tilespmem:v9+s10+$0x30 ss:$0x1], $0xffff;
	[tilespmem:s1+$0xE9A0] =	vst v60  }
0x183: {  	v59 =	vmul.f32 v59, v36;
	v60 =	vmul.f32 v61, v8;
	v50 =	vld [tilespmem:s12+$0xA020];
	v52 =	vadd.f32 v52, v43;
	[tilespmem:s1+$0xEBB0] =	vst v53  }
0x184: {  	v53 =	vadd.f32 v55, v45;
	v55 =	vmul.f32 v62, v34;
	[tilespmem:s10+$0xA980] =	vst v57;
	v57 =	vld.idx.msk [tilespmem:v33+s1+$0x40 ss:$0x1], $0xffff  }
0x185: {  	v60 =	vadd.f32 v60, v48;
	v61 =	vld.idx.msk [tilespmem:v9+s10+$0x0 ss:$0x1], $0xffff;
	[tilespmem:s10+$0xAA50] =	vst v52;
	v52 =	vadd.f32 v59, v30  }
0x186: {  	v55 =	vadd.f32 v55, v28;
	v59 =	vld.idx.msk [tilespmem:v11+s10+$0x50 ss:$0x1], $0xffff;
	[tilespmem:s10+$0xAA60] =	vst v53;
	v53 =	vmul.f32 v58, v10  }
0x187: {  	v54 =	vmul.f32 v54, v41;
	[tilespmem:s10+$0xA990] =	vst v60;
	v58 =	vld.idx.msk [tilespmem:v11+s10+$0x60 ss:$0x1], $0xffff  }
0x188: {  	v62 =	vmul.f32 v63, v10;
	v60 =	vld.idx.msk [tilespmem:v9+s10+$0x10 ss:$0x1], $0xffff;
	v53 =	vadd.f32 v53, v51;
	[tilespmem:s1+$0xEA10] =	vst v55  }
0x189: {  	v55 =	vmul.f32 v56, v4;
	v54 =	vadd.f32 v54, v29;
	v29 =	vmov v51;
	[tilespmem:s1+$0xEA80] =	vst v52;
	v52 =	vld.idx.msk [tilespmem:v33+s1+$0x10 ss:$0x1], $0xffff  }
0x18a: {  	v51 =	vadd.f32 v62, v44;
	v56 =	vmul.f32 v57, v36;
	[tilespmem:s10+$0xAA70] =	vst v53;
	v53 =	vld.idx.msk [tilespmem:v35+s1+$0x0 ss:$0x1], $0xffff  }
0x18b: {  	v57 =	vmul.f32 v61, v10;
	v55 =	vadd.f32 v55, v50;
	v61 =	vld.idx.msk [tilespmem:v11+s10+$0x70 ss:$0x1], $0xffff;
	[tilespmem:s1+$0xEC70] =	vst v54  }
0x18c: {  	v56 =	vadd.f32 v56, v24;
	[tilespmem:s10+$0xAA30] =	vst v51;
	v51 =	vmul.f32 v59, v12;
	v54 =	vld.idx.msk [tilespmem:v32+s1+$0x20 ss:$0x1], $0xffff  }
0x18d: {  	v57 =	vadd.f32 v57, v49;
	v58 =	vmul.f32 v58, v12;
	[tilespmem:s10+$0xA8A0] =	vst v55;
	v55 =	vld.idx.msk [tilespmem:v11+s10+$0x30 ss:$0x1], $0xffff  }
0x18e: {  	v59 =	vmul.f32 v60, v10;
	v60 =	vld.idx.msk [tilespmem:v5+s10+$0x20 ss:$0x1], $0xffff;
	v51 =	vadd.f32 v51, v43;
	[tilespmem:s1+$0xEAC0] =	vst v56  }
0x18f: {  	v52 =	vmul.f32 v52, v36;
	[tilespmem:s10+$0xAA00] =	vst v57;
	v56 =	vld.idx.msk [tilespmem:v7+s10+$0x40 ss:$0x1], $0xffff;
	v57 =	vadd.f32 v58, v45  }
0x190: {  	v59 =	vadd.f32 v59, v48;
	v58 =	vld.idx.msk [tilespmem:v11+s10+$0x0 ss:$0x1], $0xffff;
	[tilespmem:s10+$0xAAD0] =	vst v51;
	v51 =	vmul.f32 v53, v37  }
0x191: {  	v52 =	vadd.f32 v52, v28;
	v53 =	vld.idx.msk [tilespmem:v13+s10+$0x50 ss:$0x1], $0xffff;
	[tilespmem:s10+$0xAAE0] =	vst v57;
	v57 =	vmul.f32 v61, v12  }
0x192: {  	v54 =	vmul.f32 v54, v34;
	[tilespmem:s10+$0xAA10] =	vst v59;
	v59 =	vld.idx.msk [tilespmem:v13+s10+$0x60 ss:$0x1], $0xffff;
	v51 =	vadd.f32 v51, v30  }
0x193: {  	v55 =	vmul.f32 v55, v12;
	v61 =	vld.idx.msk [tilespmem:v11+s10+$0x10 ss:$0x1], $0xffff;
	v57 =	vadd.f32 v57, v29;
	[tilespmem:s1+$0xEA90] =	vst v52  }
0x194: {  	v52 =	vmul.f32 v60, v6;
	v54 =	vadd.f32 v54, v42;
	[tilespmem:s1+$0xEB00] =	vst v51;
	v51 =	vld.idx.msk [tilespmem:v35+s1+$0x10 ss:$0x1], $0xffff  }
0x195: {  	v55 =	vadd.f32 v55, v44;
	v56 =	vmul.f32 v56, v8;
	[tilespmem:s10+$0xAAF0] =	vst v57;
	v57 =	vld.idx.msk [tilespmem:v38+s1+$0x0 ss:$0x1], $0xffff  }
0x196: {  	v58 =	vmul.f32 v58, v12;
	v52 =	vadd.f32 v52, v50;
	v60 =	vld.idx.msk [tilespmem:v13+s10+$0x70 ss:$0x1], $0xffff;
	[tilespmem:s1+$0xEA20] =	vst v54  }
0x197: {  	v54 =	vadd.f32 v56, v46;
	v53 =	vmul.f32 v53, v14;
	[tilespmem:s10+$0xAAB0] =	vst v55;
	v55 =	vld.idx.msk [tilespmem:v33+s1+$0x20 ss:$0x1], $0xffff  }
0x198: {  	v56 =	vadd.f32 v58, v49;
	v58 =	vmul.f32 v59, v14;
	[tilespmem:s10+$0xA920] =	vst v52;
	v52 =	vld.idx.msk [tilespmem:v13+s10+$0x30 ss:$0x1], $0xffff  }
0x199: {  	v59 =	vmul.f32 v61, v12;
	v53 =	vadd.f32 v53, v43;
	v61 =	vld.idx.msk [tilespmem:v7+s10+$0x20 ss:$0x1], $0xffff;
	[tilespmem:s10+$0xA9C0] =	vst v54  }
0x19a: {  	v51 =	vmul.f32 v51, v37;
	[tilespmem:s10+$0xAA80] =	vst v56;
	v54 =	vld.idx.msk [tilespmem:v9+s10+$0x40 ss:$0x1], $0xffff;
	v56 =	vadd.f32 v58, v45  }
0x19b: {  	v59 =	vadd.f32 v59, v48;
	v58 =	vld.idx.msk [tilespmem:v13+s10+$0x0 ss:$0x1], $0xffff;
	[tilespmem:s10+$0xAB50] =	vst v53;
	v53 =	vmul.f32 v57, v40  }
0x19c: {  	v51 =	vadd.f32 v51, v28;
	v57 =	vld.idx.msk [tilespmem:v15+s10+$0x50 ss:$0x1], $0xffff;
	[tilespmem:s10+$0xAB60] =	vst v56;
	v56 =	vmul.f32 v60, v14  }
0x19d: {  	v55 =	vmul.f32 v55, v36;
	[tilespmem:s10+$0xAA90] =	vst v59;
	v59 =	vld.idx.msk [tilespmem:v15+s10+$0x60 ss:$0x1], $0xffff;
	v53 =	vadd.f32 v53, v30  }
0x19e: {  	v52 =	vmul.f32 v52, v14;
	v60 =	vld.idx.msk [tilespmem:v13+s10+$0x10 ss:$0x1], $0xffff;
	v56 =	vadd.f32 v56, v29;
	[tilespmem:s1+$0xEB10] =	vst v51  }
0x19f: {  	v51 =	vmul.f32 v61, v8;
	v55 =	vadd.f32 v55, v42;
	[tilespmem:s1+$0xEB80] =	vst v53;
	v53 =	vld.idx.msk [tilespmem:v38+s1+$0x10 ss:$0x1], $0xffff  }
0x1a0: {  	v52 =	vadd.f32 v52, v44;
	v54 =	vmul.f32 v54, v10;
	[tilespmem:s10+$0xAB70] =	vst v56;
	v56 =	vld.idx.msk [tilespmem:v39+s1+$0x0 ss:$0x1], $0xffff  }
0x1a1: {  	v58 =	vmul.f32 v58, v14;
	v51 =	vadd.f32 v51, v50;
	v61 =	vld.idx.msk [tilespmem:v15+s10+$0x70 ss:$0x1], $0xffff;
	[tilespmem:s1+$0xEAA0] =	vst v55  }
0x1a2: {  	[tilespmem:s10+$0xAB30] =	vst v52;
	v52 =	vadd.f32 v54, v46;
	v54 =	vmul.f32 v57, v16;
	v55 =	vld.idx.msk [tilespmem:v35+s1+$0x20 ss:$0x1], $0xffff  }
0x1a3: {  	v57 =	vadd.f32 v58, v49;
	v58 =	vmul.f32 v59, v16;
	[tilespmem:s10+$0xA9A0] =	vst v51;
	v51 =	vld.idx.msk [tilespmem:v15+s10+$0x30 ss:$0x1], $0xffff  }
0x1a4: {  	v59 =	vmul.f32 v60, v14;
	v60 =	vld.idx.msk [tilespmem:v9+s10+$0x20 ss:$0x1], $0xffff;
	[tilespmem:s10+$0xAA40] =	vst v52;
	v52 =	vadd.f32 v54, v43  }
0x1a5: {  	v53 =	vmul.f32 v53, v40;
	[tilespmem:s10+$0xAB00] =	vst v57;
	v54 =	vld.idx.msk [tilespmem:v11+s10+$0x40 ss:$0x1], $0xffff;
	v57 =	vadd.f32 v58, v45  }
0x1a6: {  	v59 =	vadd.f32 v59, v48;
	v58 =	vld.idx.msk [tilespmem:v15+s10+$0x0 ss:$0x1], $0xffff;
	[tilespmem:s10+$0xABD0] =	vst v52;
	v52 =	vmul.f32 v56, v41  }
0x1a7: {  	v53 =	vadd.f32 v53, v28;
	v56 =	vld.idx.msk [tilespmem:v17+s10+$0x50 ss:$0x1], $0xffff;
	[tilespmem:s10+$0xABE0] =	vst v57;
	v57 =	vmul.f32 v61, v16  }
0x1a8: {  	v55 =	vmul.f32 v55, v37;
	[tilespmem:s10+$0xAB10] =	vst v59;
	v59 =	vld.idx.msk [tilespmem:v17+s10+$0x60 ss:$0x1], $0xffff;
	v52 =	vadd.f32 v52, v30;
	v30 =	vmov v49  }
0x1a9: {  	v51 =	vmul.f32 v51, v16;
	v49 =	vld.idx.msk [tilespmem:v15+s10+$0x10 ss:$0x1], $0xffff;
	v57 =	vadd.f32 v57, v29;
	[tilespmem:s1+$0xEB90] =	vst v53  }
0x1aa: {  	v53 =	vmul.f32 v60, v10;
	v55 =	vadd.f32 v55, v42;
	[tilespmem:s1+$0xEC00] =	vst v52;
	v52 =	vld.idx.msk [tilespmem:v39+s1+$0x10 ss:$0x1], $0xffff  }
0x1ab: {  	v51 =	vadd.f32 v51, v44;
	v54 =	vmul.f32 v54, v12;
	[tilespmem:s10+$0xABF0] =	vst v57;
	v57 =	vld.idx.msk [tilespmem:v35+s1+$0x40 ss:$0x1], $0xffff  }
0x1ac: {  	v53 =	vadd.f32 v53, v50;
	v60 =	vld.idx.msk [tilespmem:v17+s10+$0x70 ss:$0x1], $0xffff;
	[tilespmem:s1+$0xEB20] =	vst v55  }
0x1ad: {  	[tilespmem:s10+$0xABB0] =	vst v51;
	v51 =	vadd.f32 v54, v46;
	v54 =	vmul.f32 v56, v18;
	v55 =	vld.idx.msk [tilespmem:v38+s1+$0x20 ss:$0x1], $0xffff  }
0x1ae: {  	v56 =	vmul.f32 v59, v18;
	[tilespmem:s10+$0xAA20] =	vst v53;
	v53 =	vld.idx.msk [tilespmem:v17+s10+$0x30 ss:$0x1], $0xffff  }
0x1af: {  	v58 =	vmul.f32 v58, v16;
	v59 =	vld.idx.msk [tilespmem:v11+s10+$0x20 ss:$0x1], $0xffff;
	[tilespmem:s10+$0xAAC0] =	vst v51;
	v51 =	vadd.f32 v54, v43  }
0x1b0: {  	v49 =	vmul.f32 v49, v16;
	v56 =	vadd.f32 v56, v45;
	v54 =	vld.idx.msk [tilespmem:v13+s10+$0x40 ss:$0x1], $0xffff;
	[tilespmem:s1+$0xEA60] =	vst v47  }
0x1b1: {  	v47 =	vadd.f32 v58, v30;
	[tilespmem:s10+$0xAC50] =	vst v51;
	v51 =	vmul.f32 v52, v41;
	v52 =	vld.idx.msk [tilespmem:v33+s1+$0x60 ss:$0x1], $0xffff  }
0x1b2: {  	v49 =	vadd.f32 v49, v48;
	v58 =	vld.idx.msk [tilespmem:v19+s10+$0x50 ss:$0x1], $0xffff;
	[tilespmem:s10+$0xAC60] =	vst v56;
	v56 =	vmul.f32 v60, v18  }
0x1b3: {  	[tilespmem:s10+$0xAB80] =	vst v47;
	v60 =	vld.idx.msk [tilespmem:v19+s10+$0x60 ss:$0x1], $0xffff;
	v47 =	vadd.f32 v51, v28;
	v51 =	vmul.f32 v55, v40;
	v28 =	vmov v48  }
0x1b4: {  	v48 =	vld.idx.msk [tilespmem:v17+s10+$0x0 ss:$0x1], $0xffff;
	[tilespmem:s10+$0xAB90] =	vst v49;
	v49 =	vmul.f32 v53, v18;
	v53 =	vadd.f32 v56, v29  }
0x1b5: {  	v56 =	vmul.f32 v59, v12;
	v55 =	vld.idx.msk [tilespmem:v17+s10+$0x10 ss:$0x1], $0xffff;
	[tilespmem:s1+$0xEC10] =	vst v47;
	v51 =	vadd.f32 v51, v42  }
0x1b6: {  	v54 =	vmul.f32 v54, v14;
	v49 =	vadd.f32 v49, v44;
	[tilespmem:s10+$0xAC70] =	vst v53;
	v47 =	vld.idx.msk [tilespmem:v39+s1+$0x30 ss:$0x1], $0xffff  }
0x1b7: {  	v53 =	vadd.f32 v56, v50;
	v56 =	vld.idx.msk [tilespmem:v19+s10+$0x70 ss:$0x1], $0xffff;
	[tilespmem:s1+$0xEBA0] =	vst v51;
	v51 =	vmul.f32 v52, v36  }
0x1b8: {  	v52 =	vmul.f32 v58, v21;
	[tilespmem:s10+$0xAC30] =	vst v49;
	v49 =	vadd.f32 v54, v46;
	v54 =	vld.idx.msk [tilespmem:v39+s1+$0x20 ss:$0x1], $0xffff  }
0x1b9: {  	v58 =	vmul.f32 v60, v21;
	[tilespmem:s10+$0xAAA0] =	vst v53;
	v53 =	vld.idx.msk [tilespmem:v19+s10+$0x30 ss:$0x1], $0xffff;
	v51 =	vadd.f32 v51, v23  }
0x1ba: {  	v48 =	vmul.f32 v48, v18;
	v59 =	vld.idx.msk [tilespmem:v13+s10+$0x20 ss:$0x1], $0xffff;
	[tilespmem:s10+$0xAB40] =	vst v49;
	v49 =	vadd.f32 v52, v43  }
0x1bb: {  	v52 =	vmul.f32 v55, v18;
	v58 =	vadd.f32 v58, v45;
	v55 =	vld.idx.msk [tilespmem:v15+s10+$0x40 ss:$0x1], $0xffff;
	[tilespmem:s1+$0xEAE0] =	vst v51  }
0x1bc: {  	v48 =	vadd.f32 v48, v30;
	[tilespmem:s10+$0xE8D0] =	vst v49;
	v49 =	vmul.f32 v57, v37;
	v51 =	vld.idx.msk [tilespmem:v35+s1+$0x60 ss:$0x1], $0xffff  }
0x1bd: {  	v52 =	vadd.f32 v52, v28;
	v56 =	vmul.f32 v56, v21;
	v57 =	vld.idx.msk [tilespmem:v22+s10+$0x50 ss:$0x1], $0xffff;
	[tilespmem:s10+$0xE8E0] =	vst v58  }
0x1be: {  	v54 =	vmul.f32 v54, v41;
	[tilespmem:s10+$0xAC00] =	vst v48;
	v48 =	vld.idx.msk [tilespmem:v22+s10+$0x60 ss:$0x1], $0xffff;
	v49 =	vadd.f32 v49, v24  }
0x1bf: {  	v58 =	vld.idx.msk [tilespmem:v19+s10+$0x0 ss:$0x1], $0xffff;
	[tilespmem:s10+$0xAC10] =	vst v52;
	v52 =	vmul.f32 v53, v21;
	v53 =	vadd.f32 v56, v29  }
0x1c0: {  	v59 =	vmul.f32 v59, v14;
	v54 =	vadd.f32 v54, v42;
	v42 =	vmov v50;
	v56 =	vld.idx.msk [tilespmem:v19+s10+$0x10 ss:$0x1], $0xffff;
	[tilespmem:s1+$0xEB40] =	vst v49  }
0x1c1: {  	v50 =	vmul.f32 v55, v16;
	v49 =	vadd.f32 v52, v44;
	[tilespmem:s10+$0xE8F0] =	vst v53;
	v52 =	vld.idx.msk [tilespmem:v38+s1+$0x40 ss:$0x1], $0xffff  }
0x1c2: {  	v53 =	vadd.f32 v59, v42;
	v51 =	vmul.f32 v51, v37;
	v55 =	vld.idx.msk [tilespmem:v22+s10+$0x70 ss:$0x1], $0xffff;
	[tilespmem:s1+$0xEC20] =	vst v54  }
0x1c3: {  	[tilespmem:s10+$0xE8B0] =	vst v49;
	v49 =	vadd.f32 v50, v46;
	v50 =	vmul.f32 v57, v26;
	v54 =	vld.idx.msk [tilespmem:v38+s1+$0x50 ss:$0x1], $0xffff  }
0x1c4: {  	v48 =	vmul.f32 v48, v26;
	v51 =	vadd.f32 v51, v23;
	[tilespmem:s10+$0xAB20] =	vst v53;
	v53 =	vld.idx.msk [tilespmem:v22+s10+$0x30 ss:$0x1], $0xffff  }
0x1c5: {  	v57 =	vmul.f32 v58, v21;
	v58 =	vld.idx.msk [tilespmem:v15+s10+$0x20 ss:$0x1], $0xffff;
	[tilespmem:s10+$0xABC0] =	vst v49;
	v49 =	vadd.f32 v50, v43  }
0x1c6: {  	v50 =	vmul.f32 v56, v21;
	v48 =	vadd.f32 v48, v45;
	v56 =	vld.idx.msk [tilespmem:v17+s10+$0x40 ss:$0x1], $0xffff;
	[tilespmem:s1+$0xEB60] =	vst v51  }
0x1c7: {  	v51 =	vadd.f32 v57, v30;
	[tilespmem:s10+$0xE950] =	vst v49;
	v49 =	vmul.f32 v52, v40;
	v52 =	vld.idx.msk [tilespmem:v38+s1+$0x60 ss:$0x1], $0xffff  }
0x1c8: {  	v50 =	vadd.f32 v50, v28;
	v57 =	vld.idx.msk [tilespmem:v27+s10+$0x50 ss:$0x1], $0xffff;
	[tilespmem:s10+$0xE960] =	vst v48;
	v48 =	vmul.f32 v55, v26  }
0x1c9: {  	v54 =	vmul.f32 v54, v40;
	[tilespmem:s10+$0xE880] =	vst v51;
	v51 =	vld.idx.msk [tilespmem:v27+s10+$0x60 ss:$0x1], $0xffff;
	v49 =	vadd.f32 v49, v24  }
0x1ca: {  	v55 =	vld.idx.msk [tilespmem:v22+s10+$0x0 ss:$0x1], $0xffff;
	[tilespmem:s10+$0xE890] =	vst v50;
	v50 =	vmul.f32 v53, v26;
	v48 =	vadd.f32 v48, v29  }
0x1cb: {  	v58 =	vmul.f32 v58, v16;
	v53 =	vld.idx.msk [tilespmem:v22+s10+$0x10 ss:$0x1], $0xffff;
	[tilespmem:s1+$0xEBC0] =	vst v49;
	v49 =	vadd.f32 v54, v20  }
0x1cc: {  	v54 =	vmul.f32 v56, v18;
	v50 =	vadd.f32 v50, v44;
	[tilespmem:s10+$0xE970] =	vst v48;
	v48 =	vld.idx.msk [tilespmem:v39+s1+$0x40 ss:$0x1], $0xffff  }
0x1cd: {  	v56 =	vadd.f32 v58, v42;
	v58 =	vld.idx.msk [tilespmem:v27+s10+$0x70 ss:$0x1], $0xffff;
	[tilespmem:s1+$0xEBD0] =	vst v49;
	v49 =	vmul.f32 v52, v40  }
0x1ce: {  	v52 =	vmul.f32 v57, v31;
	[tilespmem:s10+$0xE930] =	vst v50;
	v50 =	vadd.f32 v54, v46;
	v54 =	vld.idx.msk [tilespmem:v39+s1+$0x50 ss:$0x1], $0xffff  }
0x1cf: {  	v51 =	vmul.f32 v51, v31;
	[tilespmem:s10+$0xABA0] =	vst v56;
	v56 =	vld.idx.msk [tilespmem:v27+s10+$0x30 ss:$0x1], $0xffff;
	v49 =	vadd.f32 v49, v23  }
0x1d0: {  	v55 =	vmul.f32 v55, v26;
	v57 =	vld.idx.msk [tilespmem:v17+s10+$0x20 ss:$0x1], $0xffff;
	[tilespmem:s10+$0xAC40] =	vst v50;
	v50 =	vadd.f32 v52, v43  }
0x1d1: {  	v52 =	vmul.f32 v53, v26;
	v51 =	vadd.f32 v51, v45;
	v53 =	vld.idx.msk [tilespmem:v19+s10+$0x40 ss:$0x1], $0xffff;
	[tilespmem:s1+$0xEBE0] =	vst v49  }
0x1d2: {  	v49 =	vadd.f32 v55, v30;
	v48 =	vmul.f32 v48, v41;
	[tilespmem:s10+$0xE9D0] =	vst v50;
	v50 =	vld.idx.msk [tilespmem:v39+s1+$0x60 ss:$0x1], $0xffff  }
0x1d3: {  	v52 =	vadd.f32 v52, v28;
	v55 =	vld.idx.msk [tilespmem:v32+s10+$0x50 ss:$0x1], $0xffff;
	[tilespmem:s10+$0xE9E0] =	vst v51;
	v51 =	vmul.f32 v58, v31  }
0x1d4: {  	v48 =	vadd.f32 v48, v24;
	v54 =	vmul.f32 v54, v41;
	v24 =	vmov v46;
	[tilespmem:s10+$0xE900] =	vst v49;
	v49 =	vld.idx.msk [tilespmem:v32+s10+$0x60 ss:$0x1], $0xffff  }
0x1d5: {  	v46 =	vmul.f32 v56, v31;
	v58 =	vld.idx.msk [tilespmem:v27+s10+$0x0 ss:$0x1], $0xffff;
	[tilespmem:s10+$0xE910] =	vst v52;
	v51 =	vadd.f32 v51, v29  }
0x1d6: {  	v56 =	vmul.f32 v57, v18;
	v54 =	vadd.f32 v54, v20;
	v20 =	vmov v43;
	v52 =	vld.idx.msk [tilespmem:v27+s10+$0x10 ss:$0x1], $0xffff;
	[tilespmem:s1+$0xEC40] =	vst v48  }
0x1d7: {  	v47 =	vmul.f32 v47, v41;
	v43 =	vadd.f32 v46, v44;
	v46 =	vmul.f32 v53, v21;
	[tilespmem:s10+$0xE9F0] =	vst v51  }
0x1d8: {  	v51 =	vadd.f32 v56, v42;
	v50 =	vmul.f32 v50, v41;
	v48 =	vld.idx.msk [tilespmem:v32+s10+$0x70 ss:$0x1], $0xffff;
	[tilespmem:s1+$0xEC50] =	vst v54  }
.Ltmp0:
0x1d9: {  	v53 =	vadd.f32 v46, v24;
	v54 =	vmul.f32 v55, v34;
	[tilespmem:s10+$0xE9B0] =	vst v43;
	v43 =	vadd.f32 v47, v25;
	(pc) =	sbr.rel @p1 .LBB2_3-.Ltmp0, $4  }
0x1da: {  	v47 =	vmul.f32 v49, v34;
	v49 =	vadd.f32 v50, v23;
	v23 =	vmov v45;
	[tilespmem:s10+$0xAC20] =	vst v51;
	v46 =	vld.idx.msk [tilespmem:v32+s10+$0x30 ss:$0x1], $0xffff  }
0x1db: {  	v25 =	vmov v44;
	v51 =	vmul.f32 v58, v31;
	v45 =	vld.idx.msk [tilespmem:v19+s10+$0x20 ss:$0x1], $0xffff;
	[tilespmem:s10+$0xE8C0] =	vst v53;
	v53 =	vadd.f32 v54, v20  }
0x1dc: {  	v50 =	vmul.f32 v52, v31;
	v47 =	vadd.f32 v47, v23;
	v44 =	vld.idx.msk [tilespmem:v22+s10+$0x40 ss:$0x1], $0xffff;
	[tilespmem:s1+$0xEC60] =	vst v49  }
0x1dd: {  	v49 =	vadd.f32 v51, v30;
	[tilespmem:s10+$0xEA50] =	vst v53  }
0x1de: {  	_ =	sdelay $0x1  }
0x1df: {  	v3 =	vmul.f32 v45, v21;
	_ =	sdelay $0x1  }
0x1e0: {  	v3 =	vadd.f32 v3, v42;
	_ =	sdelay $0x1  }
0x1e1: {  	[tilespmem:s10+$0xE8A0] =	vst v3  }
0x1e2: {  	v3 =	vld.idx.msk [tilespmem:v22+s10+$0x20 ss:$0x1], $0xffff;
	_ =	sdelay $0x4  }
0x1e3: {  	v3 =	vmul.f32 v3, v26  }
0x1e4: {  	v4 =	vmul.f32 v44, v26  }
0x1e5: {  	v3 =	vadd.f32 v3, v42  }
0x1e6: {  	v4 =	vadd.f32 v4, v24  }
0x1e7: {  	[tilespmem:s10+$0xE920] =	vst v3  }
0x1e8: {  	[tilespmem:s10+$0xE940] =	vst v4;
	v3 =	vld.idx.msk [tilespmem:v27+s10+$0x20 ss:$0x1], $0xffff  }
0x1e9: {  	v4 =	vld.idx.msk [tilespmem:v27+s10+$0x40 ss:$0x1], $0xffff;
	_ =	sdelay $0x3  }
0x1ea: {  	v3 =	vmul.f32 v3, v31  }
0x1eb: {  	v5 =	vadd.f32 v50, v28;
	v4 =	vmul.f32 v4, v31  }
0x1ec: {  	[tilespmem:s10+$0xE980] =	vst v49;
	v3 =	vadd.f32 v3, v42  }
0x1ed: {  	v6 =	vld.idx.msk [tilespmem:v32+s10+$0x0 ss:$0x1], $0xffff;
	[tilespmem:s10+$0xE990] =	vst v5;
	v4 =	vadd.f32 v4, v24  }
0x1ee: {  	v5 =	vld.idx.msk [tilespmem:v32+s10+$0x10 ss:$0x1], $0xffff;
	[tilespmem:s10+$0xE9A0] =	vst v3  }
0x1ef: {  	[tilespmem:s10+$0xE9C0] =	vst v4;
	v3 =	vld.idx.msk [tilespmem:v32+s10+$0x20 ss:$0x1], $0xffff  }
0x1f0: {  	v4 =	vld.idx.msk [tilespmem:v32+s10+$0x40 ss:$0x1], $0xffff  }
0x1f1: {  	v7 =	vmul.f32 v48, v34  }
0x1f2: {  	v6 =	vmul.f32 v6, v34  }
0x1f3: {  	v7 =	vadd.f32 v7, v29;
	v5 =	vmul.f32 v5, v34  }
0x1f4: {  	v6 =	vadd.f32 v6, v30;
	v3 =	vmul.f32 v3, v34  }
0x1f5: {  	[tilespmem:s10+$0xEA70] =	vst v7;
	v5 =	vadd.f32 v5, v28;
	v4 =	vmul.f32 v4, v34  }
0x1f6: {  	v7 =	vld.idx.msk [tilespmem:v33+s10+$0x70 ss:$0x1], $0xffff;
	[tilespmem:s10+$0xEA00] =	vst v6;
	v3 =	vadd.f32 v3, v42  }
0x1f7: {  	v6 =	vld.idx.msk [tilespmem:v33+s10+$0x0 ss:$0x1], $0xffff;
	[tilespmem:s10+$0xEA10] =	vst v5;
	v4 =	vadd.f32 v4, v24  }
0x1f8: {  	v5 =	vmul.f32 v46, v34;
	v8 =	vld.idx.msk [tilespmem:v33+s10+$0x10 ss:$0x1], $0xffff;
	[tilespmem:s10+$0xEA20] =	vst v3  }
0x1f9: {  	[tilespmem:s10+$0xEA40] =	vst v4;
	v3 =	vld.idx.msk [tilespmem:v33+s10+$0x20 ss:$0x1], $0xffff  }
0x1fa: {  	v4 =	vadd.f32 v5, v25;
	v5 =	vld.idx.msk [tilespmem:v33+s10+$0x40 ss:$0x1], $0xffff  }
0x1fb: {  	v9 =	vld.idx.msk [tilespmem:v33+s10+$0x50 ss:$0x1], $0xffff;
	[tilespmem:s10+$0xEA60] =	vst v47;
	v7 =	vmul.f32 v7, v36  }
0x1fc: {  	[tilespmem:s10+$0xEA30] =	vst v4;
	v4 =	vmul.f32 v6, v36;
	v6 =	vld.idx.msk [tilespmem:v33+s10+$0x60 ss:$0x1], $0xffff  }
0x1fd: {  	v7 =	vadd.f32 v7, v29;
	v8 =	vmul.f32 v8, v36;
	v10 =	vld.idx.msk [tilespmem:v33+s10+$0x30 ss:$0x1], $0xffff  }
0x1fe: {  	v4 =	vadd.f32 v4, v30;
	v3 =	vmul.f32 v3, v36  }
0x1ff: {  	[tilespmem:s10+$0xEAF0] =	vst v7;
	v7 =	vadd.f32 v8, v28;
	v5 =	vmul.f32 v5, v36  }
0x200: {  	v8 =	vmul.f32 v9, v36;
	v9 =	vld.idx.msk [tilespmem:v35+s10+$0x70 ss:$0x1], $0xffff;
	[tilespmem:s10+$0xEA80] =	vst v4;
	v3 =	vadd.f32 v3, v42  }
0x201: {  	[tilespmem:s10+$0xEA90] =	vst v7;
	v4 =	vld.idx.msk [tilespmem:v35+s10+$0x0 ss:$0x1], $0xffff;
	v6 =	vmul.f32 v6, v36;
	v5 =	vadd.f32 v5, v24  }
0x202: {  	v7 =	vadd.f32 v8, v20;
	v8 =	vmul.f32 v10, v36;
	v10 =	vld.idx.msk [tilespmem:v35+s10+$0x10 ss:$0x1], $0xffff;
	[tilespmem:s10+$0xEAA0] =	vst v3  }
0x203: {  	[tilespmem:s10+$0xEAC0] =	vst v5;
	v5 =	vadd.f32 v6, v23;
	v3 =	vld.idx.msk [tilespmem:v35+s10+$0x20 ss:$0x1], $0xffff  }
0x204: {  	[tilespmem:s10+$0xEAD0] =	vst v7;
	v6 =	vadd.f32 v8, v25;
	v7 =	vld.idx.msk [tilespmem:v35+s10+$0x40 ss:$0x1], $0xffff  }
0x205: {  	v9 =	vmul.f32 v9, v37;
	v8 =	vld.idx.msk [tilespmem:v35+s10+$0x50 ss:$0x1], $0xffff;
	[tilespmem:s10+$0xEAE0] =	vst v5  }
0x206: {  	[tilespmem:s10+$0xEAB0] =	vst v6;
	v4 =	vmul.f32 v4, v37;
	v5 =	vld.idx.msk [tilespmem:v35+s10+$0x60 ss:$0x1], $0xffff  }
0x207: {  	v9 =	vadd.f32 v9, v29;
	v6 =	vld.idx.msk [tilespmem:v35+s10+$0x30 ss:$0x1], $0xffff;
	v10 =	vmul.f32 v10, v37  }
0x208: {  	v4 =	vadd.f32 v4, v30;
	v3 =	vmul.f32 v3, v37  }
0x209: {  	[tilespmem:s10+$0xEB70] =	vst v9;
	v9 =	vadd.f32 v10, v28;
	v7 =	vmul.f32 v7, v37  }
0x20a: {  	v8 =	vmul.f32 v8, v37;
	v10 =	vld.idx.msk [tilespmem:v38+s10+$0x70 ss:$0x1], $0xffff;
	[tilespmem:s10+$0xEB00] =	vst v4;
	v3 =	vadd.f32 v3, v42  }
0x20b: {  	v4 =	vld.idx.msk [tilespmem:v38+s10+$0x0 ss:$0x1], $0xffff;
	[tilespmem:s10+$0xEB10] =	vst v9;
	v7 =	vadd.f32 v7, v24;
	v5 =	vmul.f32 v5, v37  }
0x20c: {  	v8 =	vadd.f32 v8, v20;
	v6 =	vmul.f32 v6, v37;
	v9 =	vld.idx.msk [tilespmem:v38+s10+$0x10 ss:$0x1], $0xffff;
	[tilespmem:s10+$0xEB20] =	vst v3  }
0x20d: {  	[tilespmem:s10+$0xEB40] =	vst v7;
	v5 =	vadd.f32 v5, v23;
	v3 =	vld.idx.msk [tilespmem:v38+s10+$0x20 ss:$0x1], $0xffff  }
0x20e: {  	[tilespmem:s10+$0xEB50] =	vst v8;
	v6 =	vadd.f32 v6, v25;
	v7 =	vld.idx.msk [tilespmem:v38+s10+$0x40 ss:$0x1], $0xffff  }
0x20f: {  	v8 =	vmul.f32 v10, v40;
	v10 =	vld.idx.msk [tilespmem:v38+s10+$0x50 ss:$0x1], $0xffff;
	[tilespmem:s10+$0xEB60] =	vst v5  }
0x210: {  	[tilespmem:s10+$0xEB30] =	vst v6;
	v4 =	vmul.f32 v4, v40;
	v5 =	vld.idx.msk [tilespmem:v38+s10+$0x60 ss:$0x1], $0xffff  }
0x211: {  	v8 =	vadd.f32 v8, v29;
	v6 =	vld.idx.msk [tilespmem:v38+s10+$0x30 ss:$0x1], $0xffff;
	v9 =	vmul.f32 v9, v40  }
0x212: {  	v4 =	vadd.f32 v4, v30;
	v3 =	vmul.f32 v3, v40  }
0x213: {  	[tilespmem:s10+$0xEBF0] =	vst v8;
	v8 =	vadd.f32 v9, v28;
	v7 =	vmul.f32 v7, v40  }
0x214: {  	v9 =	vld.idx.msk [tilespmem:v39+s10+$0x70 ss:$0x1], $0xffff;
	[tilespmem:s10+$0xEB80] =	vst v4;
	v4 =	vmul.f32 v10, v40;
	v3 =	vadd.f32 v3, v42  }
0x215: {  	v10 =	vld.idx.msk [tilespmem:v39+s10+$0x0 ss:$0x1], $0xffff;
	[tilespmem:s10+$0xEB90] =	vst v8;
	v7 =	vadd.f32 v7, v24;
	v5 =	vmul.f32 v5, v40  }
0x216: {  	v6 =	vmul.f32 v6, v40;
	v8 =	vld.idx.msk [tilespmem:v39+s10+$0x10 ss:$0x1], $0xffff;
	[tilespmem:s10+$0xEBA0] =	vst v3;
	v3 =	vadd.f32 v4, v20  }
0x217: {  	[tilespmem:s10+$0xEBC0] =	vst v7;
	v5 =	vadd.f32 v5, v23;
	v4 =	vld.idx.msk [tilespmem:v39+s10+$0x20 ss:$0x1], $0xffff  }
0x218: {  	v6 =	vadd.f32 v6, v25;
	v7 =	vld.idx.msk [tilespmem:v39+s10+$0x40 ss:$0x1], $0xffff;
	[tilespmem:s10+$0xEBD0] =	vst v3  }
0x219: {  	[tilespmem:s10+$0xEBE0] =	vst v5;
	v3 =	vmul.f32 v9, v41;
	v9 =	vld.idx.msk [tilespmem:v39+s10+$0x50 ss:$0x1], $0xffff  }
0x21a: {  	[tilespmem:s10+$0xEBB0] =	vst v6;
	v5 =	vmul.f32 v10, v41;
	v6 =	vld.idx.msk [tilespmem:v39+s10+$0x60 ss:$0x1], $0xffff  }
0x21b: {  	v8 =	vmul.f32 v8, v41;
	v10 =	vld.idx.msk [tilespmem:v39+s10+$0x30 ss:$0x1], $0xffff;
	v3 =	vadd.f32 v3, v29  }
0x21c: {  	[tilespmem:s1+$0xEC30] =	vst v43;
	v5 =	vadd.f32 v5, v30;
	v4 =	vmul.f32 v4, v41  }
0x21d: {  	v7 =	vmul.f32 v7, v41;
	[tilespmem:s10+$0xEC70] =	vst v3;
	v3 =	vadd.f32 v8, v28  }
0x21e: {  	[tilespmem:s10+$0xEC00] =	vst v5;
	v4 =	vadd.f32 v4, v42;
	v5 =	vmul.f32 v9, v41  }
0x21f: {  	v6 =	vmul.f32 v6, v41;
	[tilespmem:s10+$0xEC10] =	vst v3;
	v3 =	vadd.f32 v7, v24  }
0x220: {  	s11 =	sadd.s32 s5, s22;
	[tilespmem:s10+$0xEC20] =	vst v4;
	v4 =	vadd.f32 v5, v20;
	v5 =	vmul.f32 v10, v41  }
0x221: {  	s1 =	sshll.u32 s11, $0xB;
	[tilespmem:s10+$0xEC40] =	vst v3;
	v3 =	vadd.f32 v6, v23  }
0x222: {  	s1 =	sadd.s32 s8, s1;
	[tilespmem:s10+$0xEC50] =	vst v4;
	v4 =	vadd.f32 v5, v25  }
0x223: {  	s1 =	sshrl.u32 s1, $0x3;
	[tilespmem:s10+$0xEC60] =	vst v3  }
0x224: {  	s1 =	sadd.s32 s2, s1;
	[tilespmem:s10+$0xEC30] =	vst v4  }
0x225: {  	[hbm4b:s1+s3] =	stream.linear.scatter [tilespmem:s17], [sflag:$0x1], $0x8000, $0x38;
	[tilespmem:$0x1A880] =	vst v63  }
0x226: {  	s1 =	simm.s32 @!p0 $0x2  }
0x227: {  	s22 =	sor.u32 $0x10, s22;
	_ =	swait.ge @!p0 [sflag:s1], $0x8000  }
0x228: {  	s10 =	sand.u32 $0x70, s22;
	[sflag:s1] =	ssyncset.done @!p0 $0x0  }
0x229: {  	s12 =	sadd.s32 s10, s23;
	[sflag:s1] =	ssyncadd.s32 @!p0 $0xFFFF8000  }
0x22a: {  	v3 =	vld [tilespmem:s12+$0x0]  }
0x22b: {  	v4 =	vld [tilespmem:s12+$0x80];
	_ =	sdelay $0x1  }
0x22c: {  	v5 =	vld [tilespmem:s12+$0x100];
	_ =	sdelay $0x1  }
0x22d: {  	v6 =	vld [tilespmem:s12+$0x180]  }
0x22e: {  	vm0 =	vgt.f32 v4, v3  }
0x22f: {  	v3 =	vsel vm0, v4, v3;
	v4 =	vld [tilespmem:s12+$0x200]  }
0x230: {  	vm1 =	vgt.f32 v5, v3  }
0x231: {  	s13 =	sor.u32 s10, s21;
	v3 =	vsel vm1, v5, v3;
	v5 =	vld [tilespmem:s12+$0x280]  }
0x232: {  	s1 =	sor.u32 $0x300, s13;
	vm2 =	vgt.f32 v6, v3  }
0x233: {  	s23 =	sor.u32 s22, s21;
	v3 =	vsel vm2, v6, v3;
	v6 =	vld [tilespmem:s1+$0x0]  }
0x234: {  	s1 =	sor.u32 $0x380, s23;
	vm3 =	vgt.f32 v4, v3  }
0x235: {  	v3 =	vsel vm3, v4, v3;
	v4 =	vld [tilespmem:s1+$0x0]  }
0x236: {  	s24 =	sadd.s32 s10, s24;
	vm4 =	vgt.f32 v5, v3  }
0x237: {  	v3 =	vsel vm4, v5, v3;
	v5 =	vld [tilespmem:s24+$0x0]  }
0x238: {  	s25 =	sadd.s32 s10, s25;
	vm5 =	vgt.f32 v6, v3  }
0x239: {  	v3 =	vsel vm5, v6, v3;
	v6 =	vld [tilespmem:s25+$0x0]  }
0x23a: {  	s26 =	sadd.s32 s10, s26;
	vm6 =	vgt.f32 v4, v3  }
0x23b: {  	v3 =	vsel vm6, v4, v3;
	v4 =	vld [tilespmem:s26+$0x0]  }
0x23c: {  	s28 =	sadd.s32 s10, s28;
	vm7 =	vgt.f32 v5, v3  }
0x23d: {  	v3 =	vsel vm7, v5, v3;
	v5 =	vld [tilespmem:s28+$0x0]  }
0x23e: {  	s11 =	sadd.s32 s10, s29;
	vm8 =	vgt.f32 v6, v3  }
0x23f: {  	v7 =	vsel vm0, $0x1, v0;
	v3 =	vsel vm8, v6, v3;
	v6 =	vld [tilespmem:s11+$0x0]  }
0x240: {  	v7 =	vsel vm1, $0x2, v7;
	s12 =	sadd.s32 s10, s30;
	vm10 =	vgt.f32 v4, v3  }
0x241: {  	v7 =	vsel vm2, $0x3, v7;
	v3 =	vsel vm10, v4, v3;
	v4 =	vld [tilespmem:s12+$0x0]  }
0x242: {  	s13 =	sadd.s32 s10, s31;
	v7 =	vsel vm3, $0x4, v7;
	vm11 =	vgt.f32 v5, v3  }
0x243: {  	v7 =	vsel vm4, $0x5, v7;
	v3 =	vsel vm11, v5, v3;
	v5 =	vld [tilespmem:s13+$0x0]  }
0x244: {  	s0 =	sadd.s32 s10, s0;
	v7 =	vsel vm5, $0x6, v7;
	vm12 =	vgt.f32 v6, v3  }
0x245: {  	v7 =	vsel vm6, $0x7, v7;
	v3 =	vsel vm12, v6, v3;
	v6 =	vld [tilespmem:s0+$0x0]  }
0x246: {  	v7 =	vsel vm7, $0x8, v7;
	vm13 =	vgt.f32 v4, v3  }
0x247: {  	v7 =	vsel vm8, $0x9, v7;
	v3 =	vsel vm13, v4, v3  }
0x248: {  	v4 =	vsel vm10, $0xA, v7;
	vm14 =	vgt.f32 v5, v3  }
0x249: {  	v4 =	vsel vm11, $0xB, v4;
	v3 =	vsel vm14, v5, v3  }
0x24a: {  	v4 =	vsel vm12, $0xC, v4;
	vm15 =	vgt.f32 v6, v3  }
0x24b: {  	v4 =	vsel vm13, $0xD, v4;
	v3 =	vsel vm15, v6, v3  }
0x24c: {  	v4 =	vsel vm14, $0xE, v4;
	v3 =	vmul.f32 v3, v1  }
0x24d: {  	v38 =	vsel vm15, $0xF, v4  }
0x24e: {  	(v2sf) =	vpush v38, $0x0;
	v3 =	vadd.f32 v3, v2;
	_ =	sdelay $0x1  }
0x24f: {  	v3 =	vsub.f32 $0.0e+00, v3;
	_ =	sdelay $0x1  }
0x250: {  	v3 =	vmul.f32 $1.442695020e+00, v3;
	_ =	sdelay $0x1  }
0x251: {  	(erf) = vpow2.f32 v3;
	_ =	sdelay $0x3  }
0x252: {  	(v2sf) =	vpush v38, $0x1;
	_ =	sdelay $0x4  }
0x253: {  	s21 =	spop (v2sf);
	v3 =	vpop (erf)  }
0x254: {  	s23 =	sshll.u32 s21, $0xB;
	s0 =	sshll.u32 s21, $0x7;
	v3 =	vadd.f32 $1.000000000e+00, v3  }
0x255: {  	s1 =	sand.u32 $0xFFFFC000, s23;
	s0 =	sand.u32 $0x380, s0  }
0x256: {  	s0 =	sor.u32 s0, s1;
	(erf) = vrcp.f32 v3  }
0x257: {  	s0 =	sor.u32 $0x2000, s0  }
0x258: {  	(v2sf) =	vpush v38, $0x2;
	v3 =	vmov s0;
	_ =	sdelay $0x3  }
0x259: {  	s0 =	simm.s32 $0x0  }
0x25a: {  	s24 =	spop (v2sf);
	v6 =	vld.idx.msk [tilespmem:v3+s0+$0x50 ss:$0x1], $0xffff  }
0x25b: {  	s26 =	simm.s32 $0x0;
	s25 =	sshll.u32 s24, $0xB;
	s11 =	sshll.u32 s24, $0x7  }
0x25c: {  	v45 =	vld [tilespmem:s26+$0xA050];
	s10 =	sand.u32 $0xFFFFC000, s25;
	s11 =	sand.u32 $0x380, s11;
	v41 =	vpop (erf)  }
0x25d: {  	s10 =	sor.u32 s11, s10;
	v7 =	vld.idx.msk [tilespmem:v3+s0+$0x60 ss:$0x1], $0xffff;
	v4 =	vbroadcast v41, $0x0  }
0x25e: {  	v44 =	vld [tilespmem:s26+$0xA060];
	s10 =	sor.u32 $0x2000, s10  }
0x25f: {  	(v2sf) =	vpush v38, $0x3;
	v5 =	vmov s10;
	v8 =	vld.idx.msk [tilespmem:v3+s0+$0x70 ss:$0x1], $0xffff;
	v6 =	vmul.f32 v6, v4  }
0x260: {  	v9 =	vld.idx.msk [tilespmem:v3+s0+$0x30 ss:$0x1], $0xffff  }
0x261: {  	v50 =	vld [tilespmem:s26+$0xA070];
	v6 =	vadd.f32 v6, v45  }
0x262: {  	v43 =	vld [tilespmem:s26+$0xA030];
	v7 =	vmul.f32 v7, v4  }
0x263: {  	v47 =	vld [tilespmem:s26+$0xA010];
	[tilespmem:s0+$0x128D0] =	vst v6  }
0x264: {  	s28 =	spop (v2sf);
	v8 =	vmul.f32 v8, v4;
	v7 =	vadd.f32 v7, v44;
	v10 =	vld.idx.msk [tilespmem:v5+s0+$0x50 ss:$0x1], $0xffff  }
0x265: {  	v11 =	vld.idx.msk [tilespmem:v3+s0+$0x0 ss:$0x1], $0xffff;
	s29 =	sshll.u32 s28, $0xB;
	s10 =	sshll.u32 s28, $0x7;
	v9 =	vmul.f32 v9, v4  }
0x266: {  	v49 =	vld [tilespmem:s26+$0xA000];
	s11 =	sand.u32 $0xFFFFC000, s29;
	s10 =	sand.u32 $0x380, s10;
	v8 =	vadd.f32 v8, v50;
	[tilespmem:s0+$0x128E0] =	vst v7  }
0x267: {  	s10 =	sor.u32 s10, s11;
	v9 =	vadd.f32 v9, v43;
	v6 =	vbroadcast v41, $0x1;
	v12 =	vld.idx.msk [tilespmem:v5+s0+$0x60 ss:$0x1], $0xffff  }
0x268: {  	v13 =	vld.idx.msk [tilespmem:v3+s0+$0x10 ss:$0x1], $0xffff;
	s10 =	sor.u32 $0x2000, s10;
	[tilespmem:s0+$0x128F0] =	vst v8  }
0x269: {  	(v2sf) =	vpush v38, $0x4;
	v7 =	vmov s10;
	[tilespmem:s0+$0x128B0] =	vst v9;
	v9 =	vld.idx.msk [tilespmem:v5+s0+$0x70 ss:$0x1], $0xffff;
	v8 =	vmul.f32 v10, v6  }
0x26a: {  	v11 =	vmul.f32 v11, v4;
	v10 =	vld.idx.msk [tilespmem:v5+s0+$0x30 ss:$0x1], $0xffff  }
0x26b: {  	v8 =	vadd.f32 v8, v45  }
0x26c: {  	v11 =	vadd.f32 v11, v49;
	v12 =	vmul.f32 v12, v6  }
0x26d: {  	v46 =	vld [tilespmem:s26+$0xA040];
	[tilespmem:s0+$0x12950] =	vst v8;
	v8 =	vmul.f32 v13, v4  }
0x26e: {  	s30 =	spop (v2sf);
	[tilespmem:s0+$0x12880] =	vst v11;
	v9 =	vmul.f32 v9, v6;
	v11 =	vadd.f32 v12, v44;
	v13 =	vld.idx.msk [tilespmem:v7+s0+$0x50 ss:$0x1], $0xffff  }
0x26f: {  	s31 =	sshll.u32 s30, $0xB;
	s10 =	sshll.u32 s30, $0x7;
	v12 =	vld.idx.msk [tilespmem:v5+s0+$0x0 ss:$0x1], $0xffff;
	v10 =	vmul.f32 v10, v6;
	v15 =	vadd.f32 v8, v47  }
0x270: {  	v14 =	vld.idx.msk [tilespmem:v3+s0+$0x40 ss:$0x1], $0xffff;
	s11 =	sand.u32 $0xFFFFC000, s31;
	s10 =	sand.u32 $0x380, s10;
	[tilespmem:s0+$0x12960] =	vst v11;
	v11 =	vadd.f32 v9, v50  }
0x271: {  	s10 =	sor.u32 s10, s11;
	v8 =	vbroadcast v41, $0x2;
	v10 =	vadd.f32 v10, v43;
	[tilespmem:s0+$0x12890] =	vst v15;
	v15 =	vld.idx.msk [tilespmem:v7+s0+$0x60 ss:$0x1], $0xffff  }
0x272: {  	s10 =	sor.u32 $0x2000, s10;
	[tilespmem:s0+$0x12970] =	vst v11;
	v16 =	vld.idx.msk [tilespmem:v5+s0+$0x10 ss:$0x1], $0xffff  }
0x273: {  	(v2sf) =	vpush v38, $0x5;
	v9 =	vmov s10;
	[tilespmem:s0+$0x12930] =	vst v10;
	v10 =	vld.idx.msk [tilespmem:v7+s0+$0x70 ss:$0x1], $0xffff;
	v11 =	vmul.f32 v13, v8  }
0x274: {  	v12 =	vmul.f32 v12, v6;
	v13 =	vld.idx.msk [tilespmem:v7+s0+$0x30 ss:$0x1], $0xffff  }
0x275: {  	v14 =	vmul.f32 v14, v4;
	v11 =	vadd.f32 v11, v45  }
0x276: {  	v12 =	vadd.f32 v12, v49;
	v15 =	vmul.f32 v15, v8  }
0x277: {  	[tilespmem:s0+$0x129D0] =	vst v11;
	v11 =	vadd.f32 v14, v46;
	v14 =	vmul.f32 v16, v6  }
0x278: {  	s11 =	spop (v2sf);
	[tilespmem:s0+$0x12900] =	vst v12;
	v16 =	vld.idx.msk [tilespmem:v9+s0+$0x50 ss:$0x1], $0xffff;
	v12 =	vadd.f32 v15, v44;
	v15 =	vmul.f32 v10, v8  }
0x279: {  	s12 =	sshll.u32 s11, $0xB;
	s10 =	sshll.u32 s11, $0x7;
	[tilespmem:s0+$0x128C0] =	vst v11;
	v11 =	vmul.f32 v13, v8;
	v13 =	vld.idx.msk [tilespmem:v7+s0+$0x0 ss:$0x1], $0xffff;
	v14 =	vadd.f32 v14, v47  }
0x27a: {  	s11 =	sand.u32 $0xFFFFC000, s12;
	s10 =	sand.u32 $0x380, s10;
	[tilespmem:s0+$0x129E0] =	vst v12  }
0x27b: {  	s10 =	sor.u32 s10, s11;
	v10 =	vbroadcast v41, $0x3;
	v12 =	vadd.f32 v15, v50;
	[tilespmem:s0+$0x12910] =	vst v14;
	v14 =	vld.idx.msk [tilespmem:v9+s0+$0x60 ss:$0x1], $0xffff  }
0x27c: {  	s10 =	sor.u32 $0x2000, s10;
	v15 =	vadd.f32 v11, v43;
	v18 =	vld.idx.msk [tilespmem:v7+s0+$0x10 ss:$0x1], $0xffff  }
0x27d: {  	v48 =	vld [tilespmem:s26+$0xA020];
	(v2sf) =	vpush v38, $0x6;
	v11 =	vmov s10;
	[tilespmem:s0+$0x129F0] =	vst v12;
	v12 =	vmul.f32 v16, v10  }
0x27e: {  	[tilespmem:s0+$0x129B0] =	vst v15;
	v15 =	vld.idx.msk [tilespmem:v9+s0+$0x70 ss:$0x1], $0xffff;
	v13 =	vmul.f32 v13, v8  }
0x27f: {  	v16 =	vld.idx.msk [tilespmem:v9+s0+$0x30 ss:$0x1], $0xffff;
	v12 =	vadd.f32 v12, v45  }
0x280: {  	v19 =	vld.idx.msk [tilespmem:v3+s0+$0x20 ss:$0x1], $0xffff;
	v13 =	vadd.f32 v13, v49;
	v14 =	vmul.f32 v14, v10  }
0x281: {  	v17 =	vld.idx.msk [tilespmem:v5+s0+$0x40 ss:$0x1], $0xffff;
	[tilespmem:s0+$0x12A50] =	vst v12;
	v12 =	vmul.f32 v18, v8  }
0x282: {  	s13 =	spop (v2sf);
	v18 =	vld.idx.msk [tilespmem:v11+s0+$0x50 ss:$0x1], $0xffff;
	[tilespmem:s0+$0x12980] =	vst v13;
	v13 =	vadd.f32 v14, v44  }
0x283: {  	s21 =	sshll.u32 s13, $0xB;
	s1 =	sshll.u32 s13, $0x7;
	v14 =	vmul.f32 v15, v10;
	v15 =	vld.idx.msk [tilespmem:v9+s0+$0x0 ss:$0x1], $0xffff;
	v20 =	vadd.f32 v12, v47  }
0x284: {  	s1 =	sand.u32 $0x380, s1;
	s10 =	sand.u32 $0xFFFFC000, s21;
	v16 =	vmul.f32 v16, v10;
	[tilespmem:s0+$0x12A60] =	vst v13  }
0x285: {  	v19 =	vmul.f32 v19, v4;
	s1 =	sor.u32 s1, s10;
	v12 =	vbroadcast v41, $0x4;
	v14 =	vadd.f32 v14, v50;
	[tilespmem:s0+$0x12990] =	vst v20;
	v20 =	vld.idx.msk [tilespmem:v11+s0+$0x60 ss:$0x1], $0xffff  }
0x286: {  	(v2sf) =	vpush v38, $0x7;
	s1 =	sor.u32 $0x2000, s1;
	v17 =	vmul.f32 v17, v6;
	v16 =	vadd.f32 v16, v43;
	v21 =	vld.idx.msk [tilespmem:v9+s0+$0x10 ss:$0x1], $0xffff  }
0x287: {  	v13 =	vmov s1;
	[tilespmem:s0+$0x12A70] =	vst v14;
	v14 =	vadd.f32 v19, v48;
	v18 =	vmul.f32 v18, v12  }
0x288: {  	v17 =	vadd.f32 v17, v46;
	v19 =	vld.idx.msk [tilespmem:v11+s0+$0x70 ss:$0x1], $0xffff;
	[tilespmem:s0+$0x12A30] =	vst v16;
	v15 =	vmul.f32 v15, v10  }
0x289: {  	[tilespmem:s0+$0x128A0] =	vst v14;
	v14 =	vld.idx.msk [tilespmem:v11+s0+$0x30 ss:$0x1], $0xffff;
	v16 =	vadd.f32 v18, v45  }
0x28a: {  	[tilespmem:s0+$0x12940] =	vst v17;
	v17 =	vld.idx.msk [tilespmem:v5+s0+$0x20 ss:$0x1], $0xffff;
	v15 =	vadd.f32 v15, v49;
	v18 =	vmul.f32 v20, v12  }
0x28b: {  	v20 =	vld.idx.msk [tilespmem:v7+s0+$0x40 ss:$0x1], $0xffff;
	[tilespmem:s0+$0x12AD0] =	vst v16;
	v16 =	vmul.f32 v21, v10  }
0x28c: {  	s23 =	spop (v2sf);
	v21 =	vld.idx.msk [tilespmem:v13+s0+$0x50 ss:$0x1], $0xffff;
	[tilespmem:s0+$0x12A00] =	vst v15;
	v15 =	vadd.f32 v18, v44  }
0x28d: {  	(v2sf) =	vpush v38, $0x8;
	s24 =	sshll.u32 s23, $0xB;
	s1 =	sshll.u32 s23, $0x7;
	v18 =	vmul.f32 v19, v12;
	v19 =	vld.idx.msk [tilespmem:v11+s0+$0x0 ss:$0x1], $0xffff;
	v16 =	vadd.f32 v16, v47  }
0x28e: {  	s10 =	sand.u32 $0xFFFFC000, s24;
	s1 =	sand.u32 $0x380, s1;
	v22 =	vmul.f32 v14, v12;
	[tilespmem:s0+$0x12AE0] =	vst v15  }
0x28f: {  	s1 =	sor.u32 s1, s10;
	v14 =	vbroadcast v41, $0x5;
	v18 =	vadd.f32 v18, v50;
	v17 =	vmul.f32 v17, v6;
	[tilespmem:s0+$0x12A10] =	vst v16;
	v16 =	vld.idx.msk [tilespmem:v13+s0+$0x60 ss:$0x1], $0xffff  }
0x290: {  	s1 =	sor.u32 $0x2000, s1;
	v22 =	vadd.f32 v22, v43;
	v20 =	vmul.f32 v20, v8;
	v23 =	vld.idx.msk [tilespmem:v11+s0+$0x10 ss:$0x1], $0xffff  }
0x291: {  	v15 =	vmov s1;
	[tilespmem:s0+$0x12AF0] =	vst v18;
	v17 =	vadd.f32 v17, v48;
	v18 =	vmul.f32 v21, v14  }
0x292: {  	v21 =	vld.idx.msk [tilespmem:v13+s0+$0x70 ss:$0x1], $0xffff;
	[tilespmem:s0+$0x12AB0] =	vst v22;
	v20 =	vadd.f32 v20, v46;
	v19 =	vmul.f32 v19, v12  }
0x293: {  	[tilespmem:s0+$0x12920] =	vst v17;
	v17 =	vld.idx.msk [tilespmem:v13+s0+$0x30 ss:$0x1], $0xffff;
	v18 =	vadd.f32 v18, v45  }
0x294: {  	v22 =	vld.idx.msk [tilespmem:v7+s0+$0x20 ss:$0x1], $0xffff;
	[tilespmem:s0+$0x129C0] =	vst v20;
	v19 =	vadd.f32 v19, v49;
	v16 =	vmul.f32 v16, v14  }
0x295: {  	v20 =	vld.idx.msk [tilespmem:v9+s0+$0x40 ss:$0x1], $0xffff;
	[tilespmem:s0+$0x12B50] =	vst v18;
	v18 =	vmul.f32 v23, v12  }
0x296: {  	s25 =	spop (v2sf);
	v23 =	vld.idx.msk [tilespmem:v15+s0+$0x50 ss:$0x1], $0xffff;
	[tilespmem:s0+$0x12A80] =	vst v19;
	v19 =	vadd.f32 v16, v44  }
0x297: {  	s26 =	sshll.u32 s25, $0xB;
	s1 =	sshll.u32 s25, $0x7;
	v21 =	vmul.f32 v21, v14;
	v24 =	vld.idx.msk [tilespmem:v13+s0+$0x0 ss:$0x1], $0xffff;
	v18 =	vadd.f32 v18, v47  }
0x298: {  	(v2sf) =	vpush v38, $0x9;
	s10 =	sand.u32 $0xFFFFC000, s26;
	s1 =	sand.u32 $0x380, s1;
	v17 =	vmul.f32 v17, v14;
	[tilespmem:s0+$0x12B60] =	vst v19  }
0x299: {  	s1 =	sor.u32 s1, s10;
	v16 =	vbroadcast v41, $0x6;
	v19 =	vadd.f32 v21, v50;
	v21 =	vmul.f32 v22, v8;
	[tilespmem:s0+$0x12A90] =	vst v18;
	v18 =	vld.idx.msk [tilespmem:v15+s0+$0x60 ss:$0x1], $0xffff  }
0x29a: {  	s1 =	sor.u32 $0x2000, s1;
	v22 =	vadd.f32 v17, v43;
	v20 =	vmul.f32 v20, v10;
	v25 =	vld.idx.msk [tilespmem:v13+s0+$0x10 ss:$0x1], $0xffff  }
0x29b: {  	v17 =	vmov s1;
	[tilespmem:s0+$0x12B70] =	vst v19;
	v19 =	vadd.f32 v21, v48;
	v21 =	vmul.f32 v23, v16  }
0x29c: {  	s28 =	spop (v2sf);
	(v2sf) =	vpush v38, $0xA;
	v23 =	vld.idx.msk [tilespmem:v15+s0+$0x70 ss:$0x1], $0xffff;
	[tilespmem:s0+$0x12B30] =	vst v22;
	v20 =	vadd.f32 v20, v46;
	v22 =	vmul.f32 v24, v14  }
0x29d: {  	[tilespmem:s0+$0x129A0] =	vst v19;
	v19 =	vld.idx.msk [tilespmem:v15+s0+$0x30 ss:$0x1], $0xffff;
	v21 =	vadd.f32 v21, v45  }
0x29e: {  	v24 =	vld.idx.msk [tilespmem:v9+s0+$0x20 ss:$0x1], $0xffff;
	[tilespmem:s0+$0x12A40] =	vst v20;
	v20 =	vadd.f32 v22, v49;
	v18 =	vmul.f32 v18, v16  }
0x29f: {  	v22 =	vld.idx.msk [tilespmem:v11+s0+$0x40 ss:$0x1], $0xffff;
	[tilespmem:s0+$0x12BD0] =	vst v21;
	v21 =	vmul.f32 v25, v14  }
0x2a0: {  	v25 =	vld.idx.msk [tilespmem:v17+s0+$0x50 ss:$0x1], $0xffff;
	[tilespmem:s0+$0x12B00] =	vst v20;
	v20 =	vadd.f32 v18, v44  }
0x2a1: {  	s29 =	sshll.u32 s28, $0xB;
	s1 =	sshll.u32 s28, $0x7;
	v23 =	vmul.f32 v23, v16;
	v26 =	vld.idx.msk [tilespmem:v15+s0+$0x0 ss:$0x1], $0xffff;
	v21 =	vadd.f32 v21, v47  }
0x2a2: {  	s10 =	sand.u32 $0xFFFFC000, s29;
	s1 =	sand.u32 $0x380, s1;
	v19 =	vmul.f32 v19, v16;
	[tilespmem:s0+$0x12BE0] =	vst v20  }
0x2a3: {  	s1 =	sor.u32 s1, s10;
	v18 =	vbroadcast v41, $0x7;
	v20 =	vadd.f32 v23, v50;
	v23 =	vmul.f32 v24, v10;
	[tilespmem:s0+$0x12B10] =	vst v21;
	v21 =	vld.idx.msk [tilespmem:v17+s0+$0x60 ss:$0x1], $0xffff  }
0x2a4: {  	s1 =	sor.u32 $0x2000, s1;
	v24 =	vadd.f32 v19, v43;
	v22 =	vmul.f32 v22, v12;
	v27 =	vld.idx.msk [tilespmem:v15+s0+$0x10 ss:$0x1], $0xffff  }
0x2a5: {  	v19 =	vmov s1;
	[tilespmem:s0+$0x12BF0] =	vst v20;
	v20 =	vadd.f32 v23, v48;
	v23 =	vmul.f32 v25, v18  }
0x2a6: {  	v25 =	vld.idx.msk [tilespmem:v17+s0+$0x70 ss:$0x1], $0xffff;
	[tilespmem:s0+$0x12BB0] =	vst v24;
	v22 =	vadd.f32 v22, v46;
	v24 =	vmul.f32 v26, v16  }
0x2a7: {  	s30 =	spop (v2sf);
	(v2sf) =	vpush v38, $0xB;
	[tilespmem:s0+$0x12A20] =	vst v20;
	v20 =	vld.idx.msk [tilespmem:v17+s0+$0x30 ss:$0x1], $0xffff;
	v23 =	vadd.f32 v23, v45  }
0x2a8: {  	v26 =	vld.idx.msk [tilespmem:v11+s0+$0x20 ss:$0x1], $0xffff;
	[tilespmem:s0+$0x12AC0] =	vst v22;
	v21 =	vmul.f32 v21, v18;
	v24 =	vadd.f32 v24, v49  }
0x2a9: {  	v22 =	vld.idx.msk [tilespmem:v13+s0+$0x40 ss:$0x1], $0xffff;
	[tilespmem:s0+$0x12C50] =	vst v23;
	v23 =	vmul.f32 v27, v16  }
0x2aa: {  	v27 =	vld.idx.msk [tilespmem:v19+s0+$0x50 ss:$0x1], $0xffff;
	v28 =	vadd.f32 v21, v44;
	[tilespmem:s0+$0x12B80] =	vst v24  }
0x2ab: {  	s31 =	sshll.u32 s30, $0xB;
	s11 =	spop (v2sf);
	(v2sf) =	vpush v38, $0xC;
	s1 =	sshll.u32 s30, $0x7;
	v25 =	vmul.f32 v25, v18;
	v23 =	vadd.f32 v23, v47;
	v24 =	vld.idx.msk [tilespmem:v17+s0+$0x0 ss:$0x1], $0xffff  }
0x2ac: {  	s10 =	sand.u32 $0xFFFFC000, s31;
	s1 =	sand.u32 $0x380, s1;
	v20 =	vmul.f32 v20, v18;
	[tilespmem:s0+$0x12C60] =	vst v28  }
0x2ad: {  	s1 =	sor.u32 s1, s10;
	v21 =	vbroadcast v41, $0x8;
	v25 =	vadd.f32 v25, v50;
	v26 =	vmul.f32 v26, v12;
	v28 =	vld.idx.msk [tilespmem:v19+s0+$0x60 ss:$0x1], $0xffff;
	[tilespmem:s0+$0x12B90] =	vst v23  }
0x2ae: {  	s1 =	sor.u32 $0x2000, s1;
	v20 =	vadd.f32 v20, v43;
	v23 =	vmul.f32 v22, v14;
	v29 =	vld.idx.msk [tilespmem:v17+s0+$0x10 ss:$0x1], $0xffff  }
0x2af: {  	v22 =	vmov s1;
	[tilespmem:s0+$0x12C70] =	vst v25;
	v25 =	vadd.f32 v26, v48;
	v26 =	vmul.f32 v27, v21  }
0x2b0: {  	v27 =	vld.idx.msk [tilespmem:v19+s0+$0x70 ss:$0x1], $0xffff;
	[tilespmem:s0+$0x12C30] =	vst v20;
	v20 =	vadd.f32 v23, v46;
	v24 =	vmul.f32 v24, v18  }
0x2b1: {  	[tilespmem:s0+$0x12AA0] =	vst v25;
	v23 =	vld.idx.msk [tilespmem:v19+s0+$0x30 ss:$0x1], $0xffff;
	v25 =	vadd.f32 v26, v45  }
0x2b2: {  	v30 =	vld.idx.msk [tilespmem:v13+s0+$0x20 ss:$0x1], $0xffff;
	[tilespmem:s0+$0x12B40] =	vst v20;
	v20 =	vmul.f32 v28, v21;
	v24 =	vadd.f32 v24, v49  }
0x2b3: {  	s12 =	sshll.u32 s11, $0xB;
	s1 =	sshll.u32 s11, $0x7;
	v28 =	vld.idx.msk [tilespmem:v15+s0+$0x40 ss:$0x1], $0xffff;
	[tilespmem:s0+$0x168D0] =	vst v25;
	v25 =	vmul.f32 v29, v18  }
0x2b4: {  	s10 =	sand.u32 $0xFFFFC000, s12;
	s1 =	sand.u32 $0x380, s1;
	v29 =	vld.idx.msk [tilespmem:v22+s0+$0x50 ss:$0x1], $0xffff;
	v20 =	vadd.f32 v20, v44;
	[tilespmem:s0+$0x12C00] =	vst v24  }
0x2b5: {  	s1 =	sor.u32 s1, s10;
	v27 =	vmul.f32 v27, v21;
	v24 =	vadd.f32 v25, v47;
	v25 =	vld.idx.msk [tilespmem:v19+s0+$0x0 ss:$0x1], $0xffff  }
0x2b6: {  	s13 =	spop (v2sf);
	s1 =	sor.u32 $0x2000, s1;
	v26 =	vbroadcast v41, $0x9;
	v23 =	vmul.f32 v23, v21;
	[tilespmem:s0+$0x168E0] =	vst v20  }
0x2b7: {  	s21 =	sshll.u32 s13, $0xB;
	v20 =	vadd.f32 v27, v50;
	v30 =	vmul.f32 v30, v14;
	v27 =	vmov s1;
	s1 =	sshll.u32 s13, $0x7;
	v31 =	vld.idx.msk [tilespmem:v22+s0+$0x60 ss:$0x1], $0xffff;
	[tilespmem:s0+$0x12C10] =	vst v24  }
0x2b8: {  	s10 =	sand.u32 $0xFFFFC000, s21;
	v23 =	vadd.f32 v23, v43;
	v24 =	vmul.f32 v28, v16;
	s1 =	sand.u32 $0x380, s1;
	v28 =	vld.idx.msk [tilespmem:v19+s0+$0x10 ss:$0x1], $0xffff  }
0x2b9: {  	[tilespmem:s0+$0x168F0] =	vst v20;
	v20 =	vadd.f32 v30, v48;
	s1 =	sor.u32 s1, s10;
	v29 =	vmul.f32 v29, v26  }
0x2ba: {  	s23 =	spop (v2sf);
	v30 =	vld.idx.msk [tilespmem:v22+s0+$0x70 ss:$0x1], $0xffff;
	[tilespmem:s0+$0x168B0] =	vst v23;
	v23 =	vadd.f32 v24, v46;
	s1 =	sor.u32 $0x2000, s1;
	v24 =	vmul.f32 v25, v21  }
0x2bb: {  	s24 =	sshll.u32 s23, $0xB;
	[tilespmem:s0+$0x12B20] =	vst v20;
	v20 =	vld.idx.msk [tilespmem:v22+s0+$0x30 ss:$0x1], $0xffff;
	v32 =	vmov s1;
	s1 =	sshll.u32 s23, $0x7;
	v25 =	vadd.f32 v29, v45  }
0x2bc: {  	s10 =	sand.u32 $0xFFFFC000, s24;
	v29 =	vld.idx.msk [tilespmem:v15+s0+$0x20 ss:$0x1], $0xffff;
	[tilespmem:s0+$0x12BC0] =	vst v23;
	s1 =	sand.u32 $0x380, s1;
	v23 =	vmul.f32 v31, v26;
	v24 =	vadd.f32 v24, v49  }
0x2bd: {  	v60 =	vld.idx.msk [tilespmem:v17+s0+$0x40 ss:$0x1], $0xffff;
	s1 =	sor.u32 s1, s10;
	[tilespmem:s0+$0x16950] =	vst v25;
	v25 =	vmul.f32 v28, v21  }
0x2be: {  	s1 =	sor.u32 $0x2000, s1;
	v28 =	vld.idx.msk [tilespmem:v27+s0+$0x50 ss:$0x1], $0xffff;
	v23 =	vadd.f32 v23, v44;
	[tilespmem:s0+$0x16880] =	vst v24  }
0x2bf: {  	v30 =	vmul.f32 v30, v26;
	v33 =	vmov s1;
	s1 =	simm.s32 $0x400;
	v24 =	vadd.f32 v25, v47;
	v25 =	vld.idx.msk [tilespmem:v22+s0+$0x0 ss:$0x1], $0xffff  }
0x2c0: {  	v20 =	vmul.f32 v20, v26;
	v42 =	vld.idx.msk [tilespmem:v3+s1+$0x40 ss:$0x1], $0xffff  }
0x2c1: {  	v53 =	vld.idx.msk [tilespmem:v3+s1+$0x70 ss:$0x1], $0xffff;
	[tilespmem:s0+$0x16960] =	vst v23;
	v23 =	vadd.f32 v30, v50;
	v29 =	vmul.f32 v29, v16  }
0x2c2: {  	v31 =	vbroadcast v41, $0xA;
	v30 =	vld.idx.msk [tilespmem:v27+s0+$0x60 ss:$0x1], $0xffff;
	[tilespmem:s0+$0x16890] =	vst v24;
	v20 =	vadd.f32 v20, v43;
	v24 =	vmul.f32 v60, v18  }
0x2c3: {  	v61 =	vld.idx.msk [tilespmem:v22+s0+$0x10 ss:$0x1], $0xffff;
	[tilespmem:s0+$0x16970] =	vst v23;
	v23 =	vadd.f32 v29, v48  }
0x2c4: {  	v28 =	vmul.f32 v28, v31;
	v29 =	vld.idx.msk [tilespmem:v27+s0+$0x70 ss:$0x1], $0xffff;
	[tilespmem:s0+$0x16930] =	vst v20;
	v20 =	vadd.f32 v24, v46  }
0x2c5: {  	[tilespmem:s0+$0x12BA0] =	vst v23;
	v23 =	vld.idx.msk [tilespmem:v27+s0+$0x30 ss:$0x1], $0xffff;
	v24 =	vmul.f32 v25, v26  }
0x2c6: {  	v25 =	vadd.f32 v28, v45;
	v28 =	vld.idx.msk [tilespmem:v17+s0+$0x20 ss:$0x1], $0xffff;
	[tilespmem:s0+$0x12C40] =	vst v20  }
0x2c7: {  	(v2sf) =	vpush v38, $0xD;
	v20 =	vmul.f32 v30, v31;
	v30 =	vld.idx.msk [tilespmem:v19+s0+$0x40 ss:$0x1], $0xffff;
	v24 =	vadd.f32 v24, v49  }
0x2c8: {  	v55 =	vld.idx.msk [tilespmem:v3+s1+$0x30 ss:$0x1], $0xffff;
	[tilespmem:s0+$0x169D0] =	vst v25;
	v25 =	vmul.f32 v61, v26  }
0x2c9: {  	v62 =	vld.idx.msk [tilespmem:v32+s0+$0x50 ss:$0x1], $0xffff;
	v20 =	vadd.f32 v20, v44;
	v29 =	vmul.f32 v29, v31;
	[tilespmem:s0+$0x16900] =	vst v24  }
0x2ca: {  	v24 =	vadd.f32 v25, v47;
	v25 =	vld.idx.msk [tilespmem:v27+s0+$0x0 ss:$0x1], $0xffff;
	v23 =	vmul.f32 v23, v31  }
0x2cb: {  	v60 =	vld.idx.msk [tilespmem:v3+s1+$0x50 ss:$0x1], $0xffff;
	[tilespmem:s0+$0x169E0] =	vst v20;
	v20 =	vadd.f32 v29, v50;
	v28 =	vmul.f32 v28, v18  }
0x2cc: {  	v34 =	vbroadcast v41, $0xB;
	v51 =	vld.idx.msk [tilespmem:v32+s0+$0x60 ss:$0x1], $0xffff;
	[tilespmem:s0+$0x16910] =	vst v24;
	v23 =	vadd.f32 v23, v43;
	v24 =	vmul.f32 v30, v21  }
0x2cd: {  	v29 =	vld.idx.msk [tilespmem:v27+s0+$0x10 ss:$0x1], $0xffff;
	[tilespmem:s0+$0x169F0] =	vst v20;
	v20 =	vadd.f32 v28, v48  }
0x2ce: {  	v28 =	vmul.f32 v62, v34;
	v30 =	vld.idx.msk [tilespmem:v32+s0+$0x70 ss:$0x1], $0xffff;
	[tilespmem:s0+$0x169B0] =	vst v23;
	v23 =	vadd.f32 v24, v46  }
0x2cf: {  	[tilespmem:s0+$0x12C20] =	vst v20;
	v24 =	vld.idx.msk [tilespmem:v32+s0+$0x30 ss:$0x1], $0xffff;
	v20 =	vmul.f32 v25, v31  }
0x2d0: {  	v25 =	vadd.f32 v28, v45;
	v28 =	vld.idx.msk [tilespmem:v19+s0+$0x20 ss:$0x1], $0xffff;
	[tilespmem:s0+$0x168C0] =	vst v23  }
0x2d1: {  	s25 =	simm.s32 $0x80;
	v63 =	vld.idx.msk [tilespmem:v22+s0+$0x40 ss:$0x1], $0xffff;
	v23 =	vadd.f32 v20, v49  }
0x2d2: {  	v20 =	vld [tilespmem:s25+$0xA050];
	[tilespmem:s0+$0x16A50] =	vst v25  }
0x2d3: {  	v29 =	vmul.f32 v29, v31;
	v25 =	vld.idx.msk [tilespmem:v33+s0+$0x50 ss:$0x1], $0xffff;
	v30 =	vmul.f32 v30, v34;
	[tilespmem:s0+$0x16980] =	vst v23  }
0x2d4: {  	v39 =	vld.idx.msk [tilespmem:v32+s0+$0x0 ss:$0x1], $0xffff;
	v23 =	vmul.f32 v24, v34  }
0x2d5: {  	v56 =	vadd.f32 v29, v47;
	v29 =	vld [tilespmem:s25+$0xA070];
	v24 =	vadd.f32 v30, v50  }
0x2d6: {  	v36 =	vbroadcast v41, $0xC;
	s26 =	spop (v2sf);
	v40 =	vmul.f32 v60, v4;
	v30 =	vld.idx.msk [tilespmem:v3+s1+$0x60 ss:$0x1], $0xffff;
	v23 =	vadd.f32 v23, v43  }
0x2d7: {  	s12 =	sshll.u32 s26, $0xB;
	s11 =	sshll.u32 s26, $0x7;
	v28 =	vmul.f32 v28, v21;
	[tilespmem:s0+$0x16A70] =	vst v24;
	v24 =	vld [tilespmem:s25+$0xA040]  }
0x2d8: {  	s12 =	sand.u32 $0xFFFFC000, s12;
	s11 =	sand.u32 $0x380, s11;
	v40 =	vadd.f32 v40, v20;
	v52 =	vld.idx.msk [tilespmem:v33+s0+$0x70 ss:$0x1], $0xffff;
	[tilespmem:s0+$0x16A30] =	vst v23;
	v23 =	vmul.f32 v25, v36  }
0x2d9: {  	(v2sf) =	vpush v38, $0xE;
	s11 =	sor.u32 s11, s12;
	v37 =	vmul.f32 v63, v26;
	v58 =	vadd.f32 v28, v48;
	v54 =	vld.idx.msk [tilespmem:v33+s0+$0x30 ss:$0x1], $0xffff  }
0x2da: {  	s11 =	sor.u32 $0x2000, s11;
	v62 =	vmul.f32 v53, v4;
	[tilespmem:s1+$0x128D0] =	vst v40;
	v25 =	vadd.f32 v23, v45;
	v23 =	vld [tilespmem:s25+$0xA060]  }
0x2db: {  	v35 =	vmov s11;
	v37 =	vadd.f32 v37, v46;
	[tilespmem:s0+$0x168A0] =	vst v58;
	v60 =	vld.idx.msk [tilespmem:v5+s1+$0x50 ss:$0x1], $0xffff  }
0x2dc: {  	v40 =	vadd.f32 v62, v29;
	[tilespmem:s0+$0x16AD0] =	vst v25;
	v25 =	vld [tilespmem:s25+$0xA030]  }
0x2dd: {  	v58 =	vld.idx.msk [tilespmem:v3+s1+$0x0 ss:$0x1], $0xffff;
	v59 =	vmul.f32 v30, v4;
	[tilespmem:s0+$0x16940] =	vst v37  }
0x2de: {  	v39 =	vmul.f32 v39, v34;
	[tilespmem:s1+$0x128F0] =	vst v40;
	v40 =	vld.idx.msk [tilespmem:v27+s0+$0x40 ss:$0x1], $0xffff  }
0x2df: {  	v55 =	vmul.f32 v55, v4;
	[tilespmem:s0+$0x16990] =	vst v56;
	v30 =	vld [tilespmem:s25+$0xA000];
	v61 =	vadd.f32 v59, v23  }
0x2e0: {  	v39 =	vadd.f32 v39, v49;
	v57 =	vld.idx.msk [tilespmem:v35+s0+$0x50 ss:$0x1], $0xffff;
	v52 =	vmul.f32 v52, v36;
	v54 =	vmul.f32 v54, v36  }
0x2e1: {  	v60 =	vmul.f32 v60, v6;
	v59 =	vld.idx.msk [tilespmem:v3+s1+$0x10 ss:$0x1], $0xffff;
	v63 =	vadd.f32 v55, v25;
	[tilespmem:s1+$0x128E0] =	vst v61  }
0x2e2: {  	v37 =	vbroadcast v41, $0xD;
	[tilespmem:s0+$0x16A00] =	vst v39;
	v52 =	vadd.f32 v52, v50;
	v56 =	vld.idx.msk [tilespmem:v5+s1+$0x60 ss:$0x1], $0xffff  }
0x2e3: {  	v28 =	vld [tilespmem:s25+$0xA010];
	v54 =	vadd.f32 v54, v43;
	v53 =	vadd.f32 v60, v20;
	v40 =	vmul.f32 v40, v31;
	[tilespmem:s1+$0x128B0] =	vst v63  }
0x2e4: {  	(v2sf) =	vpush v38, $0xF;
	v61 =	vmul.f32 v42, v4;
	[tilespmem:s0+$0x16AF0] =	vst v52;
	v63 =	vmul.f32 v58, v4;
	v42 =	vld.idx.msk [tilespmem:v5+s1+$0x30 ss:$0x1], $0xffff  }
0x2e5: {  	v55 =	vld.idx.msk [tilespmem:v33+s0+$0x0 ss:$0x1], $0xffff;
	[tilespmem:s0+$0x16AB0] =	vst v54;
	v62 =	vmul.f32 v57, v37;
	v40 =	vadd.f32 v40, v46  }
0x2e6: {  	v57 =	vld.idx.msk [tilespmem:v5+s1+$0x70 ss:$0x1], $0xffff;
	[tilespmem:s1+$0x12950] =	vst v53;
	v38 =	vadd.f32 v61, v24;
	v61 =	vadd.f32 v63, v30  }
0x2e7: {  	v39 =	vld.idx.msk [tilespmem:v35+s0+$0x70 ss:$0x1], $0xffff;
	v58 =	vadd.f32 v62, v45;
	[tilespmem:s0+$0x169C0] =	vst v40;
	v62 =	vmul.f32 v56, v6  }
0x2e8: {  	s28 =	spop (v2sf);
	v63 =	vmul.f32 v59, v4;
	v56 =	vld.idx.msk [tilespmem:v22+s0+$0x20 ss:$0x1], $0xffff;
	[tilespmem:s1+$0x12880] =	vst v61  }
0x2e9: {  	s29 =	sshll.u32 s28, $0xB;
	s11 =	sshll.u32 s28, $0x7;
	[tilespmem:s0+$0x16B50] =	vst v58;
	v58 =	vld.idx.msk [tilespmem:v5+s1+$0x0 ss:$0x1], $0xffff;
	v60 =	vmul.f32 v42, v6;
	v61 =	vadd.f32 v62, v23  }
0x2ea: {  	s12 =	sand.u32 $0xFFFFC000, s29;
	s11 =	sand.u32 $0x380, s11;
	[tilespmem:s1+$0x128C0] =	vst v38;
	v55 =	vmul.f32 v55, v36;
	v52 =	vadd.f32 v63, v28;
	v62 =	vld.idx.msk [tilespmem:v35+s0+$0x30 ss:$0x1], $0xffff  }
0x2eb: {  	s11 =	sor.u32 s11, s12;
	v59 =	vld.idx.msk [tilespmem:v7+s1+$0x50 ss:$0x1], $0xffff;
	v63 =	vadd.f32 v60, v25;
	[tilespmem:s1+$0x12960] =	vst v61;
	v60 =	vmul.f32 v57, v6  }
0x2ec: {  	s11 =	sor.u32 $0x2000, s11;
	v39 =	vmul.f32 v39, v37;
	v55 =	vadd.f32 v55, v49;
	[tilespmem:s1+$0x12890] =	vst v52;
	v52 =	vld.idx.msk [tilespmem:v7+s1+$0x60 ss:$0x1], $0xffff  }
0x2ed: {  	v38 =	vmov s11;
	v57 =	vld.idx.msk [tilespmem:v5+s1+$0x10 ss:$0x1], $0xffff;
	v61 =	vmul.f32 v56, v26;
	[tilespmem:s1+$0x12930] =	vst v63;
	v42 =	vadd.f32 v60, v29  }
0x2ee: {  	v39 =	vadd.f32 v39, v50;
	[tilespmem:s0+$0x16A80] =	vst v55;
	v63 =	vmul.f32 v58, v6;
	v56 =	vld.idx.msk [tilespmem:v7+s1+$0x30 ss:$0x1], $0xffff  }
0x2ef: {  	v62 =	vmul.f32 v62, v37;
	v53 =	vadd.f32 v61, v48;
	[tilespmem:s1+$0x12970] =	vst v42;
	v42 =	vld.idx.msk [tilespmem:v32+s0+$0x40 ss:$0x1], $0xffff  }
0x2f0: {  	[tilespmem:s0+$0x16B70] =	vst v39;
	v60 =	vmul.f32 v59, v8;
	v54 =	vadd.f32 v63, v30;
	v58 =	vld.idx.msk [tilespmem:v7+s1+$0x70 ss:$0x1], $0xffff  }
0x2f1: {  	v40 =	vadd.f32 v62, v43;
	[tilespmem:s0+$0x16920] =	vst v53;
	v53 =	vld.idx.msk [tilespmem:v5+s1+$0x40 ss:$0x1], $0xffff;
	v52 =	vmul.f32 v52, v8  }
0x2f2: {  	v59 =	vld.idx.msk [tilespmem:v38+s0+$0x70 ss:$0x1], $0xffff;
	v39 =	vadd.f32 v60, v20;
	v57 =	vmul.f32 v57, v6;
	[tilespmem:s1+$0x12900] =	vst v54  }
0x2f3: {  	s30 =	spop (v2sf);
	v60 =	vld.idx.msk [tilespmem:v27+s0+$0x20 ss:$0x1], $0xffff;
	[tilespmem:s0+$0x16B30] =	vst v40;
	v61 =	vmul.f32 v56, v8;
	v52 =	vadd.f32 v52, v23  }
0x2f4: {  	s31 =	sshll.u32 s30, $0xB;
	s11 =	sshll.u32 s30, $0x7;
	[tilespmem:s1+$0x129D0] =	vst v39;
	v57 =	vadd.f32 v57, v28;
	v56 =	vld.idx.msk [tilespmem:v38+s0+$0x30 ss:$0x1], $0xffff;
	v62 =	vmul.f32 v42, v34  }
0x2f5: {  	s12 =	sand.u32 $0xFFFFC000, s31;
	s11 =	sand.u32 $0x380, s11;
	v40 =	vbroadcast v41, $0xE;
	v42 =	vld.idx.msk [tilespmem:v7+s1+$0x0 ss:$0x1], $0xffff;
	v54 =	vadd.f32 v61, v25;
	[tilespmem:s1+$0x129E0] =	vst v52;
	v52 =	vmul.f32 v58, v8  }
0x2f6: {  	s11 =	sor.u32 s11, s12;
	[tilespmem:s1+$0x12910] =	vst v57;
	v58 =	vld.idx.msk [tilespmem:v9+s1+$0x50 ss:$0x1], $0xffff;
	v53 =	vmul.f32 v53, v6;
	v57 =	vadd.f32 v62, v46  }
0x2f7: {  	s11 =	sor.u32 $0x2000, s11;
	v59 =	vmul.f32 v59, v40;
	v61 =	vld.idx.msk [tilespmem:v9+s1+$0x60 ss:$0x1], $0xffff;
	[tilespmem:s1+$0x129B0] =	vst v54;
	v52 =	vadd.f32 v52, v29  }
0x2f8: {  	v39 =	vmov s11;
	v60 =	vmul.f32 v60, v31;
	v54 =	vld.idx.msk [tilespmem:v7+s1+$0x10 ss:$0x1], $0xffff;
	v53 =	vadd.f32 v53, v24;
	[tilespmem:s0+$0x16A40] =	vst v57  }
0x2f9: {  	v57 =	vadd.f32 v59, v50;
	v59 =	vld.idx.msk [tilespmem:v32+s0+$0x10 ss:$0x1], $0xffff;
	[tilespmem:s1+$0x129F0] =	vst v52;
	v52 =	vmul.f32 v56, v40  }
0x2fa: {  	v60 =	vadd.f32 v60, v48;
	v56 =	vld.idx.msk [tilespmem:v3+s1+$0x20 ss:$0x1], $0xffff;
	v42 =	vmul.f32 v42, v8;
	[tilespmem:s1+$0x12940] =	vst v53  }
0x2fb: {  	[tilespmem:s0+$0x16BF0] =	vst v57;
	v57 =	vld.idx.msk [tilespmem:v9+s1+$0x70 ss:$0x1], $0xffff;
	v53 =	vmul.f32 v58, v10;
	v52 =	vadd.f32 v52, v43  }
0x2fc: {  	[tilespmem:s0+$0x169A0] =	vst v60;
	v60 =	vld.idx.msk [tilespmem:v9+s1+$0x30 ss:$0x1], $0xffff;
	v62 =	vadd.f32 v42, v30;
	v61 =	vmul.f32 v61, v10  }
0x2fd: {  	v58 =	vld.idx.msk [tilespmem:v39+s0+$0x70 ss:$0x1], $0xffff;
	v53 =	vadd.f32 v53, v20;
	[tilespmem:s0+$0x16BB0] =	vst v52  }
0x2fe: {  	v42 =	vld [tilespmem:s25+$0xA020];
	v54 =	vmul.f32 v54, v8;
	[tilespmem:s1+$0x12980] =	vst v62;
	v52 =	vadd.f32 v61, v23  }
0x2ff: {  	v59 =	vmul.f32 v59, v34;
	v61 =	vld.idx.msk [tilespmem:v33+s0+$0x40 ss:$0x1], $0xffff;
	[tilespmem:s1+$0x12A50] =	vst v53  }
0x300: {  	v41 =	vbroadcast v41, $0xF;
	v54 =	vadd.f32 v54, v28;
	v53 =	vld.idx.msk [tilespmem:v9+s1+$0x0 ss:$0x1], $0xffff;
	[tilespmem:s1+$0x12A60] =	vst v52;
	v52 =	vmul.f32 v57, v10  }
0x301: {  	v56 =	vmul.f32 v56, v4;
	v57 =	vadd.f32 v59, v47;
	v59 =	vld.idx.msk [tilespmem:v11+s1+$0x50 ss:$0x1], $0xffff;
	v60 =	vmul.f32 v60, v10  }
0x302: {  	[tilespmem:s1+$0x12990] =	vst v54;
	v54 =	vmul.f32 v58, v41;
	v58 =	vld.idx.msk [tilespmem:v11+s1+$0x60 ss:$0x1], $0xffff;
	v52 =	vadd.f32 v52, v29  }
0x303: {  	v56 =	vadd.f32 v56, v42;
	[tilespmem:s0+$0x16A10] =	vst v57;
	v57 =	vld.idx.msk [tilespmem:v9+s1+$0x10 ss:$0x1], $0xffff;
	v55 =	vadd.f32 v60, v25  }
0x304: {  	v50 =	vadd.f32 v54, v50;
	v54 =	vld.idx.msk [tilespmem:v33+s0+$0x10 ss:$0x1], $0xffff;
	[tilespmem:s1+$0x12A70] =	vst v52;
	v52 =	vmul.f32 v61, v36  }
0x305: {  	[tilespmem:s1+$0x128A0] =	vst v56;
	v56 =	vld.idx.msk [tilespmem:v7+s1+$0x40 ss:$0x1], $0xffff;
	v53 =	vmul.f32 v53, v10  }
0x306: {  	v60 =	vld.idx.msk [tilespmem:v35+s0+$0x0 ss:$0x1], $0xffff;
	[tilespmem:s1+$0x12A30] =	vst v55;
	v63 =	vmul.f32 v59, v12;
	v52 =	vadd.f32 v52, v46  }
0x307: {  	[tilespmem:s0+$0x16C70] =	vst v50;
	v50 =	vld.idx.msk [tilespmem:v11+s1+$0x70 ss:$0x1], $0xffff;
	v53 =	vadd.f32 v53, v30;
	v61 =	vmul.f32 v58, v12  }
0x308: {  	v59 =	vld.idx.msk [tilespmem:v32+s0+$0x20 ss:$0x1], $0xffff;
	v57 =	vmul.f32 v57, v10;
	v55 =	vadd.f32 v63, v20;
	[tilespmem:s0+$0x16AC0] =	vst v52  }
0x309: {  	v58 =	vld.idx.msk [tilespmem:v11+s1+$0x30 ss:$0x1], $0xffff;
	[tilespmem:s1+$0x12A00] =	vst v53;
	v53 =	vadd.f32 v61, v23;
	v54 =	vmul.f32 v54, v36  }
0x30a: {  	v52 =	vld.idx.msk [tilespmem:v5+s1+$0x20 ss:$0x1], $0xffff;
	v56 =	vmul.f32 v56, v8;
	v57 =	vadd.f32 v57, v28;
	[tilespmem:s1+$0x12AD0] =	vst v55  }
0x30b: {  	v55 =	vmul.f32 v60, v37;
	v60 =	vld.idx.msk [tilespmem:v11+s1+$0x0 ss:$0x1], $0xffff;
	[tilespmem:s1+$0x12AE0] =	vst v53;
	v62 =	vadd.f32 v54, v47  }
0x30c: {  	v50 =	vmul.f32 v50, v12;
	v54 =	vld.idx.msk [tilespmem:v13+s1+$0x50 ss:$0x1], $0xffff;
	v56 =	vadd.f32 v56, v24;
	[tilespmem:s1+$0x12A10] =	vst v57  }
0x30d: {  	v63 =	vmul.f32 v59, v34;
	v55 =	vadd.f32 v55, v49;
	v59 =	vld.idx.msk [tilespmem:v13+s1+$0x60 ss:$0x1], $0xffff;
	[tilespmem:s0+$0x16A90] =	vst v62  }
0x30e: {  	v58 =	vmul.f32 v58, v12;
	v50 =	vadd.f32 v50, v29;
	v53 =	vld.idx.msk [tilespmem:v11+s1+$0x10 ss:$0x1], $0xffff;
	[tilespmem:s1+$0x129C0] =	vst v56  }
0x30f: {  	v52 =	vmul.f32 v52, v6;
	[tilespmem:s0+$0x16B00] =	vst v55;
	v55 =	vadd.f32 v63, v48;
	v57 =	vld.idx.msk [tilespmem:v35+s0+$0x10 ss:$0x1], $0xffff  }
0x310: {  	v58 =	vadd.f32 v58, v25;
	[tilespmem:s1+$0x12AF0] =	vst v50;
	v50 =	vld.idx.msk [tilespmem:v38+s0+$0x0 ss:$0x1], $0xffff;
	v60 =	vmul.f32 v60, v12  }
0x311: {  	v52 =	vadd.f32 v52, v42;
	[tilespmem:s0+$0x16A20] =	vst v55;
	v55 =	vld.idx.msk [tilespmem:v13+s1+$0x70 ss:$0x1], $0xffff;
	v54 =	vmul.f32 v54, v14  }
0x312: {  	[tilespmem:s1+$0x12AB0] =	vst v58;
	v58 =	vld.idx.msk [tilespmem:v33+s0+$0x20 ss:$0x1], $0xffff;
	v60 =	vadd.f32 v60, v30;
	v61 =	vmul.f32 v59, v14  }
0x313: {  	v59 =	vld.idx.msk [tilespmem:v13+s1+$0x30 ss:$0x1], $0xffff;
	[tilespmem:s1+$0x12920] =	vst v52;
	v53 =	vmul.f32 v53, v12;
	v54 =	vadd.f32 v54, v20  }
0x314: {  	v56 =	vld.idx.msk [tilespmem:v7+s1+$0x20 ss:$0x1], $0xffff;
	[tilespmem:s1+$0x12A80] =	vst v60;
	v52 =	vadd.f32 v61, v23;
	v57 =	vmul.f32 v57, v37  }
0x315: {  	v60 =	vld.idx.msk [tilespmem:v9+s1+$0x40 ss:$0x1], $0xffff;
	v53 =	vadd.f32 v53, v28;
	[tilespmem:s1+$0x12B50] =	vst v54;
	v50 =	vmul.f32 v50, v40  }
0x316: {  	v54 =	vld.idx.msk [tilespmem:v13+s1+$0x0 ss:$0x1], $0xffff;
	[tilespmem:s1+$0x12B60] =	vst v52;
	v62 =	vmul.f32 v55, v14;
	v63 =	vadd.f32 v57, v47  }
0x317: {  	v57 =	vld.idx.msk [tilespmem:v15+s1+$0x50 ss:$0x1], $0xffff;
	[tilespmem:s1+$0x12A90] =	vst v53;
	v50 =	vadd.f32 v50, v49;
	v61 =	vmul.f32 v58, v36  }
0x318: {  	v58 =	vld.idx.msk [tilespmem:v15+s1+$0x60 ss:$0x1], $0xffff;
	v59 =	vmul.f32 v59, v14;
	v52 =	vadd.f32 v62, v29;
	[tilespmem:s0+$0x16B10] =	vst v63  }
0x319: {  	v55 =	vld.idx.msk [tilespmem:v13+s1+$0x10 ss:$0x1], $0xffff;
	v56 =	vmul.f32 v56, v8;
	[tilespmem:s0+$0x16B80] =	vst v50;
	v50 =	vadd.f32 v61, v48  }
0x31a: {  	v53 =	vld.idx.msk [tilespmem:v38+s0+$0x10 ss:$0x1], $0xffff;
	v59 =	vadd.f32 v59, v25;
	v60 =	vmul.f32 v60, v10;
	[tilespmem:s1+$0x12B70] =	vst v52  }
0x31b: {  	v52 =	vld.idx.msk [tilespmem:v39+s0+$0x0 ss:$0x1], $0xffff;
	v54 =	vmul.f32 v54, v14;
	v56 =	vadd.f32 v56, v42;
	[tilespmem:s0+$0x16AA0] =	vst v50  }
0x31c: {  	v50 =	vld.idx.msk [tilespmem:v15+s1+$0x70 ss:$0x1], $0xffff;
	[tilespmem:s1+$0x12B30] =	vst v59;
	v59 =	vadd.f32 v60, v24;
	v57 =	vmul.f32 v57, v16  }
0x31d: {  	v60 =	vld.idx.msk [tilespmem:v35+s0+$0x20 ss:$0x1], $0xffff;
	v54 =	vadd.f32 v54, v30;
	v62 =	vmul.f32 v58, v16;
	[tilespmem:s1+$0x129A0] =	vst v56  }
0x31e: {  	v58 =	vld.idx.msk [tilespmem:v15+s1+$0x30 ss:$0x1], $0xffff;
	v55 =	vmul.f32 v55, v14;
	[tilespmem:s1+$0x12A40] =	vst v59;
	v57 =	vadd.f32 v57, v20  }
0x31f: {  	v59 =	vld.idx.msk [tilespmem:v9+s1+$0x20 ss:$0x1], $0xffff;
	[tilespmem:s1+$0x12B00] =	vst v54;
	v63 =	vadd.f32 v62, v23;
	v53 =	vmul.f32 v53, v40  }
0x320: {  	v61 =	vld.idx.msk [tilespmem:v11+s1+$0x40 ss:$0x1], $0xffff;
	v55 =	vadd.f32 v55, v28;
	[tilespmem:s1+$0x12BD0] =	vst v57;
	v52 =	vmul.f32 v52, v41  }
0x321: {  	v57 =	vld.idx.msk [tilespmem:v15+s1+$0x0 ss:$0x1], $0xffff;
	[tilespmem:s1+$0x12BE0] =	vst v63;
	v50 =	vmul.f32 v50, v16;
	v53 =	vadd.f32 v53, v47  }
0x322: {  	v54 =	vld.idx.msk [tilespmem:v17+s1+$0x50 ss:$0x1], $0xffff;
	[tilespmem:s1+$0x12B10] =	vst v55;
	v49 =	vadd.f32 v52, v49;
	v62 =	vmul.f32 v60, v37  }
0x323: {  	v63 =	vld.idx.msk [tilespmem:v17+s1+$0x60 ss:$0x1], $0xffff;
	v58 =	vmul.f32 v58, v16;
	v50 =	vadd.f32 v50, v29;
	[tilespmem:s0+$0x16B90] =	vst v53  }
0x324: {  	v53 =	vld.idx.msk [tilespmem:v15+s1+$0x10 ss:$0x1], $0xffff;
	v59 =	vmul.f32 v59, v10;
	[tilespmem:s0+$0x16C00] =	vst v49;
	v60 =	vadd.f32 v62, v48  }
0x325: {  	v52 =	vld.idx.msk [tilespmem:v39+s0+$0x10 ss:$0x1], $0xffff;
	v58 =	vadd.f32 v58, v25;
	v56 =	vmul.f32 v61, v12;
	[tilespmem:s1+$0x12BF0] =	vst v50  }
0x326: {  	v61 =	vmul.f32 v51, v34;
	v51 =	vld.idx.msk [tilespmem:v35+s0+$0x40 ss:$0x1], $0xffff;
	v59 =	vadd.f32 v59, v42;
	[tilespmem:s0+$0x16B20] =	vst v60  }
0x327: {  	v57 =	vmul.f32 v57, v16;
	v49 =	vld.idx.msk [tilespmem:v17+s1+$0x70 ss:$0x1], $0xffff;
	[tilespmem:s1+$0x12BB0] =	vst v58;
	v56 =	vadd.f32 v56, v24  }
0x328: {  	v54 =	vmul.f32 v54, v18;
	v50 =	vadd.f32 v61, v44;
	v62 =	vld.idx.msk [tilespmem:v38+s0+$0x20 ss:$0x1], $0xffff;
	[tilespmem:s1+$0x12A20] =	vst v59  }
0x329: {  	v55 =	vmul.f32 v63, v18;
	v63 =	vld.idx.msk [tilespmem:v17+s1+$0x30 ss:$0x1], $0xffff;
	v57 =	vadd.f32 v57, v30;
	[tilespmem:s1+$0x12AC0] =	vst v56  }
0x32a: {  	v54 =	vadd.f32 v54, v20;
	v53 =	vmul.f32 v53, v16;
	[tilespmem:s0+$0x16A60] =	vst v50;
	v56 =	vld.idx.msk [tilespmem:v11+s1+$0x20 ss:$0x1], $0xffff  }
0x32b: {  	v55 =	vadd.f32 v55, v23;
	v60 =	vld.idx.msk [tilespmem:v13+s1+$0x40 ss:$0x1], $0xffff;
	v52 =	vmul.f32 v52, v41;
	[tilespmem:s1+$0x12B80] =	vst v57  }
0x32c: {  	v61 =	vld.idx.msk [tilespmem:v33+s0+$0x60 ss:$0x1], $0xffff;
	[tilespmem:s1+$0x12C50] =	vst v54;
	v53 =	vadd.f32 v53, v28;
	v49 =	vmul.f32 v49, v18  }
0x32d: {  	[tilespmem:s1+$0x12C60] =	vst v55;
	v55 =	vld.idx.msk [tilespmem:v19+s1+$0x50 ss:$0x1], $0xffff;
	v47 =	vadd.f32 v52, v47;
	v62 =	vmul.f32 v62, v40  }
0x32e: {  	v57 =	vld.idx.msk [tilespmem:v19+s1+$0x60 ss:$0x1], $0xffff;
	[tilespmem:s1+$0x12B90] =	vst v53;
	v63 =	vmul.f32 v63, v18;
	v49 =	vadd.f32 v49, v29  }
0x32f: {  	v58 =	vld.idx.msk [tilespmem:v17+s1+$0x0 ss:$0x1], $0xffff;
	[tilespmem:s0+$0x16C10] =	vst v47;
	v56 =	vmul.f32 v56, v12;
	v52 =	vadd.f32 v62, v48  }
0x330: {  	v59 =	vld.idx.msk [tilespmem:v17+s1+$0x10 ss:$0x1], $0xffff;
	v53 =	vadd.f32 v63, v25;
	v50 =	vmul.f32 v60, v14;
	[tilespmem:s1+$0x12C70] =	vst v49  }
0x331: {  	v47 =	vld.idx.msk [tilespmem:v39+s0+$0x30 ss:$0x1], $0xffff;
	v61 =	vmul.f32 v61, v36;
	v60 =	vadd.f32 v56, v42;
	[tilespmem:s0+$0x16BA0] =	vst v52  }
0x332: {  	v54 =	vld.idx.msk [tilespmem:v19+s1+$0x70 ss:$0x1], $0xffff;
	[tilespmem:s1+$0x12C30] =	vst v53;
	v50 =	vadd.f32 v50, v24;
	v62 =	vmul.f32 v55, v21  }
0x333: {  	v52 =	vadd.f32 v61, v44;
	v55 =	vld.idx.msk [tilespmem:v39+s0+$0x20 ss:$0x1], $0xffff;
	v63 =	vmul.f32 v57, v21;
	[tilespmem:s1+$0x12AA0] =	vst v60  }
0x334: {  	v56 =	vld.idx.msk [tilespmem:v19+s1+$0x30 ss:$0x1], $0xffff;
	v60 =	vmul.f32 v58, v18;
	[tilespmem:s1+$0x12B40] =	vst v50;
	v61 =	vadd.f32 v62, v20  }
0x335: {  	v62 =	vmul.f32 v59, v18;
	[tilespmem:s0+$0x16AE0] =	vst v52;
	v53 =	vld.idx.msk [tilespmem:v13+s1+$0x20 ss:$0x1], $0xffff;
	v49 =	vadd.f32 v63, v23  }
0x336: {  	v52 =	vld.idx.msk [tilespmem:v15+s1+$0x40 ss:$0x1], $0xffff;
	v63 =	vmul.f32 v51, v37;
	v57 =	vadd.f32 v60, v30;
	[tilespmem:s1+$0x168D0] =	vst v61  }
0x337: {  	v51 =	vld.idx.msk [tilespmem:v35+s0+$0x60 ss:$0x1], $0xffff;
	v58 =	vadd.f32 v62, v28;
	[tilespmem:s1+$0x168E0] =	vst v49;
	v60 =	vmul.f32 v54, v21  }
0x338: {  	v61 =	vld.idx.msk [tilespmem:v22+s1+$0x50 ss:$0x1], $0xffff;
	v50 =	vadd.f32 v63, v46;
	[tilespmem:s1+$0x12C00] =	vst v57;
	v55 =	vmul.f32 v55, v41  }
0x339: {  	v62 =	vld.idx.msk [tilespmem:v22+s1+$0x60 ss:$0x1], $0xffff;
	[tilespmem:s1+$0x12C10] =	vst v58;
	v56 =	vmul.f32 v56, v21;
	v49 =	vadd.f32 v60, v29  }
0x33a: {  	v63 =	vld.idx.msk [tilespmem:v19+s1+$0x0 ss:$0x1], $0xffff;
	[tilespmem:s0+$0x16B40] =	vst v50;
	v53 =	vmul.f32 v53, v14;
	v48 =	vadd.f32 v55, v48  }
0x33b: {  	v50 =	vld.idx.msk [tilespmem:v19+s1+$0x10 ss:$0x1], $0xffff;
	v59 =	vadd.f32 v56, v25;
	v52 =	vmul.f32 v52, v16;
	[tilespmem:s1+$0x168F0] =	vst v49  }
0x33c: {  	v60 =	vmul.f32 v51, v37;
	v55 =	vld.idx.msk [tilespmem:v38+s0+$0x50 ss:$0x1], $0xffff;
	v53 =	vadd.f32 v53, v42;
	[tilespmem:s0+$0x16C20] =	vst v48  }
0x33d: {  	v49 =	vld.idx.msk [tilespmem:v38+s0+$0x40 ss:$0x1], $0xffff;
	[tilespmem:s1+$0x168B0] =	vst v59;
	v52 =	vadd.f32 v52, v24;
	v54 =	vmul.f32 v61, v26  }
0x33e: {  	v51 =	vld.idx.msk [tilespmem:v22+s1+$0x70 ss:$0x1], $0xffff;
	v48 =	vadd.f32 v60, v44;
	v61 =	vmul.f32 v62, v26;
	[tilespmem:s1+$0x12B20] =	vst v53  }
0x33f: {  	v56 =	vld.idx.msk [tilespmem:v22+s1+$0x30 ss:$0x1], $0xffff;
	v62 =	vmul.f32 v63, v21;
	[tilespmem:s1+$0x12BC0] =	vst v52;
	v63 =	vadd.f32 v54, v20  }
0x340: {  	v50 =	vmul.f32 v50, v21;
	[tilespmem:s0+$0x16B60] =	vst v48;
	v54 =	vld.idx.msk [tilespmem:v15+s1+$0x20 ss:$0x1], $0xffff;
	v53 =	vadd.f32 v61, v23  }
0x341: {  	v48 =	vld.idx.msk [tilespmem:v17+s1+$0x40 ss:$0x1], $0xffff;
	v55 =	vmul.f32 v55, v40;
	v57 =	vadd.f32 v62, v30;
	[tilespmem:s1+$0x16950] =	vst v63  }
0x342: {  	v60 =	vld.idx.msk [tilespmem:v38+s0+$0x60 ss:$0x1], $0xffff;
	v49 =	vmul.f32 v49, v40;
	v50 =	vadd.f32 v50, v28;
	[tilespmem:s1+$0x16960] =	vst v53  }
0x343: {  	v51 =	vmul.f32 v51, v26;
	v61 =	vld.idx.msk [tilespmem:v27+s1+$0x50 ss:$0x1], $0xffff;
	v58 =	vadd.f32 v55, v45;
	[tilespmem:s1+$0x16880] =	vst v57  }
0x344: {  	v49 =	vadd.f32 v49, v46;
	v57 =	vld.idx.msk [tilespmem:v27+s1+$0x60 ss:$0x1], $0xffff;
	[tilespmem:s1+$0x16890] =	vst v50;
	v62 =	vmul.f32 v56, v26  }
0x345: {  	v51 =	vadd.f32 v51, v29;
	v63 =	vld.idx.msk [tilespmem:v22+s1+$0x0 ss:$0x1], $0xffff;
	[tilespmem:s0+$0x16BD0] =	vst v58;
	v54 =	vmul.f32 v54, v16  }
0x346: {  	v55 =	vld.idx.msk [tilespmem:v22+s1+$0x10 ss:$0x1], $0xffff;
	[tilespmem:s0+$0x16BC0] =	vst v49;
	v50 =	vadd.f32 v62, v25;
	v48 =	vmul.f32 v48, v18  }
0x347: {  	v59 =	vmul.f32 v60, v40;
	[tilespmem:s1+$0x16970] =	vst v51;
	v51 =	vld.idx.msk [tilespmem:v39+s0+$0x40 ss:$0x1], $0xffff;
	v54 =	vadd.f32 v54, v42  }
0x348: {  	v52 =	vld.idx.msk [tilespmem:v27+s1+$0x70 ss:$0x1], $0xffff;
	[tilespmem:s1+$0x16930] =	vst v50;
	v48 =	vadd.f32 v48, v24;
	v60 =	vmul.f32 v61, v31  }
0x349: {  	v61 =	vld.idx.msk [tilespmem:v39+s0+$0x50 ss:$0x1], $0xffff;
	v49 =	vadd.f32 v59, v44;
	v62 =	vmul.f32 v57, v31;
	[tilespmem:s1+$0x12BA0] =	vst v54  }
0x34a: {  	v57 =	vld.idx.msk [tilespmem:v27+s1+$0x30 ss:$0x1], $0xffff;
	v56 =	vmul.f32 v63, v26;
	[tilespmem:s1+$0x12C40] =	vst v48;
	v63 =	vadd.f32 v60, v20  }
0x34b: {  	v55 =	vmul.f32 v55, v26;
	[tilespmem:s0+$0x16BE0] =	vst v49;
	v50 =	vld.idx.msk [tilespmem:v17+s1+$0x20 ss:$0x1], $0xffff;
	v54 =	vadd.f32 v62, v23  }
0x34c: {  	v49 =	vld.idx.msk [tilespmem:v19+s1+$0x40 ss:$0x1], $0xffff;
	v56 =	vadd.f32 v56, v30;
	[tilespmem:s1+$0x169D0] =	vst v63;
	v59 =	vmul.f32 v51, v41  }
0x34d: {  	v60 =	vld.idx.msk [tilespmem:v39+s0+$0x60 ss:$0x1], $0xffff;
	v55 =	vadd.f32 v55, v28;
	[tilespmem:s1+$0x169E0] =	vst v54;
	v52 =	vmul.f32 v52, v31  }
0x34e: {  	v54 =	vld.idx.msk [tilespmem:v32+s1+$0x50 ss:$0x1], $0xffff;
	v61 =	vmul.f32 v61, v41;
	[tilespmem:s1+$0x16900] =	vst v56;
	v46 =	vadd.f32 v59, v46  }
0x34f: {  	v62 =	vld.idx.msk [tilespmem:v32+s1+$0x60 ss:$0x1], $0xffff;
	[tilespmem:s1+$0x16910] =	vst v55;
	v63 =	vmul.f32 v57, v31;
	v52 =	vadd.f32 v52, v29  }
0x350: {  	v56 =	vld.idx.msk [tilespmem:v27+s1+$0x0 ss:$0x1], $0xffff;
	v45 =	vadd.f32 v61, v45;
	v50 =	vmul.f32 v50, v18;
	[tilespmem:s0+$0x16C40] =	vst v46  }
0x351: {  	v57 =	vld.idx.msk [tilespmem:v27+s1+$0x10 ss:$0x1], $0xffff;
	v59 =	vadd.f32 v63, v25;
	v49 =	vmul.f32 v49, v21;
	[tilespmem:s1+$0x169F0] =	vst v52  }
0x352: {  	v60 =	vmul.f32 v60, v41;
	[tilespmem:s0+$0x16C50] =	vst v45;
	v50 =	vadd.f32 v50, v42  }
0x353: {  	v48 =	vld.idx.msk [tilespmem:v32+s1+$0x70 ss:$0x1], $0xffff;
	[tilespmem:s1+$0x169B0] =	vst v59;
	v49 =	vadd.f32 v49, v24;
	v61 =	vmul.f32 v54, v34  }
0x354: {  	v47 =	vmul.f32 v47, v41;
	v44 =	vadd.f32 v60, v44;
	v46 =	vld.idx.msk [tilespmem:v32+s1+$0x30 ss:$0x1], $0xffff;
	[tilespmem:s1+$0x12C20] =	vst v50  }
0x355: {  	v62 =	vmul.f32 v62, v34;
	v63 =	vmul.f32 v56, v31;
	[tilespmem:s1+$0x168C0] =	vst v49;
	v51 =	vadd.f32 v61, v20  }
0x356: {  	v43 =	vadd.f32 v47, v43;
	v50 =	vmul.f32 v57, v31;
	[tilespmem:s0+$0x16C60] =	vst v44;
	v45 =	vld.idx.msk [tilespmem:v19+s1+$0x20 ss:$0x1], $0xffff  }
0x357: {  	s10 =	simm.s32 $0x100;
	v44 =	vld.idx.msk [tilespmem:v22+s1+$0x40 ss:$0x1], $0xffff;
	v47 =	vadd.f32 v62, v23;
	v49 =	vadd.f32 v63, v30;
	[tilespmem:s1+$0x16A50] =	vst v51  }
.LBB2_5:
0x358: {  	p0 =	slt.u32 s10, $0x780;
	[tilespmem:s0+$0x16C30] =	vst v43;
	s0 =	smov.u32 s1  }
0x359: {  	v50 =	vadd.f32 v50, v28;
	v51 =	vld.idx.msk [tilespmem:v33+s1+$0x50 ss:$0x1], $0xffff;
	v48 =	vmul.f32 v48, v34;
	s1 =	sshll.u32 s10, $0x3;
	s11 =	smov.u32 s10;
	s10 =	sadd.s32 $0x80, s10  }
0x35a: {  	v43 =	vld [tilespmem:s11+$0xA050];
	[tilespmem:s0+$0x16980] =	vst v49  }
0x35b: {  	v46 =	vmul.f32 v46, v34;
	v52 =	vld.idx.msk [tilespmem:v32+s0+$0x0 ss:$0x1], $0xffff;
	[tilespmem:s0+$0x16990] =	vst v50;
	v48 =	vadd.f32 v48, v29  }
0x35c: {  	v45 =	vmul.f32 v45, v21;
	v49 =	vld.idx.msk [tilespmem:v3+s1+$0x60 ss:$0x1], $0xffff  }
0x35d: {  	v46 =	vadd.f32 v46, v25;
	v44 =	vmul.f32 v44, v26;
	v50 =	vld.idx.msk [tilespmem:v3+s1+$0x50 ss:$0x1], $0xffff;
	[tilespmem:s0+$0x16A70] =	vst v48  }
0x35e: {  	v45 =	vadd.f32 v45, v42;
	v48 =	vld.idx.msk [tilespmem:v3+s1+$0x40 ss:$0x1], $0xffff  }
0x35f: {  	v44 =	vadd.f32 v44, v24;
	[tilespmem:s0+$0x16A30] =	vst v46;
	v46 =	vmul.f32 v51, v36;
	v53 =	vld.idx.msk [tilespmem:v33+s0+$0x70 ss:$0x1], $0xffff  }
0x360: {  	v54 =	vld.idx.msk [tilespmem:v3+s1+$0x70 ss:$0x1], $0xffff;
	[tilespmem:s0+$0x168A0] =	vst v45  }
0x361: {  	v55 =	vld.idx.msk [tilespmem:v33+s0+$0x30 ss:$0x1], $0xffff;
	[tilespmem:s0+$0x16940] =	vst v44;
	v44 =	vadd.f32 v46, v20  }
0x362: {  	v56 =	vld.idx.msk [tilespmem:v3+s1+$0x30 ss:$0x1], $0xffff  }
0x363: {  	v45 =	vld [tilespmem:s11+$0xA060];
	[tilespmem:s0+$0x16AD0] =	vst v44  }
0x364: {  	v57 =	vmul.f32 v48, v4;
	v46 =	vld [tilespmem:s11+$0xA040]  }
0x365: {  	v44 =	vld [tilespmem:s11+$0xA030]  }
0x366: {  	v50 =	vmul.f32 v50, v4;
	v58 =	vld.idx.msk [tilespmem:v35+s0+$0x50 ss:$0x1], $0xffff  }
0x367: {  	v59 =	vmul.f32 v49, v4;
	v51 =	vld [tilespmem:s11+$0xA070]  }
0x368: {  	v50 =	vadd.f32 v50, v43;
	v55 =	vmul.f32 v55, v36;
	v48 =	vld [tilespmem:s11+$0xA010]  }
0x369: {  	v56 =	vmul.f32 v56, v4;
	v59 =	vadd.f32 v59, v45;
	v49 =	vld [tilespmem:s11+$0xA000];
	v57 =	vadd.f32 v57, v46  }
0x36a: {  	v60 =	vld.idx.msk [tilespmem:v3+s1+$0x0 ss:$0x1], $0xffff;
	[tilespmem:s1+$0x128D0] =	vst v50;
	v50 =	vmul.f32 v54, v4;
	v54 =	vadd.f32 v55, v25  }
0x36b: {  	v55 =	vadd.f32 v56, v44;
	v56 =	vld.idx.msk [tilespmem:v5+s1+$0x50 ss:$0x1], $0xffff;
	[tilespmem:s1+$0x128E0] =	vst v59  }
0x36c: {  	v53 =	vmul.f32 v53, v36;
	v59 =	vld.idx.msk [tilespmem:v5+s1+$0x60 ss:$0x1], $0xffff;
	v50 =	vadd.f32 v50, v51;
	[tilespmem:s0+$0x16AB0] =	vst v54  }
0x36d: {  	v52 =	vmul.f32 v52, v34;
	v54 =	vld.idx.msk [tilespmem:v3+s1+$0x10 ss:$0x1], $0xffff;
	[tilespmem:s1+$0x128B0] =	vst v55;
	v55 =	vmul.f32 v58, v37  }
0x36e: {  	v53 =	vadd.f32 v53, v29;
	v58 =	vld.idx.msk [tilespmem:v5+s1+$0x30 ss:$0x1], $0xffff;
	[tilespmem:s1+$0x128C0] =	vst v57  }
0x36f: {  	[tilespmem:s1+$0x128F0] =	vst v50;
	v50 =	vadd.f32 v52, v30;
	v52 =	vld.idx.msk [tilespmem:v27+s0+$0x40 ss:$0x1], $0xffff;
	v55 =	vadd.f32 v55, v20  }
0x370: {  	v57 =	vmul.f32 v60, v4;
	v60 =	vld.idx.msk [tilespmem:v5+s1+$0x70 ss:$0x1], $0xffff;
	[tilespmem:s0+$0x16AF0] =	vst v53  }
0x371: {  	v53 =	vmul.f32 v56, v6;
	[tilespmem:s0+$0x16A00] =	vst v50;
	v50 =	vld.idx.msk [tilespmem:v35+s0+$0x70 ss:$0x1], $0xffff  }
0x372: {  	v56 =	vadd.f32 v57, v49;
	v57 =	vmul.f32 v59, v6;
	v59 =	vld.idx.msk [tilespmem:v33+s0+$0x0 ss:$0x1], $0xffff;
	[tilespmem:s0+$0x16B50] =	vst v55  }
0x373: {  	v54 =	vmul.f32 v54, v4;
	v53 =	vadd.f32 v53, v43;
	v55 =	vld.idx.msk [tilespmem:v22+s0+$0x20 ss:$0x1], $0xffff  }
0x374: {  	v57 =	vadd.f32 v57, v45;
	[tilespmem:s1+$0x12880] =	vst v56;
	v56 =	vmul.f32 v58, v6;
	v58 =	vld.idx.msk [tilespmem:v35+s0+$0x30 ss:$0x1], $0xffff  }
0x375: {  	v54 =	vadd.f32 v54, v48;
	v52 =	vmul.f32 v52, v31;
	v61 =	vld.idx.msk [tilespmem:v5+s1+$0x0 ss:$0x1], $0xffff;
	[tilespmem:s1+$0x12950] =	vst v53  }
0x376: {  	v53 =	vadd.f32 v56, v44;
	v56 =	vld.idx.msk [tilespmem:v7+s1+$0x50 ss:$0x1], $0xffff;
	[tilespmem:s1+$0x12960] =	vst v57;
	v57 =	vmul.f32 v60, v6  }
0x377: {  	v52 =	vadd.f32 v52, v24;
	v50 =	vmul.f32 v50, v37;
	[tilespmem:s1+$0x12890] =	vst v54;
	v54 =	vld.idx.msk [tilespmem:v7+s1+$0x60 ss:$0x1], $0xffff  }
0x378: {  	v60 =	vld.idx.msk [tilespmem:v5+s1+$0x10 ss:$0x1], $0xffff;
	[tilespmem:s1+$0x12930] =	vst v53;
	v53 =	vadd.f32 v57, v51  }
0x379: {  	v55 =	vmul.f32 v55, v26;
	v50 =	vadd.f32 v50, v29;
	v57 =	vld.idx.msk [tilespmem:v7+s1+$0x30 ss:$0x1], $0xffff;
	[tilespmem:s0+$0x169C0] =	vst v52  }
0x37a: {  	v52 =	vmul.f32 v58, v37;
	[tilespmem:s1+$0x12970] =	vst v53;
	v53 =	vld.idx.msk [tilespmem:v32+s0+$0x40 ss:$0x1], $0xffff  }
0x37b: {  	v58 =	vmul.f32 v61, v6;
	v55 =	vadd.f32 v55, v42;
	v61 =	vld.idx.msk [tilespmem:v7+s1+$0x70 ss:$0x1], $0xffff;
	[tilespmem:s0+$0x16B70] =	vst v50  }
0x37c: {  	v50 =	vmul.f32 v56, v8;
	v52 =	vadd.f32 v52, v25;
	v56 =	vld.idx.msk [tilespmem:v38+s0+$0x70 ss:$0x1], $0xffff  }
0x37d: {  	v58 =	vadd.f32 v58, v49;
	v54 =	vmul.f32 v54, v8;
	v62 =	vld.idx.msk [tilespmem:v5+s1+$0x40 ss:$0x1], $0xffff;
	[tilespmem:s0+$0x16920] =	vst v55  }
0x37e: {  	v55 =	vmul.f32 v60, v6;
	v50 =	vadd.f32 v50, v43;
	v60 =	vld.idx.msk [tilespmem:v27+s0+$0x20 ss:$0x1], $0xffff;
	[tilespmem:s0+$0x16B30] =	vst v52  }
0x37f: {  	v52 =	vmul.f32 v57, v8;
	v54 =	vadd.f32 v54, v45;
	[tilespmem:s1+$0x12900] =	vst v58;
	v57 =	vld.idx.msk [tilespmem:v38+s0+$0x30 ss:$0x1], $0xffff  }
0x380: {  	v55 =	vadd.f32 v55, v48;
	v58 =	vld.idx.msk [tilespmem:v7+s1+$0x0 ss:$0x1], $0xffff;
	[tilespmem:s1+$0x129D0] =	vst v50;
	v50 =	vmul.f32 v53, v34  }
0x381: {  	v52 =	vadd.f32 v52, v44;
	v53 =	vld.idx.msk [tilespmem:v9+s1+$0x50 ss:$0x1], $0xffff;
	[tilespmem:s1+$0x129E0] =	vst v54;
	v54 =	vmul.f32 v61, v8  }
0x382: {  	v56 =	vmul.f32 v56, v40;
	[tilespmem:s1+$0x12910] =	vst v55;
	v55 =	vld.idx.msk [tilespmem:v9+s1+$0x60 ss:$0x1], $0xffff;
	v50 =	vadd.f32 v50, v24  }
0x383: {  	v61 =	vld.idx.msk [tilespmem:v7+s1+$0x10 ss:$0x1], $0xffff;
	[tilespmem:s1+$0x129B0] =	vst v52;
	v52 =	vmul.f32 v62, v6;
	v54 =	vadd.f32 v54, v51  }
0x384: {  	v60 =	vmul.f32 v60, v31;
	v62 =	vld.idx.msk [tilespmem:v32+s0+$0x10 ss:$0x1], $0xffff;
	[tilespmem:s0+$0x16A40] =	vst v50;
	v50 =	vadd.f32 v56, v29  }
0x385: {  	v56 =	vld.idx.msk [tilespmem:v3+s1+$0x20 ss:$0x1], $0xffff;
	v52 =	vadd.f32 v52, v46;
	[tilespmem:s1+$0x129F0] =	vst v54;
	v54 =	vmul.f32 v57, v40  }
0x386: {  	v57 =	vmul.f32 v58, v8;
	v60 =	vadd.f32 v60, v42;
	v58 =	vld.idx.msk [tilespmem:v9+s1+$0x70 ss:$0x1], $0xffff;
	[tilespmem:s0+$0x16BF0] =	vst v50  }
0x387: {  	[tilespmem:s1+$0x12940] =	vst v52;
	v52 =	vmul.f32 v53, v10;
	v53 =	vadd.f32 v54, v25;
	v54 =	vld.idx.msk [tilespmem:v39+s0+$0x70 ss:$0x1], $0xffff  }
0x388: {  	v57 =	vadd.f32 v57, v49;
	v55 =	vmul.f32 v55, v10;
	v63 =	vld.idx.msk [tilespmem:v9+s1+$0x30 ss:$0x1], $0xffff;
	[tilespmem:s0+$0x169A0] =	vst v60  }
0x389: {  	v59 =	vmul.f32 v59, v36;
	v60 =	vmul.f32 v61, v8;
	v50 =	vld [tilespmem:s11+$0xA020];
	v52 =	vadd.f32 v52, v43;
	[tilespmem:s0+$0x16BB0] =	vst v53  }
0x38a: {  	v53 =	vadd.f32 v55, v45;
	v55 =	vmul.f32 v62, v34;
	[tilespmem:s1+$0x12980] =	vst v57;
	v57 =	vld.idx.msk [tilespmem:v33+s0+$0x40 ss:$0x1], $0xffff  }
0x38b: {  	v60 =	vadd.f32 v60, v48;
	v61 =	vld.idx.msk [tilespmem:v9+s1+$0x0 ss:$0x1], $0xffff;
	[tilespmem:s1+$0x12A50] =	vst v52;
	v52 =	vadd.f32 v59, v30  }
0x38c: {  	v55 =	vadd.f32 v55, v28;
	v59 =	vld.idx.msk [tilespmem:v11+s1+$0x50 ss:$0x1], $0xffff;
	[tilespmem:s1+$0x12A60] =	vst v53;
	v53 =	vmul.f32 v58, v10  }
0x38d: {  	v54 =	vmul.f32 v54, v41;
	[tilespmem:s1+$0x12990] =	vst v60;
	v58 =	vld.idx.msk [tilespmem:v11+s1+$0x60 ss:$0x1], $0xffff  }
0x38e: {  	v62 =	vmul.f32 v63, v10;
	v60 =	vld.idx.msk [tilespmem:v9+s1+$0x10 ss:$0x1], $0xffff;
	v53 =	vadd.f32 v53, v51;
	[tilespmem:s0+$0x16A10] =	vst v55  }
0x38f: {  	v55 =	vmul.f32 v56, v4;
	v54 =	vadd.f32 v54, v29;
	v29 =	vmov v51;
	[tilespmem:s0+$0x16A80] =	vst v52;
	v52 =	vld.idx.msk [tilespmem:v33+s0+$0x10 ss:$0x1], $0xffff  }
0x390: {  	v51 =	vadd.f32 v62, v44;
	v56 =	vmul.f32 v57, v36;
	[tilespmem:s1+$0x12A70] =	vst v53;
	v53 =	vld.idx.msk [tilespmem:v35+s0+$0x0 ss:$0x1], $0xffff  }
0x391: {  	v57 =	vmul.f32 v61, v10;
	v55 =	vadd.f32 v55, v50;
	v61 =	vld.idx.msk [tilespmem:v11+s1+$0x70 ss:$0x1], $0xffff;
	[tilespmem:s0+$0x16C70] =	vst v54  }
0x392: {  	v56 =	vadd.f32 v56, v24;
	[tilespmem:s1+$0x12A30] =	vst v51;
	v51 =	vmul.f32 v59, v12;
	v54 =	vld.idx.msk [tilespmem:v32+s0+$0x20 ss:$0x1], $0xffff  }
0x393: {  	v57 =	vadd.f32 v57, v49;
	v58 =	vmul.f32 v58, v12;
	[tilespmem:s1+$0x128A0] =	vst v55;
	v55 =	vld.idx.msk [tilespmem:v11+s1+$0x30 ss:$0x1], $0xffff  }
0x394: {  	v59 =	vmul.f32 v60, v10;
	v60 =	vld.idx.msk [tilespmem:v5+s1+$0x20 ss:$0x1], $0xffff;
	v51 =	vadd.f32 v51, v43;
	[tilespmem:s0+$0x16AC0] =	vst v56  }
0x395: {  	v52 =	vmul.f32 v52, v36;
	[tilespmem:s1+$0x12A00] =	vst v57;
	v56 =	vld.idx.msk [tilespmem:v7+s1+$0x40 ss:$0x1], $0xffff;
	v57 =	vadd.f32 v58, v45  }
0x396: {  	v59 =	vadd.f32 v59, v48;
	v58 =	vld.idx.msk [tilespmem:v11+s1+$0x0 ss:$0x1], $0xffff;
	[tilespmem:s1+$0x12AD0] =	vst v51;
	v51 =	vmul.f32 v53, v37  }
0x397: {  	v52 =	vadd.f32 v52, v28;
	v53 =	vld.idx.msk [tilespmem:v13+s1+$0x50 ss:$0x1], $0xffff;
	[tilespmem:s1+$0x12AE0] =	vst v57;
	v57 =	vmul.f32 v61, v12  }
0x398: {  	v54 =	vmul.f32 v54, v34;
	[tilespmem:s1+$0x12A10] =	vst v59;
	v59 =	vld.idx.msk [tilespmem:v13+s1+$0x60 ss:$0x1], $0xffff;
	v51 =	vadd.f32 v51, v30  }
0x399: {  	v55 =	vmul.f32 v55, v12;
	v61 =	vld.idx.msk [tilespmem:v11+s1+$0x10 ss:$0x1], $0xffff;
	v57 =	vadd.f32 v57, v29;
	[tilespmem:s0+$0x16A90] =	vst v52  }
0x39a: {  	v52 =	vmul.f32 v60, v6;
	v54 =	vadd.f32 v54, v42;
	[tilespmem:s0+$0x16B00] =	vst v51;
	v51 =	vld.idx.msk [tilespmem:v35+s0+$0x10 ss:$0x1], $0xffff  }
0x39b: {  	v55 =	vadd.f32 v55, v44;
	v56 =	vmul.f32 v56, v8;
	[tilespmem:s1+$0x12AF0] =	vst v57;
	v57 =	vld.idx.msk [tilespmem:v38+s0+$0x0 ss:$0x1], $0xffff  }
0x39c: {  	v58 =	vmul.f32 v58, v12;
	v52 =	vadd.f32 v52, v50;
	v60 =	vld.idx.msk [tilespmem:v13+s1+$0x70 ss:$0x1], $0xffff;
	[tilespmem:s0+$0x16A20] =	vst v54  }
0x39d: {  	v54 =	vadd.f32 v56, v46;
	v53 =	vmul.f32 v53, v14;
	[tilespmem:s1+$0x12AB0] =	vst v55;
	v55 =	vld.idx.msk [tilespmem:v33+s0+$0x20 ss:$0x1], $0xffff  }
0x39e: {  	v56 =	vadd.f32 v58, v49;
	v58 =	vmul.f32 v59, v14;
	[tilespmem:s1+$0x12920] =	vst v52;
	v52 =	vld.idx.msk [tilespmem:v13+s1+$0x30 ss:$0x1], $0xffff  }
0x39f: {  	v59 =	vmul.f32 v61, v12;
	v53 =	vadd.f32 v53, v43;
	v61 =	vld.idx.msk [tilespmem:v7+s1+$0x20 ss:$0x1], $0xffff;
	[tilespmem:s1+$0x129C0] =	vst v54  }
0x3a0: {  	v51 =	vmul.f32 v51, v37;
	[tilespmem:s1+$0x12A80] =	vst v56;
	v54 =	vld.idx.msk [tilespmem:v9+s1+$0x40 ss:$0x1], $0xffff;
	v56 =	vadd.f32 v58, v45  }
0x3a1: {  	v59 =	vadd.f32 v59, v48;
	v58 =	vld.idx.msk [tilespmem:v13+s1+$0x0 ss:$0x1], $0xffff;
	[tilespmem:s1+$0x12B50] =	vst v53;
	v53 =	vmul.f32 v57, v40  }
0x3a2: {  	v51 =	vadd.f32 v51, v28;
	v57 =	vld.idx.msk [tilespmem:v15+s1+$0x50 ss:$0x1], $0xffff;
	[tilespmem:s1+$0x12B60] =	vst v56;
	v56 =	vmul.f32 v60, v14  }
0x3a3: {  	v55 =	vmul.f32 v55, v36;
	[tilespmem:s1+$0x12A90] =	vst v59;
	v59 =	vld.idx.msk [tilespmem:v15+s1+$0x60 ss:$0x1], $0xffff;
	v53 =	vadd.f32 v53, v30  }
0x3a4: {  	v52 =	vmul.f32 v52, v14;
	v60 =	vld.idx.msk [tilespmem:v13+s1+$0x10 ss:$0x1], $0xffff;
	v56 =	vadd.f32 v56, v29;
	[tilespmem:s0+$0x16B10] =	vst v51  }
0x3a5: {  	v51 =	vmul.f32 v61, v8;
	v55 =	vadd.f32 v55, v42;
	[tilespmem:s0+$0x16B80] =	vst v53;
	v53 =	vld.idx.msk [tilespmem:v38+s0+$0x10 ss:$0x1], $0xffff  }
0x3a6: {  	v52 =	vadd.f32 v52, v44;
	v54 =	vmul.f32 v54, v10;
	[tilespmem:s1+$0x12B70] =	vst v56;
	v56 =	vld.idx.msk [tilespmem:v39+s0+$0x0 ss:$0x1], $0xffff  }
0x3a7: {  	v58 =	vmul.f32 v58, v14;
	v51 =	vadd.f32 v51, v50;
	v61 =	vld.idx.msk [tilespmem:v15+s1+$0x70 ss:$0x1], $0xffff;
	[tilespmem:s0+$0x16AA0] =	vst v55  }
0x3a8: {  	[tilespmem:s1+$0x12B30] =	vst v52;
	v52 =	vadd.f32 v54, v46;
	v54 =	vmul.f32 v57, v16;
	v55 =	vld.idx.msk [tilespmem:v35+s0+$0x20 ss:$0x1], $0xffff  }
0x3a9: {  	v57 =	vadd.f32 v58, v49;
	v58 =	vmul.f32 v59, v16;
	[tilespmem:s1+$0x129A0] =	vst v51;
	v51 =	vld.idx.msk [tilespmem:v15+s1+$0x30 ss:$0x1], $0xffff  }
0x3aa: {  	v59 =	vmul.f32 v60, v14;
	v60 =	vld.idx.msk [tilespmem:v9+s1+$0x20 ss:$0x1], $0xffff;
	[tilespmem:s1+$0x12A40] =	vst v52;
	v52 =	vadd.f32 v54, v43  }
0x3ab: {  	v53 =	vmul.f32 v53, v40;
	[tilespmem:s1+$0x12B00] =	vst v57;
	v54 =	vld.idx.msk [tilespmem:v11+s1+$0x40 ss:$0x1], $0xffff;
	v57 =	vadd.f32 v58, v45  }
0x3ac: {  	v59 =	vadd.f32 v59, v48;
	v58 =	vld.idx.msk [tilespmem:v15+s1+$0x0 ss:$0x1], $0xffff;
	[tilespmem:s1+$0x12BD0] =	vst v52;
	v52 =	vmul.f32 v56, v41  }
0x3ad: {  	v53 =	vadd.f32 v53, v28;
	v56 =	vld.idx.msk [tilespmem:v17+s1+$0x50 ss:$0x1], $0xffff;
	[tilespmem:s1+$0x12BE0] =	vst v57;
	v57 =	vmul.f32 v61, v16  }
0x3ae: {  	v55 =	vmul.f32 v55, v37;
	[tilespmem:s1+$0x12B10] =	vst v59;
	v59 =	vld.idx.msk [tilespmem:v17+s1+$0x60 ss:$0x1], $0xffff;
	v52 =	vadd.f32 v52, v30;
	v30 =	vmov v49  }
0x3af: {  	v51 =	vmul.f32 v51, v16;
	v49 =	vld.idx.msk [tilespmem:v15+s1+$0x10 ss:$0x1], $0xffff;
	v57 =	vadd.f32 v57, v29;
	[tilespmem:s0+$0x16B90] =	vst v53  }
0x3b0: {  	v53 =	vmul.f32 v60, v10;
	v55 =	vadd.f32 v55, v42;
	[tilespmem:s0+$0x16C00] =	vst v52;
	v52 =	vld.idx.msk [tilespmem:v39+s0+$0x10 ss:$0x1], $0xffff  }
0x3b1: {  	v51 =	vadd.f32 v51, v44;
	v54 =	vmul.f32 v54, v12;
	[tilespmem:s1+$0x12BF0] =	vst v57;
	v57 =	vld.idx.msk [tilespmem:v35+s0+$0x40 ss:$0x1], $0xffff  }
0x3b2: {  	v53 =	vadd.f32 v53, v50;
	v60 =	vld.idx.msk [tilespmem:v17+s1+$0x70 ss:$0x1], $0xffff;
	[tilespmem:s0+$0x16B20] =	vst v55  }
0x3b3: {  	[tilespmem:s1+$0x12BB0] =	vst v51;
	v51 =	vadd.f32 v54, v46;
	v54 =	vmul.f32 v56, v18;
	v55 =	vld.idx.msk [tilespmem:v38+s0+$0x20 ss:$0x1], $0xffff  }
0x3b4: {  	v56 =	vmul.f32 v59, v18;
	[tilespmem:s1+$0x12A20] =	vst v53;
	v53 =	vld.idx.msk [tilespmem:v17+s1+$0x30 ss:$0x1], $0xffff  }
0x3b5: {  	v58 =	vmul.f32 v58, v16;
	v59 =	vld.idx.msk [tilespmem:v11+s1+$0x20 ss:$0x1], $0xffff;
	[tilespmem:s1+$0x12AC0] =	vst v51;
	v51 =	vadd.f32 v54, v43  }
0x3b6: {  	v49 =	vmul.f32 v49, v16;
	v56 =	vadd.f32 v56, v45;
	v54 =	vld.idx.msk [tilespmem:v13+s1+$0x40 ss:$0x1], $0xffff;
	[tilespmem:s0+$0x16A60] =	vst v47  }
0x3b7: {  	v47 =	vadd.f32 v58, v30;
	[tilespmem:s1+$0x12C50] =	vst v51;
	v51 =	vmul.f32 v52, v41;
	v52 =	vld.idx.msk [tilespmem:v33+s0+$0x60 ss:$0x1], $0xffff  }
0x3b8: {  	v49 =	vadd.f32 v49, v48;
	v58 =	vld.idx.msk [tilespmem:v19+s1+$0x50 ss:$0x1], $0xffff;
	[tilespmem:s1+$0x12C60] =	vst v56;
	v56 =	vmul.f32 v60, v18  }
0x3b9: {  	[tilespmem:s1+$0x12B80] =	vst v47;
	v60 =	vld.idx.msk [tilespmem:v19+s1+$0x60 ss:$0x1], $0xffff;
	v47 =	vadd.f32 v51, v28;
	v51 =	vmul.f32 v55, v40;
	v28 =	vmov v48  }
0x3ba: {  	v48 =	vld.idx.msk [tilespmem:v17+s1+$0x0 ss:$0x1], $0xffff;
	[tilespmem:s1+$0x12B90] =	vst v49;
	v49 =	vmul.f32 v53, v18;
	v53 =	vadd.f32 v56, v29  }
0x3bb: {  	v56 =	vmul.f32 v59, v12;
	v55 =	vld.idx.msk [tilespmem:v17+s1+$0x10 ss:$0x1], $0xffff;
	[tilespmem:s0+$0x16C10] =	vst v47;
	v51 =	vadd.f32 v51, v42  }
0x3bc: {  	v54 =	vmul.f32 v54, v14;
	v49 =	vadd.f32 v49, v44;
	[tilespmem:s1+$0x12C70] =	vst v53;
	v47 =	vld.idx.msk [tilespmem:v39+s0+$0x30 ss:$0x1], $0xffff  }
0x3bd: {  	v53 =	vadd.f32 v56, v50;
	v56 =	vld.idx.msk [tilespmem:v19+s1+$0x70 ss:$0x1], $0xffff;
	[tilespmem:s0+$0x16BA0] =	vst v51;
	v51 =	vmul.f32 v52, v36  }
0x3be: {  	v52 =	vmul.f32 v58, v21;
	[tilespmem:s1+$0x12C30] =	vst v49;
	v49 =	vadd.f32 v54, v46;
	v54 =	vld.idx.msk [tilespmem:v39+s0+$0x20 ss:$0x1], $0xffff  }
0x3bf: {  	v58 =	vmul.f32 v60, v21;
	[tilespmem:s1+$0x12AA0] =	vst v53;
	v53 =	vld.idx.msk [tilespmem:v19+s1+$0x30 ss:$0x1], $0xffff;
	v51 =	vadd.f32 v51, v23  }
0x3c0: {  	v48 =	vmul.f32 v48, v18;
	v59 =	vld.idx.msk [tilespmem:v13+s1+$0x20 ss:$0x1], $0xffff;
	[tilespmem:s1+$0x12B40] =	vst v49;
	v49 =	vadd.f32 v52, v43  }
0x3c1: {  	v52 =	vmul.f32 v55, v18;
	v58 =	vadd.f32 v58, v45;
	v55 =	vld.idx.msk [tilespmem:v15+s1+$0x40 ss:$0x1], $0xffff;
	[tilespmem:s0+$0x16AE0] =	vst v51  }
0x3c2: {  	v48 =	vadd.f32 v48, v30;
	[tilespmem:s1+$0x168D0] =	vst v49;
	v49 =	vmul.f32 v57, v37;
	v51 =	vld.idx.msk [tilespmem:v35+s0+$0x60 ss:$0x1], $0xffff  }
0x3c3: {  	v52 =	vadd.f32 v52, v28;
	v56 =	vmul.f32 v56, v21;
	v57 =	vld.idx.msk [tilespmem:v22+s1+$0x50 ss:$0x1], $0xffff;
	[tilespmem:s1+$0x168E0] =	vst v58  }
0x3c4: {  	v54 =	vmul.f32 v54, v41;
	[tilespmem:s1+$0x12C00] =	vst v48;
	v48 =	vld.idx.msk [tilespmem:v22+s1+$0x60 ss:$0x1], $0xffff;
	v49 =	vadd.f32 v49, v24  }
0x3c5: {  	v58 =	vld.idx.msk [tilespmem:v19+s1+$0x0 ss:$0x1], $0xffff;
	[tilespmem:s1+$0x12C10] =	vst v52;
	v52 =	vmul.f32 v53, v21;
	v53 =	vadd.f32 v56, v29  }
0x3c6: {  	v59 =	vmul.f32 v59, v14;
	v54 =	vadd.f32 v54, v42;
	v42 =	vmov v50;
	v56 =	vld.idx.msk [tilespmem:v19+s1+$0x10 ss:$0x1], $0xffff;
	[tilespmem:s0+$0x16B40] =	vst v49  }
0x3c7: {  	v50 =	vmul.f32 v55, v16;
	v49 =	vadd.f32 v52, v44;
	[tilespmem:s1+$0x168F0] =	vst v53;
	v52 =	vld.idx.msk [tilespmem:v38+s0+$0x40 ss:$0x1], $0xffff  }
0x3c8: {  	v53 =	vadd.f32 v59, v42;
	v51 =	vmul.f32 v51, v37;
	v55 =	vld.idx.msk [tilespmem:v22+s1+$0x70 ss:$0x1], $0xffff;
	[tilespmem:s0+$0x16C20] =	vst v54  }
0x3c9: {  	[tilespmem:s1+$0x168B0] =	vst v49;
	v49 =	vadd.f32 v50, v46;
	v50 =	vmul.f32 v57, v26;
	v54 =	vld.idx.msk [tilespmem:v38+s0+$0x50 ss:$0x1], $0xffff  }
0x3ca: {  	v48 =	vmul.f32 v48, v26;
	v51 =	vadd.f32 v51, v23;
	[tilespmem:s1+$0x12B20] =	vst v53;
	v53 =	vld.idx.msk [tilespmem:v22+s1+$0x30 ss:$0x1], $0xffff  }
0x3cb: {  	v57 =	vmul.f32 v58, v21;
	v58 =	vld.idx.msk [tilespmem:v15+s1+$0x20 ss:$0x1], $0xffff;
	[tilespmem:s1+$0x12BC0] =	vst v49;
	v49 =	vadd.f32 v50, v43  }
0x3cc: {  	v50 =	vmul.f32 v56, v21;
	v48 =	vadd.f32 v48, v45;
	v56 =	vld.idx.msk [tilespmem:v17+s1+$0x40 ss:$0x1], $0xffff;
	[tilespmem:s0+$0x16B60] =	vst v51  }
0x3cd: {  	v51 =	vadd.f32 v57, v30;
	[tilespmem:s1+$0x16950] =	vst v49;
	v49 =	vmul.f32 v52, v40;
	v52 =	vld.idx.msk [tilespmem:v38+s0+$0x60 ss:$0x1], $0xffff  }
0x3ce: {  	v50 =	vadd.f32 v50, v28;
	v57 =	vld.idx.msk [tilespmem:v27+s1+$0x50 ss:$0x1], $0xffff;
	[tilespmem:s1+$0x16960] =	vst v48;
	v48 =	vmul.f32 v55, v26  }
0x3cf: {  	v54 =	vmul.f32 v54, v40;
	[tilespmem:s1+$0x16880] =	vst v51;
	v51 =	vld.idx.msk [tilespmem:v27+s1+$0x60 ss:$0x1], $0xffff;
	v49 =	vadd.f32 v49, v24  }
0x3d0: {  	v55 =	vld.idx.msk [tilespmem:v22+s1+$0x0 ss:$0x1], $0xffff;
	[tilespmem:s1+$0x16890] =	vst v50;
	v50 =	vmul.f32 v53, v26;
	v48 =	vadd.f32 v48, v29  }
0x3d1: {  	v58 =	vmul.f32 v58, v16;
	v53 =	vld.idx.msk [tilespmem:v22+s1+$0x10 ss:$0x1], $0xffff;
	[tilespmem:s0+$0x16BC0] =	vst v49;
	v49 =	vadd.f32 v54, v20  }
0x3d2: {  	v54 =	vmul.f32 v56, v18;
	v50 =	vadd.f32 v50, v44;
	[tilespmem:s1+$0x16970] =	vst v48;
	v48 =	vld.idx.msk [tilespmem:v39+s0+$0x40 ss:$0x1], $0xffff  }
0x3d3: {  	v56 =	vadd.f32 v58, v42;
	v58 =	vld.idx.msk [tilespmem:v27+s1+$0x70 ss:$0x1], $0xffff;
	[tilespmem:s0+$0x16BD0] =	vst v49;
	v49 =	vmul.f32 v52, v40  }
0x3d4: {  	v52 =	vmul.f32 v57, v31;
	[tilespmem:s1+$0x16930] =	vst v50;
	v50 =	vadd.f32 v54, v46;
	v54 =	vld.idx.msk [tilespmem:v39+s0+$0x50 ss:$0x1], $0xffff  }
0x3d5: {  	v51 =	vmul.f32 v51, v31;
	[tilespmem:s1+$0x12BA0] =	vst v56;
	v56 =	vld.idx.msk [tilespmem:v27+s1+$0x30 ss:$0x1], $0xffff;
	v49 =	vadd.f32 v49, v23  }
0x3d6: {  	v55 =	vmul.f32 v55, v26;
	v57 =	vld.idx.msk [tilespmem:v17+s1+$0x20 ss:$0x1], $0xffff;
	[tilespmem:s1+$0x12C40] =	vst v50;
	v50 =	vadd.f32 v52, v43  }
0x3d7: {  	v52 =	vmul.f32 v53, v26;
	v51 =	vadd.f32 v51, v45;
	v53 =	vld.idx.msk [tilespmem:v19+s1+$0x40 ss:$0x1], $0xffff;
	[tilespmem:s0+$0x16BE0] =	vst v49  }
0x3d8: {  	v49 =	vadd.f32 v55, v30;
	v48 =	vmul.f32 v48, v41;
	[tilespmem:s1+$0x169D0] =	vst v50;
	v50 =	vld.idx.msk [tilespmem:v39+s0+$0x60 ss:$0x1], $0xffff  }
0x3d9: {  	v52 =	vadd.f32 v52, v28;
	v55 =	vld.idx.msk [tilespmem:v32+s1+$0x50 ss:$0x1], $0xffff;
	[tilespmem:s1+$0x169E0] =	vst v51;
	v51 =	vmul.f32 v58, v31  }
0x3da: {  	v48 =	vadd.f32 v48, v24;
	v54 =	vmul.f32 v54, v41;
	v24 =	vmov v46;
	[tilespmem:s1+$0x16900] =	vst v49;
	v49 =	vld.idx.msk [tilespmem:v32+s1+$0x60 ss:$0x1], $0xffff  }
0x3db: {  	v46 =	vmul.f32 v56, v31;
	v58 =	vld.idx.msk [tilespmem:v27+s1+$0x0 ss:$0x1], $0xffff;
	[tilespmem:s1+$0x16910] =	vst v52;
	v51 =	vadd.f32 v51, v29  }
0x3dc: {  	v56 =	vmul.f32 v57, v18;
	v54 =	vadd.f32 v54, v20;
	v20 =	vmov v43;
	v52 =	vld.idx.msk [tilespmem:v27+s1+$0x10 ss:$0x1], $0xffff;
	[tilespmem:s0+$0x16C40] =	vst v48  }
0x3dd: {  	v47 =	vmul.f32 v47, v41;
	v43 =	vadd.f32 v46, v44;
	v46 =	vmul.f32 v53, v21;
	[tilespmem:s1+$0x169F0] =	vst v51  }
0x3de: {  	v51 =	vadd.f32 v56, v42;
	v50 =	vmul.f32 v50, v41;
	v48 =	vld.idx.msk [tilespmem:v32+s1+$0x70 ss:$0x1], $0xffff;
	[tilespmem:s0+$0x16C50] =	vst v54  }
.Ltmp1:
0x3df: {  	v53 =	vadd.f32 v46, v24;
	v54 =	vmul.f32 v55, v34;
	[tilespmem:s1+$0x169B0] =	vst v43;
	v43 =	vadd.f32 v47, v25;
	(pc) =	sbr.rel @p0 .LBB2_5-.Ltmp1, $4  }
0x3e0: {  	v47 =	vmul.f32 v49, v34;
	v49 =	vadd.f32 v50, v23;
	v23 =	vmov v45;
	[tilespmem:s1+$0x12C20] =	vst v51;
	v46 =	vld.idx.msk [tilespmem:v32+s1+$0x30 ss:$0x1], $0xffff  }
0x3e1: {  	v25 =	vmov v44;
	v51 =	vmul.f32 v58, v31;
	v45 =	vld.idx.msk [tilespmem:v19+s1+$0x20 ss:$0x1], $0xffff;
	[tilespmem:s1+$0x168C0] =	vst v53;
	v53 =	vadd.f32 v54, v20  }
0x3e2: {  	v50 =	vmul.f32 v52, v31;
	v47 =	vadd.f32 v47, v23;
	v44 =	vld.idx.msk [tilespmem:v22+s1+$0x40 ss:$0x1], $0xffff;
	[tilespmem:s0+$0x16C60] =	vst v49  }
0x3e3: {  	v49 =	vadd.f32 v51, v30;
	[tilespmem:s1+$0x16A50] =	vst v53  }
0x3e4: {  	_ =	sdelay $0x1  }
0x3e5: {  	v3 =	vmul.f32 v45, v21;
	_ =	sdelay $0x1  }
0x3e6: {  	v3 =	vadd.f32 v3, v42;
	_ =	sdelay $0x1  }
0x3e7: {  	[tilespmem:s1+$0x168A0] =	vst v3  }
0x3e8: {  	v3 =	vld.idx.msk [tilespmem:v22+s1+$0x20 ss:$0x1], $0xffff;
	_ =	sdelay $0x4  }
0x3e9: {  	v3 =	vmul.f32 v3, v26  }
0x3ea: {  	v4 =	vmul.f32 v44, v26  }
0x3eb: {  	v3 =	vadd.f32 v3, v42  }
0x3ec: {  	v4 =	vadd.f32 v4, v24  }
0x3ed: {  	[tilespmem:s1+$0x16920] =	vst v3  }
0x3ee: {  	[tilespmem:s1+$0x16940] =	vst v4;
	v3 =	vld.idx.msk [tilespmem:v27+s1+$0x20 ss:$0x1], $0xffff  }
0x3ef: {  	v4 =	vld.idx.msk [tilespmem:v27+s1+$0x40 ss:$0x1], $0xffff;
	_ =	sdelay $0x3  }
0x3f0: {  	[tilespmem:s1+$0x16980] =	vst v49;
	v3 =	vmul.f32 v3, v31  }
0x3f1: {  	v5 =	vadd.f32 v50, v28;
	v6 =	vld.idx.msk [tilespmem:v32+s1+$0x0 ss:$0x1], $0xffff;
	v4 =	vmul.f32 v4, v31  }
0x3f2: {  	v3 =	vadd.f32 v3, v42  }
0x3f3: {  	[tilespmem:s1+$0x16990] =	vst v5;
	v4 =	vadd.f32 v4, v24  }
0x3f4: {  	v5 =	vld.idx.msk [tilespmem:v32+s1+$0x10 ss:$0x1], $0xffff;
	[tilespmem:s1+$0x169A0] =	vst v3  }
0x3f5: {  	v7 =	vmul.f32 v48, v34;
	[tilespmem:s1+$0x169C0] =	vst v4;
	v3 =	vld.idx.msk [tilespmem:v32+s1+$0x20 ss:$0x1], $0xffff  }
0x3f6: {  	v6 =	vmul.f32 v6, v34;
	v4 =	vld.idx.msk [tilespmem:v32+s1+$0x40 ss:$0x1], $0xffff  }
0x3f7: {  	v17 =	vmul.f32 v46, v34;
	v7 =	vadd.f32 v7, v29  }
0x3f8: {  	v6 =	vadd.f32 v6, v30  }
0x3f9: {  	v18 =	vadd.f32 v17, v25;
	[tilespmem:s1+$0x16A70] =	vst v7;
	v5 =	vmul.f32 v5, v34  }
0x3fa: {  	v7 =	vld.idx.msk [tilespmem:v33+s1+$0x70 ss:$0x1], $0xffff;
	[tilespmem:s1+$0x16A00] =	vst v6;
	v3 =	vmul.f32 v3, v34  }
0x3fb: {  	[tilespmem:s1+$0x16A30] =	vst v18;
	v5 =	vadd.f32 v5, v28;
	v6 =	vld.idx.msk [tilespmem:v33+s1+$0x0 ss:$0x1], $0xffff;
	v4 =	vmul.f32 v4, v34  }
0x3fc: {  	[tilespmem:s1+$0x16A60] =	vst v47;
	v10 =	vld.idx.msk [tilespmem:v33+s1+$0x30 ss:$0x1], $0xffff;
	v3 =	vadd.f32 v3, v42  }
0x3fd: {  	v22 =	vld.idx.msk [tilespmem:v33+s1+$0x60 ss:$0x1], $0xffff;
	[tilespmem:s1+$0x16A10] =	vst v5;
	v4 =	vadd.f32 v4, v24  }
0x3fe: {  	v8 =	vld.idx.msk [tilespmem:v33+s1+$0x10 ss:$0x1], $0xffff;
	[tilespmem:s1+$0x16A20] =	vst v3  }
0x3ff: {  	v7 =	vmul.f32 v7, v36;
	[tilespmem:s1+$0x16A40] =	vst v4;
	v3 =	vld.idx.msk [tilespmem:v33+s1+$0x20 ss:$0x1], $0xffff  }
0x400: {  	v21 =	vmul.f32 v6, v36;
	v19 =	vld.idx.msk [tilespmem:v33+s1+$0x40 ss:$0x1], $0xffff  }
0x401: {  	v9 =	vld.idx.msk [tilespmem:v33+s1+$0x50 ss:$0x1], $0xffff;
	v7 =	vadd.f32 v7, v29  }
0x402: {  	v4 =	vadd.f32 v21, v30;
	v33 =	vmul.f32 v10, v36  }
0x403: {  	[tilespmem:s1+$0x16AF0] =	vst v7;
	v8 =	vmul.f32 v8, v36  }
0x404: {  	[tilespmem:s1+$0x16A80] =	vst v4;
	v44 =	vadd.f32 v33, v25;
	v3 =	vmul.f32 v3, v36  }
0x405: {  	v6 =	vmul.f32 v22, v36;
	v26 =	vadd.f32 v8, v28;
	v4 =	vld.idx.msk [tilespmem:v35+s1+$0x0 ss:$0x1], $0xffff;
	v5 =	vmul.f32 v19, v36  }
0x406: {  	v27 =	vmul.f32 v9, v36;
	v31 =	vld.idx.msk [tilespmem:v35+s1+$0x70 ss:$0x1], $0xffff;
	[tilespmem:s1+$0x16AB0] =	vst v44;
	v3 =	vadd.f32 v3, v42  }
0x407: {  	[tilespmem:s1+$0x16A90] =	vst v26;
	v5 =	vadd.f32 v5, v24;
	v36 =	vadd.f32 v6, v23;
	v6 =	vld.idx.msk [tilespmem:v35+s1+$0x30 ss:$0x1], $0xffff  }
0x408: {  	v32 =	vadd.f32 v27, v20;
	v34 =	vld.idx.msk [tilespmem:v35+s1+$0x10 ss:$0x1], $0xffff;
	[tilespmem:s1+$0x16AA0] =	vst v3  }
0x409: {  	[tilespmem:s1+$0x16AC0] =	vst v5;
	v3 =	vld.idx.msk [tilespmem:v35+s1+$0x20 ss:$0x1], $0xffff  }
0x40a: {  	[tilespmem:s1+$0x16AD0] =	vst v32;
	v4 =	vmul.f32 v4, v37;
	v45 =	vld.idx.msk [tilespmem:v35+s1+$0x40 ss:$0x1], $0xffff  }
0x40b: {  	v9 =	vmul.f32 v31, v37;
	v46 =	vld.idx.msk [tilespmem:v35+s1+$0x50 ss:$0x1], $0xffff;
	[tilespmem:s1+$0x16AE0] =	vst v36  }
0x40c: {  	v4 =	vadd.f32 v4, v30;
	v5 =	vld.idx.msk [tilespmem:v35+s1+$0x60 ss:$0x1], $0xffff;
	v6 =	vmul.f32 v6, v37  }
0x40d: {  	v9 =	vadd.f32 v9, v29;
	v10 =	vmul.f32 v34, v37  }
0x40e: {  	[tilespmem:s1+$0x16B00] =	vst v4;
	v6 =	vadd.f32 v6, v25;
	v3 =	vmul.f32 v3, v37  }
0x40f: {  	[tilespmem:s1+$0x16B70] =	vst v9;
	v47 =	vadd.f32 v10, v28;
	v4 =	vld.idx.msk [tilespmem:v38+s1+$0x0 ss:$0x1], $0xffff;
	v7 =	vmul.f32 v45, v37  }
0x410: {  	v48 =	vld.idx.msk [tilespmem:v38+s1+$0x70 ss:$0x1], $0xffff;
	v8 =	vmul.f32 v46, v37;
	[tilespmem:s1+$0x16B30] =	vst v6;
	v3 =	vadd.f32 v3, v42  }
0x411: {  	[tilespmem:s1+$0x16B10] =	vst v47;
	v7 =	vadd.f32 v7, v24;
	v5 =	vmul.f32 v5, v37;
	v6 =	vld.idx.msk [tilespmem:v38+s1+$0x30 ss:$0x1], $0xffff  }
0x412: {  	v8 =	vadd.f32 v8, v20;
	v9 =	vld.idx.msk [tilespmem:v38+s1+$0x10 ss:$0x1], $0xffff;
	[tilespmem:s1+$0x16B20] =	vst v3  }
0x413: {  	[tilespmem:s1+$0x16B40] =	vst v7;
	v5 =	vadd.f32 v5, v23;
	v3 =	vld.idx.msk [tilespmem:v38+s1+$0x20 ss:$0x1], $0xffff  }
0x414: {  	[tilespmem:s1+$0x16B50] =	vst v8;
	v4 =	vmul.f32 v4, v40;
	v7 =	vld.idx.msk [tilespmem:v38+s1+$0x40 ss:$0x1], $0xffff  }
0x415: {  	v49 =	vmul.f32 v48, v40;
	v50 =	vld.idx.msk [tilespmem:v38+s1+$0x50 ss:$0x1], $0xffff;
	[tilespmem:s1+$0x16B60] =	vst v5  }
0x416: {  	v4 =	vadd.f32 v4, v30;
	v5 =	vld.idx.msk [tilespmem:v38+s1+$0x60 ss:$0x1], $0xffff;
	v6 =	vmul.f32 v6, v40  }
0x417: {  	v8 =	vadd.f32 v49, v29;
	v9 =	vmul.f32 v9, v40  }
0x418: {  	[tilespmem:s1+$0x16B80] =	vst v4;
	v6 =	vadd.f32 v6, v25;
	v3 =	vmul.f32 v3, v40  }
0x419: {  	[tilespmem:s1+$0x16BF0] =	vst v8;
	v51 =	vadd.f32 v9, v28;
	v54 =	vld.idx.msk [tilespmem:v39+s1+$0x0 ss:$0x1], $0xffff;
	v7 =	vmul.f32 v7, v40  }
0x41a: {  	v52 =	vld.idx.msk [tilespmem:v39+s1+$0x70 ss:$0x1], $0xffff;
	v53 =	vmul.f32 v50, v40;
	[tilespmem:s1+$0x16BB0] =	vst v6;
	v3 =	vadd.f32 v3, v42  }
0x41b: {  	[tilespmem:s1+$0x16B90] =	vst v51;
	v7 =	vadd.f32 v7, v24;
	v5 =	vmul.f32 v5, v40;
	v59 =	vld.idx.msk [tilespmem:v39+s1+$0x30 ss:$0x1], $0xffff  }
0x41c: {  	v8 =	vld.idx.msk [tilespmem:v39+s1+$0x10 ss:$0x1], $0xffff;
	[tilespmem:s1+$0x16BA0] =	vst v3;
	v3 =	vadd.f32 v53, v20  }
0x41d: {  	[tilespmem:s1+$0x16BC0] =	vst v7;
	v5 =	vadd.f32 v5, v23;
	v55 =	vld.idx.msk [tilespmem:v39+s1+$0x20 ss:$0x1], $0xffff  }
0x41e: {  	v57 =	vmul.f32 v54, v41;
	v7 =	vld.idx.msk [tilespmem:v39+s1+$0x40 ss:$0x1], $0xffff;
	[tilespmem:s1+$0x16BD0] =	vst v3  }
0x41f: {  	[tilespmem:s1+$0x16BE0] =	vst v5;
	v3 =	vmul.f32 v52, v41;
	v56 =	vld.idx.msk [tilespmem:v39+s1+$0x50 ss:$0x1], $0xffff  }
0x420: {  	v5 =	vadd.f32 v57, v30;
	v58 =	vld.idx.msk [tilespmem:v39+s1+$0x60 ss:$0x1], $0xffff;
	v62 =	vmul.f32 v59, v41  }
0x421: {  	[tilespmem:s0+$0x16C30] =	vst v43;
	v8 =	vmul.f32 v8, v41;
	v3 =	vadd.f32 v3, v29  }
0x422: {  	[tilespmem:s1+$0x16C00] =	vst v5;
	v63 =	vadd.f32 v62, v25;
	v4 =	vmul.f32 v55, v41  }
0x423: {  	v7 =	vmul.f32 v7, v41;
	[tilespmem:s1+$0x16C70] =	vst v3;
	v3 =	vadd.f32 v8, v28  }
0x424: {  	s20 =	sadd.s32 $0x1, s20;
	[tilespmem:s1+$0x16C30] =	vst v63;
	v4 =	vadd.f32 v4, v42;
	v60 =	vmul.f32 v56, v41  }
0x425: {  	s31 =	sadd.s32 s5, s22;
	p0 =	sne.s32 s20, $0x10;
	v6 =	vmul.f32 v58, v41;
	[tilespmem:s1+$0x16C10] =	vst v3;
	v3 =	vadd.f32 v7, v24  }
.Ltmp2:
0x426: {  	s0 =	sshll.u32 s31, $0xB;
	[tilespmem:s1+$0x16C20] =	vst v4;
	v61 =	vadd.f32 v60, v20;
	(pc) =	sbr.rel @p0 .LBB2_2-.Ltmp2, $4  }
0x427: {  	s0 =	sadd.s32 s8, s0;
	[tilespmem:s1+$0x16C40] =	vst v3;
	v3 =	vadd.f32 v6, v23  }
0x428: {  	s0 =	sshrl.u32 s0, $0x3;
	[tilespmem:s1+$0x16C50] =	vst v61  }
0x429: {  	s0 =	sadd.s32 s2, s0;
	[tilespmem:s1+$0x16C60] =	vst v3  }
0x42a: {  	[hbm4b:s0+s3] =	stream.linear.scatter [tilespmem:s18], [sflag:$0x2], $0x8000, $0x38;
	[tilespmem:$0x1A880] =	vst v63  }
0x42b: {  	s19 =	sadd.s32 $0x1, s19  }
0x42c: {  	_ =	swait.ge [sflag:s15], $0x8000;
	p0 =	sne.s32 s19, s9  }
.Ltmp3:
0x42d: {  	[sflag:s15] =	ssyncset.done $0x0;
	(pc) =	sbr.rel @p0 .LBB2_1-.Ltmp3, $4  }
0x42e: {  	[sflag:s15] =	ssyncadd.s32 $0xFFFF8000  }
0x42f: {  	_ =	swait.ge [sflag:s16], $0x8000  }
0x430: {  	[sflag:s16] =	ssyncset.done $0x0  }
0x431: {  	[sflag:s16] =	ssyncadd.s32 $0xFFFF8000  }
0x432: {  	_ =	sfence.sel $0x180000  }
0x433: {  	[bflag:$0x0] =	sbarrier.arrive $0xFFFF  }
0x434: {  	_ =	strace $0x90000047  }
0x435: {  	s0 =	stileid.u32;
	[bflag:$0x2] =	sbarrier.arrive $0xFFFF  }
0x436: {  	p0 =	sne.s32 s0, $0x0;
	s0 =	rddreg [dreg:$0x3]  }
0x437: {  	s0 =	sadd.s32 @!p0 $0x100000, s0  }
0x438: {  	[sflag:s0] =	ssyncadd.tile.s32 @!p0 $0x1;
	_ =	shalt  }
.Lfunc_end2:
_tile_overlayer_lowered:
.L_overlay_start_2:
0x439: {  	(tag) =	ssettag $0x2  }
0x43a: {  	s0 =	rddreg [dreg:$0x0];
	s2 =	stileid.u32  }
0x43b: {  	s1 =	rddreg [dreg:$0x1];
	p0 =	sne.s32 s2, $0x0  }
0x43c: {  	s3 =	rddreg [dreg:$0x2];
	[bflag:$0x3] =	sbarrier.arrive $0xFFFF;
	s2 =	simm.s32 @!p0 $0x1C03  }
0x43d: {  	[timem:s3], [sflag:s2] =	dma.local @!p0 [hbm:s0], s1  }
0x43e: {  	s0 =	simm.s32 @!p0 $0x3  }
0x43f: {  	_ =	swait.ge @!p0 [sflag:s0], s1  }
0x440: {  	s1 =	ssub.s32 @!p0 $0x0, s1;
	[sflag:s0] =	ssyncset.done @!p0 $0x0  }
0x441: {  	[sflag:s0] =	ssyncadd.s32 @!p0 s1  }
0x442: {  	[bflag:$0x3] =	sbarrier.arrive $0xFFFF  }
0x443: {  	_ =	shalt  }

</sc_bundles>
